<compile_context>
chip_gen: v7x
topology: tpu7x:2x2x1
jax: 0.10.2.dev20260603
libtpu: 0.0.44.dev20260713+nightly
codegen_flags: <defaults>
</compile_context>

<pallas_src>
import functools

import jax
import jax.numpy as jnp
from jax import lax
from jax.experimental import pallas as pl
from jax.experimental.pallas import tpu as pltpu
from jax.experimental.pallas import tpu_sc as plsc

D = 128
C = 128
NC = 2
NS = 16
L = 16
NBUF = 3
FRAC1 = 0.33


def _decode(z, src, dst, cpw0, cpw1):
    e_pad = src.shape[0]
    mesh = plsc.VectorSubcoreMesh(core_axis_name="c", subcore_axis_name="s")

    @functools.partial(
        pl.kernel,
        mesh=mesh,
        compiler_params=pltpu.CompilerParams(needs_layout_passes=False),
        out_type=jax.ShapeDtypeStruct((e_pad,), jnp.float32),
        scratch_types=(
            [pltpu.VMEM((C,), jnp.int32) for _ in range(2 * NBUF)]
            + [pltpu.VMEM((C, D), jnp.float32) for _ in range(2 * NBUF)]
            + [pltpu.VMEM((C,), jnp.float32) for _ in range(NBUF)]
            + [pltpu.SemaphoreType.DMA for _ in range(3 * NBUF)]
        ),
    )
    def kern(z_hbm, src_hbm, dst_hbm, out_hbm,
             sidx0, sidx1, sidx2, didx0, didx1, didx2,
             sr0, sr1, sr2, dr0, dr1, dr2, ov0, ov1, ov2,
             gs0, gs1, gs2, gd0, gd1, gd2, os0, os1, os2):
        sidx = (sidx0, sidx1, sidx2)
        didx = (didx0, didx1, didx2)
        srows = (sr0, sr1, sr2)
        drows = (dr0, dr1, dr2)
        outv = (ov0, ov1, ov2)
        gsem = (gs0, gs1, gs2)
        dsem = (gd0, gd1, gd2)
        osem = (os0, os1, os2)

        c = lax.axis_index("c")
        s = lax.axis_index("s")
        cpw = jnp.where(c == 0, cpw0, cpw1)
        base_chunk = jnp.where(c == 0, s * cpw0, NS * cpw0 + s * cpw1)
        base0 = base_chunk * C
        lane = lax.broadcasted_iota(jnp.int32, (L,), 0)

        def stage(j, b):
            off = base0 + j * C
            pltpu.sync_copy(src_hbm.at[pl.ds(off, C)], sidx[b])
            pltpu.sync_copy(dst_hbm.at[pl.ds(off, C)], didx[b])
            pltpu.async_copy(z_hbm.at[sidx[b]], srows[b], gsem[b])
            pltpu.async_copy(z_hbm.at[didx[b]], drows[b], dsem[b])

        def compute(b):
            def group_body(g, carry2):
                def quad(q, res):
                    for i in range(4):
                        e = g * L + q * 4 + i
                        acc = (srows[b][e, pl.ds(0, L)]
                               * drows[b][e, pl.ds(0, L)])
                        for k8 in range(1, D // L):
                            a = srows[b][e, pl.ds(k8 * L, L)]
                            bb = drows[b][e, pl.ds(k8 * L, L)]
                            acc = acc + a * bb
                        res = jnp.where(lane == q * 4 + i, jnp.sum(acc), res)
                    return res

                res = lax.fori_loop(0, 4, quad, jnp.zeros((L,), jnp.float32))
                outv[b][pl.ds(g * L, L)] = res
                return carry2

            lax.fori_loop(0, C // L, group_body, 0)

        for b in range(NBUF):
            stage(b, b)

        def loop_body(i, carry):
            for b in range(NBUF):
                j = i * NBUF + b
                pltpu.make_async_copy(z_hbm.at[sidx[b]], srows[b],
                                      gsem[b]).wait()
                pltpu.make_async_copy(z_hbm.at[didx[b]], drows[b],
                                      dsem[b]).wait()

                @pl.when(j >= NBUF)
                def _():
                    pltpu.make_async_copy(outv[b],
                                          out_hbm.at[pl.ds(base0, C)],
                                          osem[b]).wait()

                compute(b)
                off = base0 + j * C
                pltpu.async_copy(outv[b], out_hbm.at[pl.ds(off, C)], osem[b])

                nj = j + NBUF

                @pl.when(nj < cpw)
                def _():
                    stage(nj, b)
            return carry

        lax.fori_loop(0, cpw // NBUF, loop_body, 0)

        for b in range(NBUF):
            pltpu.make_async_copy(outv[b], out_hbm.at[pl.ds(base0, C)],
                                  osem[b]).wait()

    return kern(z, src, dst)


def kernel(features, graph, pos_edge, neg_edge):
    z = features[-1]
    edge = jnp.concatenate([pos_edge, neg_edge], axis=-1)
    e = edge.shape[1]
    unit = NS * C * NBUF
    t = -(-e // unit) * NBUF
    cpw1 = max(NBUF, int(t * FRAC1 / NBUF) * NBUF)
    cpw0 = t - cpw1
    e_pad = NS * t * C
    src = jnp.pad(edge[0], (0, e_pad - e))
    dst = jnp.pad(edge[1], (0, e_pad - e))
    out = _decode(z, src, dst, cpw0, cpw1)
    return out[:e]

# --- scband reference (transcript-rebuilt; emitter-appended) ---
"""Pipeline reference for scband-dot-product-link-predicton-decoder-36670430773838 (READ-ONLY COPY).

The authoritative reference and input builder live on the scoring server;
editing this copy changes nothing except your own understanding.
"""

import jax, jax.numpy as jnp
import numpy as np

N_NODES = 100000
D_FEAT = 128
E_POS = 300000
E_NEG = 300000


def setup_inputs(seed: int = 0) -> dict:
    key = jax.random.key(seed)
    k1, k2, k3 = jax.random.split(key, 3)
    features = jax.random.normal(k1, (1, N_NODES, D_FEAT), dtype=jnp.float32)
    graph = jnp.zeros((1,), dtype=jnp.float32)  # unused placeholder for graph arg
    pos_edge = jax.random.randint(k2, (2, E_POS), 0, N_NODES, dtype=jnp.int32)
    neg_edge = jax.random.randint(k3, (2, E_NEG), 0, N_NODES, dtype=jnp.int32)
    return {"features": features, "graph": graph, "pos_edge": pos_edge, "neg_edge": neg_edge}


def reference(features, graph, pos_edge, neg_edge):
    # features is a stack of layer outputs; use the last one (features[-1])
    z = features[-1]
    edge_index = jnp.concatenate([pos_edge, neg_edge], axis=-1)
    src = jnp.take(z, edge_index[0], axis=0)
    dst = jnp.take(z, edge_index[1], axis=0)
    logits = (src * dst).sum(axis=-1)
    return logits

if __name__ == "__main__":
    import jax
    _d = setup_inputs()
    print(jax.jit(kernel)(*tuple(_d.values())))

</pallas_src>

<mosaic_0001>
#map = affine_map<(d0, d1) -> (0, 0)>
#map1 = affine_map<(d0, d1) -> (0)>
module attributes {stable_mosaic.version = 14 : i64} {
  func.func @kern(%arg0: i32, %arg1: i32, %arg2: memref<100000x128xf32, #tpu.memory_space<hbm>>, %arg3: memref<602112xi32, #tpu.memory_space<hbm>>, %arg4: memref<602112xi32, #tpu.memory_space<hbm>>, %arg5: memref<602112xf32, #tpu.memory_space<hbm>>, %arg6: memref<128xi32, #tpu.memory_space<vmem>>, %arg7: memref<128xi32, #tpu.memory_space<vmem>>, %arg8: memref<128xi32, #tpu.memory_space<vmem>>, %arg9: memref<128xi32, #tpu.memory_space<vmem>>, %arg10: memref<128xi32, #tpu.memory_space<vmem>>, %arg11: memref<128xi32, #tpu.memory_space<vmem>>, %arg12: memref<128x128xf32, #tpu.memory_space<vmem>>, %arg13: memref<128x128xf32, #tpu.memory_space<vmem>>, %arg14: memref<128x128xf32, #tpu.memory_space<vmem>>, %arg15: memref<128x128xf32, #tpu.memory_space<vmem>>, %arg16: memref<128x128xf32, #tpu.memory_space<vmem>>, %arg17: memref<128x128xf32, #tpu.memory_space<vmem>>, %arg18: memref<128xf32, #tpu.memory_space<vmem>>, %arg19: memref<128xf32, #tpu.memory_space<vmem>>, %arg20: memref<128xf32, #tpu.memory_space<vmem>>, %arg21: memref<!tpu.dma_semaphore, #tpu.memory_space<semaphore_mem>>, %arg22: memref<!tpu.dma_semaphore, #tpu.memory_space<semaphore_mem>>, %arg23: memref<!tpu.dma_semaphore, #tpu.memory_space<semaphore_mem>>, %arg24: memref<!tpu.dma_semaphore, #tpu.memory_space<semaphore_mem>>, %arg25: memref<!tpu.dma_semaphore, #tpu.memory_space<semaphore_mem>>, %arg26: memref<!tpu.dma_semaphore, #tpu.memory_space<semaphore_mem>>, %arg27: memref<!tpu.dma_semaphore, #tpu.memory_space<semaphore_mem>>, %arg28: memref<!tpu.dma_semaphore, #tpu.memory_space<semaphore_mem>>, %arg29: memref<!tpu.dma_semaphore, #tpu.memory_space<semaphore_mem>>) attributes {dimension_semantics = [#tpu.dimension_semantics<core_parallel>, #tpu.dimension_semantics<subcore_parallel>], iteration_bounds = array<i64: 2, 16>, scalar_prefetch = 0 : i64, scratch_operands = 24 : i64, tpu.core_type = #tpu.core_type<sc_vector_subcore>, window_params = [{transform_indices = #map}, {transform_indices = #map1}, {transform_indices = #map1}, {transform_indices = #map1}]} {
    %eq3A = arith.constant 0 : i32
    %eq3A_0 = arith.cmpi eq, %arg0, %eq3A : i32
    %jit3A = arith.constant 198 : i32
    %jit3A_1 = arith.constant 96 : i32
    %select_n3A = arith.select %eq3A_0, %jit3A, %jit3A_1 : i32
    %eq3A_2 = arith.constant 0 : i32
    %eq3A_3 = arith.cmpi eq, %arg0, %eq3A_2 : i32
    %mul3A = arith.constant 198 : i32
    %mul3A_4 = arith.muli %arg1, %mul3A : i32
    %mul3A_5 = arith.constant 96 : i32
    %mul3A_6 = arith.muli %arg1, %mul3A_5 : i32
    %add3A = arith.constant 3168 : i32
    %add3A_7 = arith.addi %add3A, %mul3A_6 : i32
    %select_n3A_8 = arith.select %eq3A_3, %mul3A_4, %add3A_7 : i32
    %mul3A_9 = arith.constant 128 : i32
    %mul3A_10 = arith.muli %select_n3A_8, %mul3A_9 : i32
    %iota3A = tpu.iota {dimensions = array<i32: 0>} : vector<16xi32>
    %add3A_11 = arith.constant 0 : i32
    %add3A_12 = arith.addi %mul3A_10, %add3A_11 : i32
    "tpu.region"() ({
      %run_scoped3A = tpu.sem_alloc : memref<!tpu.dma_semaphore, #tpu.memory_space<semaphore_mem>>
      %dma_start3A_66 = tpu.memref_slice %arg3[%add3A_12] : memref<602112xi32, #tpu.memory_space<hbm>> -> memref<128xi32, #tpu.memory_space<hbm>>
      %dma_start3A_67 = tpu.memref_slice %arg3[%add3A_12] : memref<602112xi32, #tpu.memory_space<hbm>> -> memref<128xi32, #tpu.memory_space<hbm>>
      tpu.enqueue_dma source(%dma_start3A_67 : memref<128xi32, #tpu.memory_space<hbm>>) target(%arg6 : memref<128xi32, #tpu.memory_space<vmem>>) target_semaphore(%run_scoped3A : memref<!tpu.dma_semaphore, #tpu.memory_space<semaphore_mem>>)
      %dma_wait3A_68 = tpu.memref_slice %arg3[%add3A_12] : memref<602112xi32, #tpu.memory_space<hbm>> -> memref<128xi32, #tpu.memory_space<hbm>>
      %dma_wait3A_69 = tpu.memref_slice %arg3[%add3A_12] : memref<602112xi32, #tpu.memory_space<hbm>> -> memref<128xi32, #tpu.memory_space<hbm>>
      tpu.wait_dma2 semaphore(%run_scoped3A : memref<!tpu.dma_semaphore, #tpu.memory_space<semaphore_mem>>) src(%dma_wait3A_69 : memref<128xi32, #tpu.memory_space<hbm>>) dst(%arg6 : memref<128xi32, #tpu.memory_space<vmem>>)
      tpu.yield
    }) : () -> ()
    "tpu.region"() ({
      %run_scoped3A = tpu.sem_alloc : memref<!tpu.dma_semaphore, #tpu.memory_space<semaphore_mem>>
      %dma_start3A_66 = tpu.memref_slice %arg4[%add3A_12] : memref<602112xi32, #tpu.memory_space<hbm>> -> memref<128xi32, #tpu.memory_space<hbm>>
      %dma_start3A_67 = tpu.memref_slice %arg4[%add3A_12] : memref<602112xi32, #tpu.memory_space<hbm>> -> memref<128xi32, #tpu.memory_space<hbm>>
      tpu.enqueue_dma source(%dma_start3A_67 : memref<128xi32, #tpu.memory_space<hbm>>) target(%arg9 : memref<128xi32, #tpu.memory_space<vmem>>) target_semaphore(%run_scoped3A : memref<!tpu.dma_semaphore, #tpu.memory_space<semaphore_mem>>)
      %dma_wait3A_68 = tpu.memref_slice %arg4[%add3A_12] : memref<602112xi32, #tpu.memory_space<hbm>> -> memref<128xi32, #tpu.memory_space<hbm>>
      %dma_wait3A_69 = tpu.memref_slice %arg4[%add3A_12] : memref<602112xi32, #tpu.memory_space<hbm>> -> memref<128xi32, #tpu.memory_space<hbm>>
      tpu.wait_dma2 semaphore(%run_scoped3A : memref<!tpu.dma_semaphore, #tpu.memory_space<semaphore_mem>>) src(%dma_wait3A_69 : memref<128xi32, #tpu.memory_space<hbm>>) dst(%arg9 : memref<128xi32, #tpu.memory_space<vmem>>)
      tpu.yield
    }) : () -> ()
    %dma_start3A = arith.constant 0 : i32
    %dma_start3A_13 = arith.constant 0 : i32
    %dma_start3A_14 = tpu.memref_slice %arg2[%dma_start3A, %dma_start3A_13] : memref<100000x128xf32, #tpu.memory_space<hbm>> -> memref<100000x128xf32, #tpu.memory_space<hbm>>
    tpu.enqueue_indirect_dma source(%dma_start3A_14 : memref<100000x128xf32, #tpu.memory_space<hbm>>) target(%arg12 : memref<128x128xf32, #tpu.memory_space<vmem>>) offsets(%arg6 : memref<128xi32, #tpu.memory_space<vmem>>) semaphore(%arg21 : memref<!tpu.dma_semaphore, #tpu.memory_space<semaphore_mem>>)
    %dma_start3A_15 = arith.constant 0 : i32
    %dma_start3A_16 = arith.constant 0 : i32
    %dma_start3A_17 = tpu.memref_slice %arg2[%dma_start3A_15, %dma_start3A_16] : memref<100000x128xf32, #tpu.memory_space<hbm>> -> memref<100000x128xf32, #tpu.memory_space<hbm>>
    tpu.enqueue_indirect_dma source(%dma_start3A_17 : memref<100000x128xf32, #tpu.memory_space<hbm>>) target(%arg15 : memref<128x128xf32, #tpu.memory_space<vmem>>) offsets(%arg9 : memref<128xi32, #tpu.memory_space<vmem>>) semaphore(%arg24 : memref<!tpu.dma_semaphore, #tpu.memory_space<semaphore_mem>>)
    %add3A_18 = arith.constant 128 : i32
    %add3A_19 = arith.addi %mul3A_10, %add3A_18 : i32
    "tpu.region"() ({
      %run_scoped3A = tpu.sem_alloc : memref<!tpu.dma_semaphore, #tpu.memory_space<semaphore_mem>>
      %dma_start3A_66 = tpu.memref_slice %arg3[%add3A_19] : memref<602112xi32, #tpu.memory_space<hbm>> -> memref<128xi32, #tpu.memory_space<hbm>>
      %dma_start3A_67 = tpu.memref_slice %arg3[%add3A_19] : memref<602112xi32, #tpu.memory_space<hbm>> -> memref<128xi32, #tpu.memory_space<hbm>>
      tpu.enqueue_dma source(%dma_start3A_67 : memref<128xi32, #tpu.memory_space<hbm>>) target(%arg7 : memref<128xi32, #tpu.memory_space<vmem>>) target_semaphore(%run_scoped3A : memref<!tpu.dma_semaphore, #tpu.memory_space<semaphore_mem>>)
      %dma_wait3A_68 = tpu.memref_slice %arg3[%add3A_19] : memref<602112xi32, #tpu.memory_space<hbm>> -> memref<128xi32, #tpu.memory_space<hbm>>
      %dma_wait3A_69 = tpu.memref_slice %arg3[%add3A_19] : memref<602112xi32, #tpu.memory_space<hbm>> -> memref<128xi32, #tpu.memory_space<hbm>>
      tpu.wait_dma2 semaphore(%run_scoped3A : memref<!tpu.dma_semaphore, #tpu.memory_space<semaphore_mem>>) src(%dma_wait3A_69 : memref<128xi32, #tpu.memory_space<hbm>>) dst(%arg7 : memref<128xi32, #tpu.memory_space<vmem>>)
      tpu.yield
    }) : () -> ()
    "tpu.region"() ({
      %run_scoped3A = tpu.sem_alloc : memref<!tpu.dma_semaphore, #tpu.memory_space<semaphore_mem>>
      %dma_start3A_66 = tpu.memref_slice %arg4[%add3A_19] : memref<602112xi32, #tpu.memory_space<hbm>> -> memref<128xi32, #tpu.memory_space<hbm>>
      %dma_start3A_67 = tpu.memref_slice %arg4[%add3A_19] : memref<602112xi32, #tpu.memory_space<hbm>> -> memref<128xi32, #tpu.memory_space<hbm>>
      tpu.enqueue_dma source(%dma_start3A_67 : memref<128xi32, #tpu.memory_space<hbm>>) target(%arg10 : memref<128xi32, #tpu.memory_space<vmem>>) target_semaphore(%run_scoped3A : memref<!tpu.dma_semaphore, #tpu.memory_space<semaphore_mem>>)
      %dma_wait3A_68 = tpu.memref_slice %arg4[%add3A_19] : memref<602112xi32, #tpu.memory_space<hbm>> -> memref<128xi32, #tpu.memory_space<hbm>>
      %dma_wait3A_69 = tpu.memref_slice %arg4[%add3A_19] : memref<602112xi32, #tpu.memory_space<hbm>> -> memref<128xi32, #tpu.memory_space<hbm>>
      tpu.wait_dma2 semaphore(%run_scoped3A : memref<!tpu.dma_semaphore, #tpu.memory_space<semaphore_mem>>) src(%dma_wait3A_69 : memref<128xi32, #tpu.memory_space<hbm>>) dst(%arg10 : memref<128xi32, #tpu.memory_space<vmem>>)
      tpu.yield
    }) : () -> ()
    %dma_start3A_20 = arith.constant 0 : i32
    %dma_start3A_21 = arith.constant 0 : i32
    %dma_start3A_22 = tpu.memref_slice %arg2[%dma_start3A_20, %dma_start3A_21] : memref<100000x128xf32, #tpu.memory_space<hbm>> -> memref<100000x128xf32, #tpu.memory_space<hbm>>
    tpu.enqueue_indirect_dma source(%dma_start3A_22 : memref<100000x128xf32, #tpu.memory_space<hbm>>) target(%arg13 : memref<128x128xf32, #tpu.memory_space<vmem>>) offsets(%arg7 : memref<128xi32, #tpu.memory_space<vmem>>) semaphore(%arg22 : memref<!tpu.dma_semaphore, #tpu.memory_space<semaphore_mem>>)
    %dma_start3A_23 = arith.constant 0 : i32
    %dma_start3A_24 = arith.constant 0 : i32
    %dma_start3A_25 = tpu.memref_slice %arg2[%dma_start3A_23, %dma_start3A_24] : memref<100000x128xf32, #tpu.memory_space<hbm>> -> memref<100000x128xf32, #tpu.memory_space<hbm>>
    tpu.enqueue_indirect_dma source(%dma_start3A_25 : memref<100000x128xf32, #tpu.memory_space<hbm>>) target(%arg16 : memref<128x128xf32, #tpu.memory_space<vmem>>) offsets(%arg10 : memref<128xi32, #tpu.memory_space<vmem>>) semaphore(%arg25 : memref<!tpu.dma_semaphore, #tpu.memory_space<semaphore_mem>>)
    %add3A_26 = arith.constant 256 : i32
    %add3A_27 = arith.addi %mul3A_10, %add3A_26 : i32
    "tpu.region"() ({
      %run_scoped3A = tpu.sem_alloc : memref<!tpu.dma_semaphore, #tpu.memory_space<semaphore_mem>>
      %dma_start3A_66 = tpu.memref_slice %arg3[%add3A_27] : memref<602112xi32, #tpu.memory_space<hbm>> -> memref<128xi32, #tpu.memory_space<hbm>>
      %dma_start3A_67 = tpu.memref_slice %arg3[%add3A_27] : memref<602112xi32, #tpu.memory_space<hbm>> -> memref<128xi32, #tpu.memory_space<hbm>>
      tpu.enqueue_dma source(%dma_start3A_67 : memref<128xi32, #tpu.memory_space<hbm>>) target(%arg8 : memref<128xi32, #tpu.memory_space<vmem>>) target_semaphore(%run_scoped3A : memref<!tpu.dma_semaphore, #tpu.memory_space<semaphore_mem>>)
      %dma_wait3A_68 = tpu.memref_slice %arg3[%add3A_27] : memref<602112xi32, #tpu.memory_space<hbm>> -> memref<128xi32, #tpu.memory_space<hbm>>
      %dma_wait3A_69 = tpu.memref_slice %arg3[%add3A_27] : memref<602112xi32, #tpu.memory_space<hbm>> -> memref<128xi32, #tpu.memory_space<hbm>>
      tpu.wait_dma2 semaphore(%run_scoped3A : memref<!tpu.dma_semaphore, #tpu.memory_space<semaphore_mem>>) src(%dma_wait3A_69 : memref<128xi32, #tpu.memory_space<hbm>>) dst(%arg8 : memref<128xi32, #tpu.memory_space<vmem>>)
      tpu.yield
    }) : () -> ()
    "tpu.region"() ({
      %run_scoped3A = tpu.sem_alloc : memref<!tpu.dma_semaphore, #tpu.memory_space<semaphore_mem>>
      %dma_start3A_66 = tpu.memref_slice %arg4[%add3A_27] : memref<602112xi32, #tpu.memory_space<hbm>> -> memref<128xi32, #tpu.memory_space<hbm>>
      %dma_start3A_67 = tpu.memref_slice %arg4[%add3A_27] : memref<602112xi32, #tpu.memory_space<hbm>> -> memref<128xi32, #tpu.memory_space<hbm>>
      tpu.enqueue_dma source(%dma_start3A_67 : memref<128xi32, #tpu.memory_space<hbm>>) target(%arg11 : memref<128xi32, #tpu.memory_space<vmem>>) target_semaphore(%run_scoped3A : memref<!tpu.dma_semaphore, #tpu.memory_space<semaphore_mem>>)
      %dma_wait3A_68 = tpu.memref_slice %arg4[%add3A_27] : memref<602112xi32, #tpu.memory_space<hbm>> -> memref<128xi32, #tpu.memory_space<hbm>>
      %dma_wait3A_69 = tpu.memref_slice %arg4[%add3A_27] : memref<602112xi32, #tpu.memory_space<hbm>> -> memref<128xi32, #tpu.memory_space<hbm>>
      tpu.wait_dma2 semaphore(%run_scoped3A : memref<!tpu.dma_semaphore, #tpu.memory_space<semaphore_mem>>) src(%dma_wait3A_69 : memref<128xi32, #tpu.memory_space<hbm>>) dst(%arg11 : memref<128xi32, #tpu.memory_space<vmem>>)
      tpu.yield
    }) : () -> ()
    %dma_start3A_28 = arith.constant 0 : i32
    %dma_start3A_29 = arith.constant 0 : i32
    %dma_start3A_30 = tpu.memref_slice %arg2[%dma_start3A_28, %dma_start3A_29] : memref<100000x128xf32, #tpu.memory_space<hbm>> -> memref<100000x128xf32, #tpu.memory_space<hbm>>
    tpu.enqueue_indirect_dma source(%dma_start3A_30 : memref<100000x128xf32, #tpu.memory_space<hbm>>) target(%arg14 : memref<128x128xf32, #tpu.memory_space<vmem>>) offsets(%arg8 : memref<128xi32, #tpu.memory_space<vmem>>) semaphore(%arg23 : memref<!tpu.dma_semaphore, #tpu.memory_space<semaphore_mem>>)
    %dma_start3A_31 = arith.constant 0 : i32
    %dma_start3A_32 = arith.constant 0 : i32
    %dma_start3A_33 = tpu.memref_slice %arg2[%dma_start3A_31, %dma_start3A_32] : memref<100000x128xf32, #tpu.memory_space<hbm>> -> memref<100000x128xf32, #tpu.memory_space<hbm>>
    tpu.enqueue_indirect_dma source(%dma_start3A_33 : memref<100000x128xf32, #tpu.memory_space<hbm>>) target(%arg17 : memref<128x128xf32, #tpu.memory_space<vmem>>) offsets(%arg11 : memref<128xi32, #tpu.memory_space<vmem>>) semaphore(%arg26 : memref<!tpu.dma_semaphore, #tpu.memory_space<semaphore_mem>>)
    %jit3A_34 = arith.constant 3 : i32
    %div3A = arith.divsi %select_n3A, %jit3A_34 : i32
    %sign3A = arith.constant 0 : i32
    %sign3A_35 = arith.cmpi sgt, %select_n3A, %sign3A : i32
    %sign3A_36 = arith.extui %sign3A_35 : i1 to i32
    %sign3A_37 = arith.constant 0 : i32
    %sign3A_38 = arith.cmpi slt, %select_n3A, %sign3A_37 : i32
    %sign3A_39 = arith.extui %sign3A_38 : i1 to i32
    %sign3A_40 = arith.subi %sign3A_36, %sign3A_39 : i32
    %sign3A_41 = arith.constant 0 : i32
    %sign3A_42 = arith.cmpi sgt, %jit3A_34, %sign3A_41 : i32
    %sign3A_43 = arith.extui %sign3A_42 : i1 to i32
    %sign3A_44 = arith.constant 0 : i32
    %sign3A_45 = arith.cmpi slt, %jit3A_34, %sign3A_44 : i32
    %sign3A_46 = arith.extui %sign3A_45 : i1 to i32
    %sign3A_47 = arith.subi %sign3A_43, %sign3A_46 : i32
    %ne3A = arith.cmpi ne, %sign3A_40, %sign3A_47 : i32
    %rem3A = arith.remsi %select_n3A, %jit3A_34 : i32
    %ne3A_48 = arith.constant 0 : i32
    %ne3A_49 = arith.cmpi ne, %rem3A, %ne3A_48 : i32
    %and3A = arith.andi %ne3A, %ne3A_49 : i1
    %sub3A = arith.constant 1 : i32
    %sub3A_50 = arith.subi %div3A, %sub3A : i32
    %select_n3A_51 = arith.select %and3A, %sub3A_50, %div3A : i32
    %while3A = arith.constant 0 : i32
    %while3A_52 = arith.constant 0 : i32
    %while3A_53 = arith.subi %select_n3A_51, %while3A_52 : i32
    %while3A_54 = arith.addi %while3A_52, %while3A_53 : i32
    %while3A_55 = arith.constant 1 : i32
    %while3A_56 = arith.divsi %while3A_53, %while3A_55 : i32
    %while3A_57 = arith.muli %while3A_56, %while3A_55 : i32
    %while3A_58 = arith.addi %while3A_52, %while3A_57 : i32
    %while3A_59 = arith.constant 1 : i32
    scf.for %while3A_66 = %while3A_52 to %while3A_58 step %while3A_59  : i32 {
      %mul3A_67 = arith.constant 3 : i32
      %mul3A_68 = arith.muli %while3A_66, %mul3A_67 : i32
      %add3A_69 = arith.constant 0 : i32
      %add3A_70 = arith.addi %mul3A_68, %add3A_69 : i32
      %dma_wait3A_71 = arith.constant 0 : i32
      %dma_wait3A_72 = arith.constant 0 : i32
      %dma_wait3A_73 = tpu.memref_slice %arg2[%dma_wait3A_71, %dma_wait3A_72] : memref<100000x128xf32, #tpu.memory_space<hbm>> -> memref<100000x128xf32, #tpu.memory_space<hbm>>
      tpu.wait_indirect_dma semaphore(%arg21 : memref<!tpu.dma_semaphore, #tpu.memory_space<semaphore_mem>>) src(%dma_wait3A_73 : memref<100000x128xf32, #tpu.memory_space<hbm>>) dst(%arg12 : memref<128x128xf32, #tpu.memory_space<vmem>>)
      %dma_wait3A_74 = arith.constant 0 : i32
      %dma_wait3A_75 = arith.constant 0 : i32
      %dma_wait3A_76 = tpu.memref_slice %arg2[%dma_wait3A_74, %dma_wait3A_75] : memref<100000x128xf32, #tpu.memory_space<hbm>> -> memref<100000x128xf32, #tpu.memory_space<hbm>>
      tpu.wait_indirect_dma semaphore(%arg24 : memref<!tpu.dma_semaphore, #tpu.memory_space<semaphore_mem>>) src(%dma_wait3A_76 : memref<100000x128xf32, #tpu.memory_space<hbm>>) dst(%arg15 : memref<128x128xf32, #tpu.memory_space<vmem>>)
      %ge3A = arith.constant 3 : i32
      %ge3A_77 = arith.cmpi sge, %add3A_70, %ge3A : i32
      %convert_element_type3A = arith.extui %ge3A_77 : i1 to i32
      %cond3A = arith.constant 0 : i32
      %cond3A_78 = arith.cmpi ne, %convert_element_type3A, %cond3A : i32
      scf.if %cond3A_78 {
        %dma_wait3A_158 = tpu.memref_slice %arg5[%mul3A_10] : memref<602112xf32, #tpu.memory_space<hbm>> -> memref<128xf32, #tpu.memory_space<hbm>>
        %dma_wait3A_159 = tpu.memref_slice %arg5[%mul3A_10] : memref<602112xf32, #tpu.memory_space<hbm>> -> memref<128xf32, #tpu.memory_space<hbm>>
        tpu.wait_dma2 semaphore(%arg27 : memref<!tpu.dma_semaphore, #tpu.memory_space<semaphore_mem>>) src(%arg18 : memref<128xf32, #tpu.memory_space<vmem>>) dst(%dma_wait3A_159 : memref<128xf32, #tpu.memory_space<hbm>>)
      } else {
      }
      %scan3A = arith.constant 0 : i32
      %scan3A_79 = arith.constant 0 : i32
      %scan3A_80 = arith.constant 8 : i32
      %scan3A_81 = arith.addi %scan3A_79, %scan3A_80 : i32
      %scan3A_82 = arith.constant 1 : i32
      scf.for %scan3A_158 = %scan3A_79 to %scan3A_81 step %scan3A_82  : i32 {
        %broadcast_in_dim3A = arith.constant 0.000000e+00 : f32
        %broadcast_in_dim3A_159 = vector.broadcast %broadcast_in_dim3A : f32 to vector<16xf32>
        %scan3A_160 = arith.constant 0 : i32
        %scan3A_161 = arith.constant 4 : i32
        %scan3A_162 = arith.addi %scan3A_160, %scan3A_161 : i32
        %scan3A_163 = arith.constant 1 : i32
        %scan3A_164 = scf.for %scan3A_169 = %scan3A_160 to %scan3A_162 step %scan3A_163 iter_args(%scan3A_170 = %broadcast_in_dim3A_159) -> (vector<16xf32>)  : i32 {
          %mul3A_171 = arith.constant 16 : i32
          %mul3A_172 = arith.muli %scan3A_158, %mul3A_171 : i32
          %mul3A_173 = arith.constant 4 : i32
          %mul3A_174 = arith.muli %scan3A_169, %mul3A_173 : i32
          %add3A_175 = arith.addi %mul3A_172, %mul3A_174 : i32
          %add3A_176 = arith.constant 0 : i32
          %add3A_177 = arith.addi %add3A_175, %add3A_176 : i32
          %get3A = arith.index_cast %add3A_177 : i32 to index
          %get3A_178 = arith.constant 0 : index
          %get3A_179 = tpu.vector_load %arg12[%get3A, %get3A_178] {strides = array<i32>} : memref<128x128xf32, #tpu.memory_space<vmem>>, vector<16xf32>,
          %get3A_180 = arith.index_cast %add3A_177 : i32 to index
          %get3A_181 = arith.constant 0 : index
          %get3A_182 = tpu.vector_load %arg15[%get3A_180, %get3A_181] {strides = array<i32>} : memref<128x128xf32, #tpu.memory_space<vmem>>, vector<16xf32>,
          %mul3A_183 = arith.mulf %get3A_179, %get3A_182 : vector<16xf32>
          %get3A_184 = arith.index_cast %add3A_177 : i32 to index
          %get3A_185 = arith.constant 16 : index
          %get3A_186 = tpu.vector_load %arg12[%get3A_184, %get3A_185] {strides = array<i32>} : memref<128x128xf32, #tpu.memory_space<vmem>>, vector<16xf32>,
          %get3A_187 = arith.index_cast %add3A_177 : i32 to index
          %get3A_188 = arith.constant 16 : index
          %get3A_189 = tpu.vector_load %arg15[%get3A_187, %get3A_188] {strides = array<i32>} : memref<128x128xf32, #tpu.memory_space<vmem>>, vector<16xf32>,
          %mul3A_190 = arith.mulf %get3A_186, %get3A_189 : vector<16xf32>
          %add3A_191 = arith.addf %mul3A_183, %mul3A_190 : vector<16xf32>
          %get3A_192 = arith.index_cast %add3A_177 : i32 to index
          %get3A_193 = arith.constant 32 : index
          %get3A_194 = tpu.vector_load %arg12[%get3A_192, %get3A_193] {strides = array<i32>} : memref<128x128xf32, #tpu.memory_space<vmem>>, vector<16xf32>,
          %get3A_195 = arith.index_cast %add3A_177 : i32 to index
          %get3A_196 = arith.constant 32 : index
          %get3A_197 = tpu.vector_load %arg15[%get3A_195, %get3A_196] {strides = array<i32>} : memref<128x128xf32, #tpu.memory_space<vmem>>, vector<16xf32>,
          %mul3A_198 = arith.mulf %get3A_194, %get3A_197 : vector<16xf32>
          %add3A_199 = arith.addf %add3A_191, %mul3A_198 : vector<16xf32>
          %get3A_200 = arith.index_cast %add3A_177 : i32 to index
          %get3A_201 = arith.constant 48 : index
          %get3A_202 = tpu.vector_load %arg12[%get3A_200, %get3A_201] {strides = array<i32>} : memref<128x128xf32, #tpu.memory_space<vmem>>, vector<16xf32>,
          %get3A_203 = arith.index_cast %add3A_177 : i32 to index
          %get3A_204 = arith.constant 48 : index
          %get3A_205 = tpu.vector_load %arg15[%get3A_203, %get3A_204] {strides = array<i32>} : memref<128x128xf32, #tpu.memory_space<vmem>>, vector<16xf32>,
          %mul3A_206 = arith.mulf %get3A_202, %get3A_205 : vector<16xf32>
          %add3A_207 = arith.addf %add3A_199, %mul3A_206 : vector<16xf32>
          %get3A_208 = arith.index_cast %add3A_177 : i32 to index
          %get3A_209 = arith.constant 64 : index
          %get3A_210 = tpu.vector_load %arg12[%get3A_208, %get3A_209] {strides = array<i32>} : memref<128x128xf32, #tpu.memory_space<vmem>>, vector<16xf32>,
          %get3A_211 = arith.index_cast %add3A_177 : i32 to index
          %get3A_212 = arith.constant 64 : index
          %get3A_213 = tpu.vector_load %arg15[%get3A_211, %get3A_212] {strides = array<i32>} : memref<128x128xf32, #tpu.memory_space<vmem>>, vector<16xf32>,
          %mul3A_214 = arith.mulf %get3A_210, %get3A_213 : vector<16xf32>
          %add3A_215 = arith.addf %add3A_207, %mul3A_214 : vector<16xf32>
          %get3A_216 = arith.index_cast %add3A_177 : i32 to index
          %get3A_217 = arith.constant 80 : index
          %get3A_218 = tpu.vector_load %arg12[%get3A_216, %get3A_217] {strides = array<i32>} : memref<128x128xf32, #tpu.memory_space<vmem>>, vector<16xf32>,
          %get3A_219 = arith.index_cast %add3A_177 : i32 to index
          %get3A_220 = arith.constant 80 : index
          %get3A_221 = tpu.vector_load %arg15[%get3A_219, %get3A_220] {strides = array<i32>} : memref<128x128xf32, #tpu.memory_space<vmem>>, vector<16xf32>,
          %mul3A_222 = arith.mulf %get3A_218, %get3A_221 : vector<16xf32>
          %add3A_223 = arith.addf %add3A_215, %mul3A_222 : vector<16xf32>
          %get3A_224 = arith.index_cast %add3A_177 : i32 to index
          %get3A_225 = arith.constant 96 : index
          %get3A_226 = tpu.vector_load %arg12[%get3A_224, %get3A_225] {strides = array<i32>} : memref<128x128xf32, #tpu.memory_space<vmem>>, vector<16xf32>,
          %get3A_227 = arith.index_cast %add3A_177 : i32 to index
          %get3A_228 = arith.constant 96 : index
          %get3A_229 = tpu.vector_load %arg15[%get3A_227, %get3A_228] {strides = array<i32>} : memref<128x128xf32, #tpu.memory_space<vmem>>, vector<16xf32>,
          %mul3A_230 = arith.mulf %get3A_226, %get3A_229 : vector<16xf32>
          %add3A_231 = arith.addf %add3A_223, %mul3A_230 : vector<16xf32>
          %get3A_232 = arith.index_cast %add3A_177 : i32 to index
          %get3A_233 = arith.constant 112 : index
          %get3A_234 = tpu.vector_load %arg12[%get3A_232, %get3A_233] {strides = array<i32>} : memref<128x128xf32, #tpu.memory_space<vmem>>, vector<16xf32>,
          %get3A_235 = arith.index_cast %add3A_177 : i32 to index
          %get3A_236 = arith.constant 112 : index
          %get3A_237 = tpu.vector_load %arg15[%get3A_235, %get3A_236] {strides = array<i32>} : memref<128x128xf32, #tpu.memory_space<vmem>>, vector<16xf32>,
          %mul3A_238 = arith.mulf %get3A_234, %get3A_237 : vector<16xf32>
          %add3A_239 = arith.addf %add3A_231, %mul3A_238 : vector<16xf32>
          %mul3A_240 = arith.constant 4 : i32
          %mul3A_241 = arith.muli %scan3A_169, %mul3A_240 : i32
          %add3A_242 = arith.constant 0 : i32
          %add3A_243 = arith.addi %mul3A_241, %add3A_242 : i32
          %eq3A_244 = vector.broadcast %add3A_243 : i32 to vector<16xi32>
          %eq3A_245 = arith.cmpi eq, %iota3A, %eq3A_244 : vector<16xi32>
          %reduce_sum3A = arith.constant true
          %reduce_sum3A_246 = vector.broadcast %reduce_sum3A : i1 to vector<16xi1>
          %reduce_sum3A_247 = tpu.scan <sum>, %add3A_239 masked %reduce_sum3A_246 : vector<16xf32>, vector<16xi1> -> vector<16xf32>
          %reduce_sum3A_248 = vector.extract %reduce_sum3A_247[15] : f32 from vector<16xf32>
          %broadcast_in_dim3A_249 = vector.broadcast %reduce_sum3A_248 : f32 to vector<16xf32>
          %select_n3A_250 = arith.select %eq3A_245, %broadcast_in_dim3A_249, %scan3A_170 : vector<16xi1>, vector<16xf32>
          %mul3A_251 = arith.constant 16 : i32
          %mul3A_252 = arith.muli %scan3A_158, %mul3A_251 : i32
          %mul3A_253 = arith.constant 4 : i32
          %mul3A_254 = arith.muli %scan3A_169, %mul3A_253 : i32
          %add3A_255 = arith.addi %mul3A_252, %mul3A_254 : i32
          %add3A_256 = arith.constant 1 : i32
          %add3A_257 = arith.addi %add3A_255, %add3A_256 : i32
          %get3A_258 = arith.index_cast %add3A_257 : i32 to index
          %get3A_259 = arith.constant 0 : index
          %get3A_260 = tpu.vector_load %arg12[%get3A_258, %get3A_259] {strides = array<i32>} : memref<128x128xf32, #tpu.memory_space<vmem>>, vector<16xf32>,
          %get3A_261 = arith.index_cast %add3A_257 : i32 to index
          %get3A_262 = arith.constant 0 : index
          %get3A_263 = tpu.vector_load %arg15[%get3A_261, %get3A_262] {strides = array<i32>} : memref<128x128xf32, #tpu.memory_space<vmem>>, vector<16xf32>,
          %mul3A_264 = arith.mulf %get3A_260, %get3A_263 : vector<16xf32>
          %get3A_265 = arith.index_cast %add3A_257 : i32 to index
          %get3A_266 = arith.constant 16 : index
          %get3A_267 = tpu.vector_load %arg12[%get3A_265, %get3A_266] {strides = array<i32>} : memref<128x128xf32, #tpu.memory_space<vmem>>, vector<16xf32>,
          %get3A_268 = arith.index_cast %add3A_257 : i32 to index
          %get3A_269 = arith.constant 16 : index
          %get3A_270 = tpu.vector_load %arg15[%get3A_268, %get3A_269] {strides = array<i32>} : memref<128x128xf32, #tpu.memory_space<vmem>>, vector<16xf32>,
          %mul3A_271 = arith.mulf %get3A_267, %get3A_270 : vector<16xf32>
          %add3A_272 = arith.addf %mul3A_264, %mul3A_271 : vector<16xf32>
          %get3A_273 = arith.index_cast %add3A_257 : i32 to index
          %get3A_274 = arith.constant 32 : index
          %get3A_275 = tpu.vector_load %arg12[%get3A_273, %get3A_274] {strides = array<i32>} : memref<128x128xf32, #tpu.memory_space<vmem>>, vector<16xf32>,
          %get3A_276 = arith.index_cast %add3A_257 : i32 to index
          %get3A_277 = arith.constant 32 : index
          %get3A_278 = tpu.vector_load %arg15[%get3A_276, %get3A_277] {strides = array<i32>} : memref<128x128xf32, #tpu.memory_space<vmem>>, vector<16xf32>,
          %mul3A_279 = arith.mulf %get3A_275, %get3A_278 : vector<16xf32>
          %add3A_280 = arith.addf %add3A_272, %mul3A_279 : vector<16xf32>
          %get3A_281 = arith.index_cast %add3A_257 : i32 to index
          %get3A_282 = arith.constant 48 : index
          %get3A_283 = tpu.vector_load %arg12[%get3A_281, %get3A_282] {strides = array<i32>} : memref<128x128xf32, #tpu.memory_space<vmem>>, vector<16xf32>,
          %get3A_284 = arith.index_cast %add3A_257 : i32 to index
          %get3A_285 = arith.constant 48 : index
          %get3A_286 = tpu.vector_load %arg15[%get3A_284, %get3A_285] {strides = array<i32>} : memref<128x128xf32, #tpu.memory_space<vmem>>, vector<16xf32>,
          %mul3A_287 = arith.mulf %get3A_283, %get3A_286 : vector<16xf32>
          %add3A_288 = arith.addf %add3A_280, %mul3A_287 : vector<16xf32>
          %get3A_289 = arith.index_cast %add3A_257 : i32 to index
          %get3A_290 = arith.constant 64 : index
          %get3A_291 = tpu.vector_load %arg12[%get3A_289, %get3A_290] {strides = array<i32>} : memref<128x128xf32, #tpu.memory_space<vmem>>, vector<16xf32>,
          %get3A_292 = arith.index_cast %add3A_257 : i32 to index
          %get3A_293 = arith.constant 64 : index
          %get3A_294 = tpu.vector_load %arg15[%get3A_292, %get3A_293] {strides = array<i32>} : memref<128x128xf32, #tpu.memory_space<vmem>>, vector<16xf32>,
          %mul3A_295 = arith.mulf %get3A_291, %get3A_294 : vector<16xf32>
          %add3A_296 = arith.addf %add3A_288, %mul3A_295 : vector<16xf32>
          %get3A_297 = arith.index_cast %add3A_257 : i32 to index
          %get3A_298 = arith.constant 80 : index
          %get3A_299 = tpu.vector_load %arg12[%get3A_297, %get3A_298] {strides = array<i32>} : memref<128x128xf32, #tpu.memory_space<vmem>>, vector<16xf32>,
          %get3A_300 = arith.index_cast %add3A_257 : i32 to index
          %get3A_301 = arith.constant 80 : index
          %get3A_302 = tpu.vector_load %arg15[%get3A_300, %get3A_301] {strides = array<i32>} : memref<128x128xf32, #tpu.memory_space<vmem>>, vector<16xf32>,
          %mul3A_303 = arith.mulf %get3A_299, %get3A_302 : vector<16xf32>
          %add3A_304 = arith.addf %add3A_296, %mul3A_303 : vector<16xf32>
          %get3A_305 = arith.index_cast %add3A_257 : i32 to index
          %get3A_306 = arith.constant 96 : index
          %get3A_307 = tpu.vector_load %arg12[%get3A_305, %get3A_306] {strides = array<i32>} : memref<128x128xf32, #tpu.memory_space<vmem>>, vector<16xf32>,
          %get3A_308 = arith.index_cast %add3A_257 : i32 to index
          %get3A_309 = arith.constant 96 : index
          %get3A_310 = tpu.vector_load %arg15[%get3A_308, %get3A_309] {strides = array<i32>} : memref<128x128xf32, #tpu.memory_space<vmem>>, vector<16xf32>,
          %mul3A_311 = arith.mulf %get3A_307, %get3A_310 : vector<16xf32>
          %add3A_312 = arith.addf %add3A_304, %mul3A_311 : vector<16xf32>
          %get3A_313 = arith.index_cast %add3A_257 : i32 to index
          %get3A_314 = arith.constant 112 : index
          %get3A_315 = tpu.vector_load %arg12[%get3A_313, %get3A_314] {strides = array<i32>} : memref<128x128xf32, #tpu.memory_space<vmem>>, vector<16xf32>,
          %get3A_316 = arith.index_cast %add3A_257 : i32 to index
          %get3A_317 = arith.constant 112 : index
          %get3A_318 = tpu.vector_load %arg15[%get3A_316, %get3A_317] {strides = array<i32>} : memref<128x128xf32, #tpu.memory_space<vmem>>, vector<16xf32>,
          %mul3A_319 = arith.mulf %get3A_315, %get3A_318 : vector<16xf32>
          %add3A_320 = arith.addf %add3A_312, %mul3A_319 : vector<16xf32>
          %mul3A_321 = arith.constant 4 : i32
          %mul3A_322 = arith.muli %scan3A_169, %mul3A_321 : i32
          %add3A_323 = arith.constant 1 : i32
          %add3A_324 = arith.addi %mul3A_322, %add3A_323 : i32
          %eq3A_325 = vector.broadcast %add3A_324 : i32 to vector<16xi32>
          %eq3A_326 = arith.cmpi eq, %iota3A, %eq3A_325 : vector<16xi32>
          %reduce_sum3A_327 = arith.constant true
          %reduce_sum3A_328 = vector.broadcast %reduce_sum3A_327 : i1 to vector<16xi1>
          %reduce_sum3A_329 = tpu.scan <sum>, %add3A_320 masked %reduce_sum3A_328 : vector<16xf32>, vector<16xi1> -> vector<16xf32>
          %reduce_sum3A_330 = vector.extract %reduce_sum3A_329[15] : f32 from vector<16xf32>
          %broadcast_in_dim3A_331 = vector.broadcast %reduce_sum3A_330 : f32 to vector<16xf32>
          %select_n3A_332 = arith.select %eq3A_326, %broadcast_in_dim3A_331, %select_n3A_250 : vector<16xi1>, vector<16xf32>
          %mul3A_333 = arith.constant 16 : i32
          %mul3A_334 = arith.muli %scan3A_158, %mul3A_333 : i32
          %mul3A_335 = arith.constant 4 : i32
          %mul3A_336 = arith.muli %scan3A_169, %mul3A_335 : i32
          %add3A_337 = arith.addi %mul3A_334, %mul3A_336 : i32
          %add3A_338 = arith.constant 2 : i32
          %add3A_339 = arith.addi %add3A_337, %add3A_338 : i32
          %get3A_340 = arith.index_cast %add3A_339 : i32 to index
          %get3A_341 = arith.constant 0 : index
          %get3A_342 = tpu.vector_load %arg12[%get3A_340, %get3A_341] {strides = array<i32>} : memref<128x128xf32, #tpu.memory_space<vmem>>, vector<16xf32>,
          %get3A_343 = arith.index_cast %add3A_339 : i32 to index
          %get3A_344 = arith.constant 0 : index
          %get3A_345 = tpu.vector_load %arg15[%get3A_343, %get3A_344] {strides = array<i32>} : memref<128x128xf32, #tpu.memory_space<vmem>>, vector<16xf32>,
          %mul3A_346 = arith.mulf %get3A_342, %get3A_345 : vector<16xf32>
          %get3A_347 = arith.index_cast %add3A_339 : i32 to index
          %get3A_348 = arith.constant 16 : index
          %get3A_349 = tpu.vector_load %arg12[%get3A_347, %get3A_348] {strides = array<i32>} : memref<128x128xf32, #tpu.memory_space<vmem>>, vector<16xf32>,
          %get3A_350 = arith.index_cast %add3A_339 : i32 to index
          %get3A_351 = arith.constant 16 : index
          %get3A_352 = tpu.vector_load %arg15[%get3A_350, %get3A_351] {strides = array<i32>} : memref<128x128xf32, #tpu.memory_space<vmem>>, vector<16xf32>,
          %mul3A_353 = arith.mulf %get3A_349, %get3A_352 : vector<16xf32>
          %add3A_354 = arith.addf %mul3A_346, %mul3A_353 : vector<16xf32>
          %get3A_355 = arith.index_cast %add3A_339 : i32 to index
          %get3A_356 = arith.constant 32 : index
          %get3A_357 = tpu.vector_load %arg12[%get3A_355, %get3A_356] {strides = array<i32>} : memref<128x128xf32, #tpu.memory_space<vmem>>, vector<16xf32>,
          %get3A_358 = arith.index_cast %add3A_339 : i32 to index
          %get3A_359 = arith.constant 32 : index
          %get3A_360 = tpu.vector_load %arg15[%get3A_358, %get3A_359] {strides = array<i32>} : memref<128x128xf32, #tpu.memory_space<vmem>>, vector<16xf32>,
          %mul3A_361 = arith.mulf %get3A_357, %get3A_360 : vector<16xf32>
          %add3A_362 = arith.addf %add3A_354, %mul3A_361 : vector<16xf32>
          %get3A_363 = arith.index_cast %add3A_339 : i32 to index
          %get3A_364 = arith.constant 48 : index
          %get3A_365 = tpu.vector_load %arg12[%get3A_363, %get3A_364] {strides = array<i32>} : memref<128x128xf32, #tpu.memory_space<vmem>>, vector<16xf32>,
          %get3A_366 = arith.index_cast %add3A_339 : i32 to index
          %get3A_367 = arith.constant 48 : index
          %get3A_368 = tpu.vector_load %arg15[%get3A_366, %get3A_367] {strides = array<i32>} : memref<128x128xf32, #tpu.memory_space<vmem>>, vector<16xf32>,
          %mul3A_369 = arith.mulf %get3A_365, %get3A_368 : vector<16xf32>
          %add3A_370 = arith.addf %add3A_362, %mul3A_369 : vector<16xf32>
          %get3A_371 = arith.index_cast %add3A_339 : i32 to index
          %get3A_372 = arith.constant 64 : index
          %get3A_373 = tpu.vector_load %arg12[%get3A_371, %get3A_372] {strides = array<i32>} : memref<128x128xf32, #tpu.memory_space<vmem>>, vector<16xf32>,
          %get3A_374 = arith.index_cast %add3A_339 : i32 to index
          %get3A_375 = arith.constant 64 : index
          %get3A_376 = tpu.vector_load %arg15[%get3A_374, %get3A_375] {strides = array<i32>} : memref<128x128xf32, #tpu.memory_space<vmem>>, vector<16xf32>,
          %mul3A_377 = arith.mulf %get3A_373, %get3A_376 : vector<16xf32>
          %add3A_378 = arith.addf %add3A_370, %mul3A_377 : vector<16xf32>
          %get3A_379 = arith.index_cast %add3A_339 : i32 to index
          %get3A_380 = arith.constant 80 : index
          %get3A_381 = tpu.vector_load %arg12[%get3A_379, %get3A_380] {strides = array<i32>} : memref<128x128xf32, #tpu.memory_space<vmem>>, vector<16xf32>,
          %get3A_382 = arith.index_cast %add3A_339 : i32 to index
          %get3A_383 = arith.constant 80 : index
          %get3A_384 = tpu.vector_load %arg15[%get3A_382, %get3A_383] {strides = array<i32>} : memref<128x128xf32, #tpu.memory_space<vmem>>, vector<16xf32>,
          %mul3A_385 = arith.mulf %get3A_381, %get3A_384 : vector<16xf32>
          %add3A_386 = arith.addf %add3A_378, %mul3A_385 : vector<16xf32>
          %get3A_387 = arith.index_cast %add3A_339 : i32 to index
          %get3A_388 = arith.constant 96 : index
          %get3A_389 = tpu.vector_load %arg12[%get3A_387, %get3A_388] {strides = array<i32>} : memref<128x128xf32, #tpu.memory_space<vmem>>, vector<16xf32>,
          %get3A_390 = arith.index_cast %add3A_339 : i32 to index
          %get3A_391 = arith.constant 96 : index
          %get3A_392 = tpu.vector_load %arg15[%get3A_390, %get3A_391] {strides = array<i32>} : memref<128x128xf32, #tpu.memory_space<vmem>>, vector<16xf32>,
          %mul3A_393 = arith.mulf %get3A_389, %get3A_392 : vector<16xf32>
          %add3A_394 = arith.addf %add3A_386, %mul3A_393 : vector<16xf32>
          %get3A_395 = arith.index_cast %add3A_339 : i32 to index
          %get3A_396 = arith.constant 112 : index
          %get3A_397 = tpu.vector_load %arg12[%get3A_395, %get3A_396] {strides = array<i32>} : memref<128x128xf32, #tpu.memory_space<vmem>>, vector<16xf32>,
          %get3A_398 = arith.index_cast %add3A_339 : i32 to index
          %get3A_399 = arith.constant 112 : index
          %get3A_400 = tpu.vector_load %arg15[%get3A_398, %get3A_399] {strides = array<i32>} : memref<128x128xf32, #tpu.memory_space<vmem>>, vector<16xf32>,
          %mul3A_401 = arith.mulf %get3A_397, %get3A_400 : vector<16xf32>
          %add3A_402 = arith.addf %add3A_394, %mul3A_401 : vector<16xf32>
          %mul3A_403 = arith.constant 4 : i32
          %mul3A_404 = arith.muli %scan3A_169, %mul3A_403 : i32
          %add3A_405 = arith.constant 2 : i32
          %add3A_406 = arith.addi %mul3A_404, %add3A_405 : i32
          %eq3A_407 = vector.broadcast %add3A_406 : i32 to vector<16xi32>
          %eq3A_408 = arith.cmpi eq, %iota3A, %eq3A_407 : vector<16xi32>
          %reduce_sum3A_409 = arith.constant true
          %reduce_sum3A_410 = vector.broadcast %reduce_sum3A_409 : i1 to vector<16xi1>
          %reduce_sum3A_411 = tpu.scan <sum>, %add3A_402 masked %reduce_sum3A_410 : vector<16xf32>, vector<16xi1> -> vector<16xf32>
          %reduce_sum3A_412 = vector.extract %reduce_sum3A_411[15] : f32 from vector<16xf32>
          %broadcast_in_dim3A_413 = vector.broadcast %reduce_sum3A_412 : f32 to vector<16xf32>
          %select_n3A_414 = arith.select %eq3A_408, %broadcast_in_dim3A_413, %select_n3A_332 : vector<16xi1>, vector<16xf32>
          %mul3A_415 = arith.constant 16 : i32
          %mul3A_416 = arith.muli %scan3A_158, %mul3A_415 : i32
          %mul3A_417 = arith.constant 4 : i32
          %mul3A_418 = arith.muli %scan3A_169, %mul3A_417 : i32
          %add3A_419 = arith.addi %mul3A_416, %mul3A_418 : i32
          %add3A_420 = arith.constant 3 : i32
          %add3A_421 = arith.addi %add3A_419, %add3A_420 : i32
          %get3A_422 = arith.index_cast %add3A_421 : i32 to index
          %get3A_423 = arith.constant 0 : index
          %get3A_424 = tpu.vector_load %arg12[%get3A_422, %get3A_423] {strides = array<i32>} : memref<128x128xf32, #tpu.memory_space<vmem>>, vector<16xf32>,
          %get3A_425 = arith.index_cast %add3A_421 : i32 to index
          %get3A_426 = arith.constant 0 : index
          %get3A_427 = tpu.vector_load %arg15[%get3A_425, %get3A_426] {strides = array<i32>} : memref<128x128xf32, #tpu.memory_space<vmem>>, vector<16xf32>,
          %mul3A_428 = arith.mulf %get3A_424, %get3A_427 : vector<16xf32>
          %get3A_429 = arith.index_cast %add3A_421 : i32 to index
          %get3A_430 = arith.constant 16 : index
          %get3A_431 = tpu.vector_load %arg12[%get3A_429, %get3A_430] {strides = array<i32>} : memref<128x128xf32, #tpu.memory_space<vmem>>, vector<16xf32>,
          %get3A_432 = arith.index_cast %add3A_421 : i32 to index
          %get3A_433 = arith.constant 16 : index
          %get3A_434 = tpu.vector_load %arg15[%get3A_432, %get3A_433] {strides = array<i32>} : memref<128x128xf32, #tpu.memory_space<vmem>>, vector<16xf32>,
          %mul3A_435 = arith.mulf %get3A_431, %get3A_434 : vector<16xf32>
          %add3A_436 = arith.addf %mul3A_428, %mul3A_435 : vector<16xf32>
          %get3A_437 = arith.index_cast %add3A_421 : i32 to index
          %get3A_438 = arith.constant 32 : index
          %get3A_439 = tpu.vector_load %arg12[%get3A_437, %get3A_438] {strides = array<i32>} : memref<128x128xf32, #tpu.memory_space<vmem>>, vector<16xf32>,
          %get3A_440 = arith.index_cast %add3A_421 : i32 to index
          %get3A_441 = arith.constant 32 : index
          %get3A_442 = tpu.vector_load %arg15[%get3A_440, %get3A_441] {strides = array<i32>} : memref<128x128xf32, #tpu.memory_space<vmem>>, vector<16xf32>,
          %mul3A_443 = arith.mulf %get3A_439, %get3A_442 : vector<16xf32>
          %add3A_444 = arith.addf %add3A_436, %mul3A_443 : vector<16xf32>
          %get3A_445 = arith.index_cast %add3A_421 : i32 to index
          %get3A_446 = arith.constant 48 : index
          %get3A_447 = tpu.vector_load %arg12[%get3A_445, %get3A_446] {strides = array<i32>} : memref<128x128xf32, #tpu.memory_space<vmem>>, vector<16xf32>,
          %get3A_448 = arith.index_cast %add3A_421 : i32 to index
          %get3A_449 = arith.constant 48 : index
          %get3A_450 = tpu.vector_load %arg15[%get3A_448, %get3A_449] {strides = array<i32>} : memref<128x128xf32, #tpu.memory_space<vmem>>, vector<16xf32>,
          %mul3A_451 = arith.mulf %get3A_447, %get3A_450 : vector<16xf32>
          %add3A_452 = arith.addf %add3A_444, %mul3A_451 : vector<16xf32>
          %get3A_453 = arith.index_cast %add3A_421 : i32 to index
          %get3A_454 = arith.constant 64 : index
          %get3A_455 = tpu.vector_load %arg12[%get3A_453, %get3A_454] {strides = array<i32>} : memref<128x128xf32, #tpu.memory_space<vmem>>, vector<16xf32>,
          %get3A_456 = arith.index_cast %add3A_421 : i32 to index
          %get3A_457 = arith.constant 64 : index
          %get3A_458 = tpu.vector_load %arg15[%get3A_456, %get3A_457] {strides = array<i32>} : memref<128x128xf32, #tpu.memory_space<vmem>>, vector<16xf32>,
          %mul3A_459 = arith.mulf %get3A_455, %get3A_458 : vector<16xf32>
          %add3A_460 = arith.addf %add3A_452, %mul3A_459 : vector<16xf32>
          %get3A_461 = arith.index_cast %add3A_421 : i32 to index
          %get3A_462 = arith.constant 80 : index
          %get3A_463 = tpu.vector_load %arg12[%get3A_461, %get3A_462] {strides = array<i32>} : memref<128x128xf32, #tpu.memory_space<vmem>>, vector<16xf32>,
          %get3A_464 = arith.index_cast %add3A_421 : i32 to index
          %get3A_465 = arith.constant 80 : index
          %get3A_466 = tpu.vector_load %arg15[%get3A_464, %get3A_465] {strides = array<i32>} : memref<128x128xf32, #tpu.memory_space<vmem>>, vector<16xf32>,
          %mul3A_467 = arith.mulf %get3A_463, %get3A_466 : vector<16xf32>
          %add3A_468 = arith.addf %add3A_460, %mul3A_467 : vector<16xf32>
          %get3A_469 = arith.index_cast %add3A_421 : i32 to index
          %get3A_470 = arith.constant 96 : index
          %get3A_471 = tpu.vector_load %arg12[%get3A_469, %get3A_470] {strides = array<i32>} : memref<128x128xf32, #tpu.memory_space<vmem>>, vector<16xf32>,
          %get3A_472 = arith.index_cast %add3A_421 : i32 to index
          %get3A_473 = arith.constant 96 : index
          %get3A_474 = tpu.vector_load %arg15[%get3A_472, %get3A_473] {strides = array<i32>} : memref<128x128xf32, #tpu.memory_space<vmem>>, vector<16xf32>,
          %mul3A_475 = arith.mulf %get3A_471, %get3A_474 : vector<16xf32>
          %add3A_476 = arith.addf %add3A_468, %mul3A_475 : vector<16xf32>
          %get3A_477 = arith.index_cast %add3A_421 : i32 to index
          %get3A_478 = arith.constant 112 : index
          %get3A_479 = tpu.vector_load %arg12[%get3A_477, %get3A_478] {strides = array<i32>} : memref<128x128xf32, #tpu.memory_space<vmem>>, vector<16xf32>,
          %get3A_480 = arith.index_cast %add3A_421 : i32 to index
          %get3A_481 = arith.constant 112 : index
          %get3A_482 = tpu.vector_load %arg15[%get3A_480, %get3A_481] {strides = array<i32>} : memref<128x128xf32, #tpu.memory_space<vmem>>, vector<16xf32>,
          %mul3A_483 = arith.mulf %get3A_479, %get3A_482 : vector<16xf32>
          %add3A_484 = arith.addf %add3A_476, %mul3A_483 : vector<16xf32>
          %mul3A_485 = arith.constant 4 : i32
          %mul3A_486 = arith.muli %scan3A_169, %mul3A_485 : i32
          %add3A_487 = arith.constant 3 : i32
          %add3A_488 = arith.addi %mul3A_486, %add3A_487 : i32
          %eq3A_489 = vector.broadcast %add3A_488 : i32 to vector<16xi32>
          %eq3A_490 = arith.cmpi eq, %iota3A, %eq3A_489 : vector<16xi32>
          %reduce_sum3A_491 = arith.constant true
          %reduce_sum3A_492 = vector.broadcast %reduce_sum3A_491 : i1 to vector<16xi1>
          %reduce_sum3A_493 = tpu.scan <sum>, %add3A_484 masked %reduce_sum3A_492 : vector<16xf32>, vector<16xi1> -> vector<16xf32>
          %reduce_sum3A_494 = vector.extract %reduce_sum3A_493[15] : f32 from vector<16xf32>
          %broadcast_in_dim3A_495 = vector.broadcast %reduce_sum3A_494 : f32 to vector<16xf32>
          %select_n3A_496 = arith.select %eq3A_490, %broadcast_in_dim3A_495, %select_n3A_414 : vector<16xi1>, vector<16xf32>
          scf.yield %select_n3A_496 : vector<16xf32>
        }
        %scan3A_165 = arith.constant 4 : i32
        %mul3A_166 = arith.constant 16 : i32
        %mul3A_167 = arith.muli %scan3A_158, %mul3A_166 : i32
        %swap3A = arith.index_cast %mul3A_167 : i32 to index
        %swap3A_168 = tpu.vector_load %arg18[%swap3A] {strides = array<i32>} : memref<128xf32, #tpu.memory_space<vmem>>, vector<16xf32>,
        tpu.vector_store %arg18[%swap3A], %scan3A_164 {strides = array<i32>} : memref<128xf32, #tpu.memory_space<vmem>>, vector<16xf32>,
      }
      %scan3A_83 = arith.constant 8 : i32
      %mul3A_84 = arith.constant 128 : i32
      %mul3A_85 = arith.muli %add3A_70, %mul3A_84 : i32
      %add3A_86 = arith.addi %mul3A_10, %mul3A_85 : i32
      %dma_start3A_87 = tpu.memref_slice %arg5[%add3A_86] : memref<602112xf32, #tpu.memory_space<hbm>> -> memref<128xf32, #tpu.memory_space<hbm>>
      %dma_start3A_88 = tpu.memref_slice %arg5[%add3A_86] : memref<602112xf32, #tpu.memory_space<hbm>> -> memref<128xf32, #tpu.memory_space<hbm>>
      tpu.enqueue_dma source(%arg18 : memref<128xf32, #tpu.memory_space<vmem>>) target(%dma_start3A_88 : memref<128xf32, #tpu.memory_space<hbm>>) target_semaphore(%arg27 : memref<!tpu.dma_semaphore, #tpu.memory_space<semaphore_mem>>)
      %add3A_89 = arith.constant 3 : i32
      %add3A_90 = arith.addi %add3A_70, %add3A_89 : i32
      %lt3A = arith.cmpi slt, %add3A_90, %select_n3A : i32
      %convert_element_type3A_91 = arith.extui %lt3A : i1 to i32
      %cond3A_92 = arith.constant 0 : i32
      %cond3A_93 = arith.cmpi ne, %convert_element_type3A_91, %cond3A_92 : i32
      scf.if %cond3A_93 {
        %mul3A_158 = arith.constant 128 : i32
        %mul3A_159 = arith.muli %add3A_90, %mul3A_158 : i32
        %add3A_160 = arith.addi %mul3A_10, %mul3A_159 : i32
        "tpu.region"() ({
          %run_scoped3A = tpu.sem_alloc : memref<!tpu.dma_semaphore, #tpu.memory_space<semaphore_mem>>
          %dma_start3A_167 = tpu.memref_slice %arg3[%add3A_160] : memref<602112xi32, #tpu.memory_space<hbm>> -> memref<128xi32, #tpu.memory_space<hbm>>
          %dma_start3A_168 = tpu.memref_slice %arg3[%add3A_160] : memref<602112xi32, #tpu.memory_space<hbm>> -> memref<128xi32, #tpu.memory_space<hbm>>
          tpu.enqueue_dma source(%dma_start3A_168 : memref<128xi32, #tpu.memory_space<hbm>>) target(%arg6 : memref<128xi32, #tpu.memory_space<vmem>>) target_semaphore(%run_scoped3A : memref<!tpu.dma_semaphore, #tpu.memory_space<semaphore_mem>>)
          %dma_wait3A_169 = tpu.memref_slice %arg3[%add3A_160] : memref<602112xi32, #tpu.memory_space<hbm>> -> memref<128xi32, #tpu.memory_space<hbm>>
          %dma_wait3A_170 = tpu.memref_slice %arg3[%add3A_160] : memref<602112xi32, #tpu.memory_space<hbm>> -> memref<128xi32, #tpu.memory_space<hbm>>
          tpu.wait_dma2 semaphore(%run_scoped3A : memref<!tpu.dma_semaphore, #tpu.memory_space<semaphore_mem>>) src(%dma_wait3A_170 : memref<128xi32, #tpu.memory_space<hbm>>) dst(%arg6 : memref<128xi32, #tpu.memory_space<vmem>>)
          tpu.yield
        }) : () -> ()
        "tpu.region"() ({
          %run_scoped3A = tpu.sem_alloc : memref<!tpu.dma_semaphore, #tpu.memory_space<semaphore_mem>>
          %dma_start3A_167 = tpu.memref_slice %arg4[%add3A_160] : memref<602112xi32, #tpu.memory_space<hbm>> -> memref<128xi32, #tpu.memory_space<hbm>>
          %dma_start3A_168 = tpu.memref_slice %arg4[%add3A_160] : memref<602112xi32, #tpu.memory_space<hbm>> -> memref<128xi32, #tpu.memory_space<hbm>>
          tpu.enqueue_dma source(%dma_start3A_168 : memref<128xi32, #tpu.memory_space<hbm>>) target(%arg9 : memref<128xi32, #tpu.memory_space<vmem>>) target_semaphore(%run_scoped3A : memref<!tpu.dma_semaphore, #tpu.memory_space<semaphore_mem>>)
          %dma_wait3A_169 = tpu.memref_slice %arg4[%add3A_160] : memref<602112xi32, #tpu.memory_space<hbm>> -> memref<128xi32, #tpu.memory_space<hbm>>
          %dma_wait3A_170 = tpu.memref_slice %arg4[%add3A_160] : memref<602112xi32, #tpu.memory_space<hbm>> -> memref<128xi32, #tpu.memory_space<hbm>>
          tpu.wait_dma2 semaphore(%run_scoped3A : memref<!tpu.dma_semaphore, #tpu.memory_space<semaphore_mem>>) src(%dma_wait3A_170 : memref<128xi32, #tpu.memory_space<hbm>>) dst(%arg9 : memref<128xi32, #tpu.memory_space<vmem>>)
          tpu.yield
        }) : () -> ()
        %dma_start3A_161 = arith.constant 0 : i32
        %dma_start3A_162 = arith.constant 0 : i32
        %dma_start3A_163 = tpu.memref_slice %arg2[%dma_start3A_161, %dma_start3A_162] : memref<100000x128xf32, #tpu.memory_space<hbm>> -> memref<100000x128xf32, #tpu.memory_space<hbm>>
        tpu.enqueue_indirect_dma source(%dma_start3A_163 : memref<100000x128xf32, #tpu.memory_space<hbm>>) target(%arg12 : memref<128x128xf32, #tpu.memory_space<vmem>>) offsets(%arg6 : memref<128xi32, #tpu.memory_space<vmem>>) semaphore(%arg21 : memref<!tpu.dma_semaphore, #tpu.memory_space<semaphore_mem>>)
        %dma_start3A_164 = arith.constant 0 : i32
        %dma_start3A_165 = arith.constant 0 : i32
        %dma_start3A_166 = tpu.memref_slice %arg2[%dma_start3A_164, %dma_start3A_165] : memref<100000x128xf32, #tpu.memory_space<hbm>> -> memref<100000x128xf32, #tpu.memory_space<hbm>>
        tpu.enqueue_indirect_dma source(%dma_start3A_166 : memref<100000x128xf32, #tpu.memory_space<hbm>>) target(%arg15 : memref<128x128xf32, #tpu.memory_space<vmem>>) offsets(%arg9 : memref<128xi32, #tpu.memory_space<vmem>>) semaphore(%arg24 : memref<!tpu.dma_semaphore, #tpu.memory_space<semaphore_mem>>)
      } else {
      }
      %mul3A_94 = arith.constant 3 : i32
      %mul3A_95 = arith.muli %while3A_66, %mul3A_94 : i32
      %add3A_96 = arith.constant 1 : i32
      %add3A_97 = arith.addi %mul3A_95, %add3A_96 : i32
      %dma_wait3A_98 = arith.constant 0 : i32
      %dma_wait3A_99 = arith.constant 0 : i32
      %dma_wait3A_100 = tpu.memref_slice %arg2[%dma_wait3A_98, %dma_wait3A_99] : memref<100000x128xf32, #tpu.memory_space<hbm>> -> memref<100000x128xf32, #tpu.memory_space<hbm>>
      tpu.wait_indirect_dma semaphore(%arg22 : memref<!tpu.dma_semaphore, #tpu.memory_space<semaphore_mem>>) src(%dma_wait3A_100 : memref<100000x128xf32, #tpu.memory_space<hbm>>) dst(%arg13 : memref<128x128xf32, #tpu.memory_space<vmem>>)
      %dma_wait3A_101 = arith.constant 0 : i32
      %dma_wait3A_102 = arith.constant 0 : i32
      %dma_wait3A_103 = tpu.memref_slice %arg2[%dma_wait3A_101, %dma_wait3A_102] : memref<100000x128xf32, #tpu.memory_space<hbm>> -> memref<100000x128xf32, #tpu.memory_space<hbm>>
      tpu.wait_indirect_dma semaphore(%arg25 : memref<!tpu.dma_semaphore, #tpu.memory_space<semaphore_mem>>) src(%dma_wait3A_103 : memref<100000x128xf32, #tpu.memory_space<hbm>>) dst(%arg16 : memref<128x128xf32, #tpu.memory_space<vmem>>)
      %ge3A_104 = arith.constant 3 : i32
      %ge3A_105 = arith.cmpi sge, %add3A_97, %ge3A_104 : i32
      %convert_element_type3A_106 = arith.extui %ge3A_105 : i1 to i32
      %cond3A_107 = arith.constant 0 : i32
      %cond3A_108 = arith.cmpi ne, %convert_element_type3A_106, %cond3A_107 : i32
      scf.if %cond3A_108 {
        %dma_wait3A_158 = tpu.memref_slice %arg5[%mul3A_10] : memref<602112xf32, #tpu.memory_space<hbm>> -> memref<128xf32, #tpu.memory_space<hbm>>
        %dma_wait3A_159 = tpu.memref_slice %arg5[%mul3A_10] : memref<602112xf32, #tpu.memory_space<hbm>> -> memref<128xf32, #tpu.memory_space<hbm>>
        tpu.wait_dma2 semaphore(%arg28 : memref<!tpu.dma_semaphore, #tpu.memory_space<semaphore_mem>>) src(%arg19 : memref<128xf32, #tpu.memory_space<vmem>>) dst(%dma_wait3A_159 : memref<128xf32, #tpu.memory_space<hbm>>)
      } else {
      }
      %scan3A_109 = arith.constant 0 : i32
      %scan3A_110 = arith.constant 0 : i32
      %scan3A_111 = arith.constant 8 : i32
      %scan3A_112 = arith.addi %scan3A_110, %scan3A_111 : i32
      %scan3A_113 = arith.constant 1 : i32
      scf.for %scan3A_158 = %scan3A_110 to %scan3A_112 step %scan3A_113  : i32 {
        %broadcast_in_dim3A = arith.constant 0.000000e+00 : f32
        %broadcast_in_dim3A_159 = vector.broadcast %broadcast_in_dim3A : f32 to vector<16xf32>
        %scan3A_160 = arith.constant 0 : i32
        %scan3A_161 = arith.constant 4 : i32
        %scan3A_162 = arith.addi %scan3A_160, %scan3A_161 : i32
        %scan3A_163 = arith.constant 1 : i32
        %scan3A_164 = scf.for %scan3A_169 = %scan3A_160 to %scan3A_162 step %scan3A_163 iter_args(%scan3A_170 = %broadcast_in_dim3A_159) -> (vector<16xf32>)  : i32 {
          %mul3A_171 = arith.constant 16 : i32
          %mul3A_172 = arith.muli %scan3A_158, %mul3A_171 : i32
          %mul3A_173 = arith.constant 4 : i32
          %mul3A_174 = arith.muli %scan3A_169, %mul3A_173 : i32
          %add3A_175 = arith.addi %mul3A_172, %mul3A_174 : i32
          %add3A_176 = arith.constant 0 : i32
          %add3A_177 = arith.addi %add3A_175, %add3A_176 : i32
          %get3A = arith.index_cast %add3A_177 : i32 to index
          %get3A_178 = arith.constant 0 : index
          %get3A_179 = tpu.vector_load %arg13[%get3A, %get3A_178] {strides = array<i32>} : memref<128x128xf32, #tpu.memory_space<vmem>>, vector<16xf32>,
          %get3A_180 = arith.index_cast %add3A_177 : i32 to index
          %get3A_181 = arith.constant 0 : index
          %get3A_182 = tpu.vector_load %arg16[%get3A_180, %get3A_181] {strides = array<i32>} : memref<128x128xf32, #tpu.memory_space<vmem>>, vector<16xf32>,
          %mul3A_183 = arith.mulf %get3A_179, %get3A_182 : vector<16xf32>
          %get3A_184 = arith.index_cast %add3A_177 : i32 to index
          %get3A_185 = arith.constant 16 : index
          %get3A_186 = tpu.vector_load %arg13[%get3A_184, %get3A_185] {strides = array<i32>} : memref<128x128xf32, #tpu.memory_space<vmem>>, vector<16xf32>,
          %get3A_187 = arith.index_cast %add3A_177 : i32 to index
          %get3A_188 = arith.constant 16 : index
          %get3A_189 = tpu.vector_load %arg16[%get3A_187, %get3A_188] {strides = array<i32>} : memref<128x128xf32, #tpu.memory_space<vmem>>, vector<16xf32>,
          %mul3A_190 = arith.mulf %get3A_186, %get3A_189 : vector<16xf32>
          %add3A_191 = arith.addf %mul3A_183, %mul3A_190 : vector<16xf32>
          %get3A_192 = arith.index_cast %add3A_177 : i32 to index
          %get3A_193 = arith.constant 32 : index
          %get3A_194 = tpu.vector_load %arg13[%get3A_192, %get3A_193] {strides = array<i32>} : memref<128x128xf32, #tpu.memory_space<vmem>>, vector<16xf32>,
          %get3A_195 = arith.index_cast %add3A_177 : i32 to index
          %get3A_196 = arith.constant 32 : index
          %get3A_197 = tpu.vector_load %arg16[%get3A_195, %get3A_196] {strides = array<i32>} : memref<128x128xf32, #tpu.memory_space<vmem>>, vector<16xf32>,
          %mul3A_198 = arith.mulf %get3A_194, %get3A_197 : vector<16xf32>
          %add3A_199 = arith.addf %add3A_191, %mul3A_198 : vector<16xf32>
          %get3A_200 = arith.index_cast %add3A_177 : i32 to index
          %get3A_201 = arith.constant 48 : index
          %get3A_202 = tpu.vector_load %arg13[%get3A_200, %get3A_201] {strides = array<i32>} : memref<128x128xf32, #tpu.memory_space<vmem>>, vector<16xf32>,
          %get3A_203 = arith.index_cast %add3A_177 : i32 to index
          %get3A_204 = arith.constant 48 : index
          %get3A_205 = tpu.vector_load %arg16[%get3A_203, %get3A_204] {strides = array<i32>} : memref<128x128xf32, #tpu.memory_space<vmem>>, vector<16xf32>,
          %mul3A_206 = arith.mulf %get3A_202, %get3A_205 : vector<16xf32>
          %add3A_207 = arith.addf %add3A_199, %mul3A_206 : vector<16xf32>
          %get3A_208 = arith.index_cast %add3A_177 : i32 to index
          %get3A_209 = arith.constant 64 : index
          %get3A_210 = tpu.vector_load %arg13[%get3A_208, %get3A_209] {strides = array<i32>} : memref<128x128xf32, #tpu.memory_space<vmem>>, vector<16xf32>,
          %get3A_211 = arith.index_cast %add3A_177 : i32 to index
          %get3A_212 = arith.constant 64 : index
          %get3A_213 = tpu.vector_load %arg16[%get3A_211, %get3A_212] {strides = array<i32>} : memref<128x128xf32, #tpu.memory_space<vmem>>, vector<16xf32>,
          %mul3A_214 = arith.mulf %get3A_210, %get3A_213 : vector<16xf32>
          %add3A_215 = arith.addf %add3A_207, %mul3A_214 : vector<16xf32>
          %get3A_216 = arith.index_cast %add3A_177 : i32 to index
          %get3A_217 = arith.constant 80 : index
          %get3A_218 = tpu.vector_load %arg13[%get3A_216, %get3A_217] {strides = array<i32>} : memref<128x128xf32, #tpu.memory_space<vmem>>, vector<16xf32>,
          %get3A_219 = arith.index_cast %add3A_177 : i32 to index
          %get3A_220 = arith.constant 80 : index
          %get3A_221 = tpu.vector_load %arg16[%get3A_219, %get3A_220] {strides = array<i32>} : memref<128x128xf32, #tpu.memory_space<vmem>>, vector<16xf32>,
          %mul3A_222 = arith.mulf %get3A_218, %get3A_221 : vector<16xf32>
          %add3A_223 = arith.addf %add3A_215, %mul3A_222 : vector<16xf32>
          %get3A_224 = arith.index_cast %add3A_177 : i32 to index
          %get3A_225 = arith.constant 96 : index
          %get3A_226 = tpu.vector_load %arg13[%get3A_224, %get3A_225] {strides = array<i32>} : memref<128x128xf32, #tpu.memory_space<vmem>>, vector<16xf32>,
          %get3A_227 = arith.index_cast %add3A_177 : i32 to index
          %get3A_228 = arith.constant 96 : index
          %get3A_229 = tpu.vector_load %arg16[%get3A_227, %get3A_228] {strides = array<i32>} : memref<128x128xf32, #tpu.memory_space<vmem>>, vector<16xf32>,
          %mul3A_230 = arith.mulf %get3A_226, %get3A_229 : vector<16xf32>
          %add3A_231 = arith.addf %add3A_223, %mul3A_230 : vector<16xf32>
          %get3A_232 = arith.index_cast %add3A_177 : i32 to index
          %get3A_233 = arith.constant 112 : index
          %get3A_234 = tpu.vector_load %arg13[%get3A_232, %get3A_233] {strides = array<i32>} : memref<128x128xf32, #tpu.memory_space<vmem>>, vector<16xf32>,
          %get3A_235 = arith.index_cast %add3A_177 : i32 to index
          %get3A_236 = arith.constant 112 : index
          %get3A_237 = tpu.vector_load %arg16[%get3A_235, %get3A_236] {strides = array<i32>} : memref<128x128xf32, #tpu.memory_space<vmem>>, vector<16xf32>,
          %mul3A_238 = arith.mulf %get3A_234, %get3A_237 : vector<16xf32>
          %add3A_239 = arith.addf %add3A_231, %mul3A_238 : vector<16xf32>
          %mul3A_240 = arith.constant 4 : i32
          %mul3A_241 = arith.muli %scan3A_169, %mul3A_240 : i32
          %add3A_242 = arith.constant 0 : i32
          %add3A_243 = arith.addi %mul3A_241, %add3A_242 : i32
          %eq3A_244 = vector.broadcast %add3A_243 : i32 to vector<16xi32>
          %eq3A_245 = arith.cmpi eq, %iota3A, %eq3A_244 : vector<16xi32>
          %reduce_sum3A = arith.constant true
          %reduce_sum3A_246 = vector.broadcast %reduce_sum3A : i1 to vector<16xi1>
          %reduce_sum3A_247 = tpu.scan <sum>, %add3A_239 masked %reduce_sum3A_246 : vector<16xf32>, vector<16xi1> -> vector<16xf32>
          %reduce_sum3A_248 = vector.extract %reduce_sum3A_247[15] : f32 from vector<16xf32>
          %broadcast_in_dim3A_249 = vector.broadcast %reduce_sum3A_248 : f32 to vector<16xf32>
          %select_n3A_250 = arith.select %eq3A_245, %broadcast_in_dim3A_249, %scan3A_170 : vector<16xi1>, vector<16xf32>
          %mul3A_251 = arith.constant 16 : i32
          %mul3A_252 = arith.muli %scan3A_158, %mul3A_251 : i32
          %mul3A_253 = arith.constant 4 : i32
          %mul3A_254 = arith.muli %scan3A_169, %mul3A_253 : i32
          %add3A_255 = arith.addi %mul3A_252, %mul3A_254 : i32
          %add3A_256 = arith.constant 1 : i32
          %add3A_257 = arith.addi %add3A_255, %add3A_256 : i32
          %get3A_258 = arith.index_cast %add3A_257 : i32 to index
          %get3A_259 = arith.constant 0 : index
          %get3A_260 = tpu.vector_load %arg13[%get3A_258, %get3A_259] {strides = array<i32>} : memref<128x128xf32, #tpu.memory_space<vmem>>, vector<16xf32>,
          %get3A_261 = arith.index_cast %add3A_257 : i32 to index
          %get3A_262 = arith.constant 0 : index
          %get3A_263 = tpu.vector_load %arg16[%get3A_261, %get3A_262] {strides = array<i32>} : memref<128x128xf32, #tpu.memory_space<vmem>>, vector<16xf32>,
          %mul3A_264 = arith.mulf %get3A_260, %get3A_263 : vector<16xf32>
          %get3A_265 = arith.index_cast %add3A_257 : i32 to index
          %get3A_266 = arith.constant 16 : index
          %get3A_267 = tpu.vector_load %arg13[%get3A_265, %get3A_266] {strides = array<i32>} : memref<128x128xf32, #tpu.memory_space<vmem>>, vector<16xf32>,
          %get3A_268 = arith.index_cast %add3A_257 : i32 to index
          %get3A_269 = arith.constant 16 : index
          %get3A_270 = tpu.vector_load %arg16[%get3A_268, %get3A_269] {strides = array<i32>} : memref<128x128xf32, #tpu.memory_space<vmem>>, vector<16xf32>,
          %mul3A_271 = arith.mulf %get3A_267, %get3A_270 : vector<16xf32>
          %add3A_272 = arith.addf %mul3A_264, %mul3A_271 : vector<16xf32>
          %get3A_273 = arith.index_cast %add3A_257 : i32 to index
          %get3A_274 = arith.constant 32 : index
          %get3A_275 = tpu.vector_load %arg13[%get3A_273, %get3A_274] {strides = array<i32>} : memref<128x128xf32, #tpu.memory_space<vmem>>, vector<16xf32>,
          %get3A_276 = arith.index_cast %add3A_257 : i32 to index
          %get3A_277 = arith.constant 32 : index
          %get3A_278 = tpu.vector_load %arg16[%get3A_276, %get3A_277] {strides = array<i32>} : memref<128x128xf32, #tpu.memory_space<vmem>>, vector<16xf32>,
          %mul3A_279 = arith.mulf %get3A_275, %get3A_278 : vector<16xf32>
          %add3A_280 = arith.addf %add3A_272, %mul3A_279 : vector<16xf32>
          %get3A_281 = arith.index_cast %add3A_257 : i32 to index
          %get3A_282 = arith.constant 48 : index
          %get3A_283 = tpu.vector_load %arg13[%get3A_281, %get3A_282] {strides = array<i32>} : memref<128x128xf32, #tpu.memory_space<vmem>>, vector<16xf32>,
          %get3A_284 = arith.index_cast %add3A_257 : i32 to index
          %get3A_285 = arith.constant 48 : index
          %get3A_286 = tpu.vector_load %arg16[%get3A_284, %get3A_285] {strides = array<i32>} : memref<128x128xf32, #tpu.memory_space<vmem>>, vector<16xf32>,
          %mul3A_287 = arith.mulf %get3A_283, %get3A_286 : vector<16xf32>
          %add3A_288 = arith.addf %add3A_280, %mul3A_287 : vector<16xf32>
          %get3A_289 = arith.index_cast %add3A_257 : i32 to index
          %get3A_290 = arith.constant 64 : index
          %get3A_291 = tpu.vector_load %arg13[%get3A_289, %get3A_290] {strides = array<i32>} : memref<128x128xf32, #tpu.memory_space<vmem>>, vector<16xf32>,
          %get3A_292 = arith.index_cast %add3A_257 : i32 to index
          %get3A_293 = arith.constant 64 : index
          %get3A_294 = tpu.vector_load %arg16[%get3A_292, %get3A_293] {strides = array<i32>} : memref<128x128xf32, #tpu.memory_space<vmem>>, vector<16xf32>,
          %mul3A_295 = arith.mulf %get3A_291, %get3A_294 : vector<16xf32>
          %add3A_296 = arith.addf %add3A_288, %mul3A_295 : vector<16xf32>
          %get3A_297 = arith.index_cast %add3A_257 : i32 to index
          %get3A_298 = arith.constant 80 : index
          %get3A_299 = tpu.vector_load %arg13[%get3A_297, %get3A_298] {strides = array<i32>} : memref<128x128xf32, #tpu.memory_space<vmem>>, vector<16xf32>,
          %get3A_300 = arith.index_cast %add3A_257 : i32 to index
          %get3A_301 = arith.constant 80 : index
          %get3A_302 = tpu.vector_load %arg16[%get3A_300, %get3A_301] {strides = array<i32>} : memref<128x128xf32, #tpu.memory_space<vmem>>, vector<16xf32>,
          %mul3A_303 = arith.mulf %get3A_299, %get3A_302 : vector<16xf32>
          %add3A_304 = arith.addf %add3A_296, %mul3A_303 : vector<16xf32>
          %get3A_305 = arith.index_cast %add3A_257 : i32 to index
          %get3A_306 = arith.constant 96 : index
          %get3A_307 = tpu.vector_load %arg13[%get3A_305, %get3A_306] {strides = array<i32>} : memref<128x128xf32, #tpu.memory_space<vmem>>, vector<16xf32>,
          %get3A_308 = arith.index_cast %add3A_257 : i32 to index
          %get3A_309 = arith.constant 96 : index
          %get3A_310 = tpu.vector_load %arg16[%get3A_308, %get3A_309] {strides = array<i32>} : memref<128x128xf32, #tpu.memory_space<vmem>>, vector<16xf32>,
          %mul3A_311 = arith.mulf %get3A_307, %get3A_310 : vector<16xf32>
          %add3A_312 = arith.addf %add3A_304, %mul3A_311 : vector<16xf32>
          %get3A_313 = arith.index_cast %add3A_257 : i32 to index
          %get3A_314 = arith.constant 112 : index
          %get3A_315 = tpu.vector_load %arg13[%get3A_313, %get3A_314] {strides = array<i32>} : memref<128x128xf32, #tpu.memory_space<vmem>>, vector<16xf32>,
          %get3A_316 = arith.index_cast %add3A_257 : i32 to index
          %get3A_317 = arith.constant 112 : index
          %get3A_318 = tpu.vector_load %arg16[%get3A_316, %get3A_317] {strides = array<i32>} : memref<128x128xf32, #tpu.memory_space<vmem>>, vector<16xf32>,
          %mul3A_319 = arith.mulf %get3A_315, %get3A_318 : vector<16xf32>
          %add3A_320 = arith.addf %add3A_312, %mul3A_319 : vector<16xf32>
          %mul3A_321 = arith.constant 4 : i32
          %mul3A_322 = arith.muli %scan3A_169, %mul3A_321 : i32
          %add3A_323 = arith.constant 1 : i32
          %add3A_324 = arith.addi %mul3A_322, %add3A_323 : i32
          %eq3A_325 = vector.broadcast %add3A_324 : i32 to vector<16xi32>
          %eq3A_326 = arith.cmpi eq, %iota3A, %eq3A_325 : vector<16xi32>
          %reduce_sum3A_327 = arith.constant true
          %reduce_sum3A_328 = vector.broadcast %reduce_sum3A_327 : i1 to vector<16xi1>
          %reduce_sum3A_329 = tpu.scan <sum>, %add3A_320 masked %reduce_sum3A_328 : vector<16xf32>, vector<16xi1> -> vector<16xf32>
          %reduce_sum3A_330 = vector.extract %reduce_sum3A_329[15] : f32 from vector<16xf32>
          %broadcast_in_dim3A_331 = vector.broadcast %reduce_sum3A_330 : f32 to vector<16xf32>
          %select_n3A_332 = arith.select %eq3A_326, %broadcast_in_dim3A_331, %select_n3A_250 : vector<16xi1>, vector<16xf32>
          %mul3A_333 = arith.constant 16 : i32
          %mul3A_334 = arith.muli %scan3A_158, %mul3A_333 : i32
          %mul3A_335 = arith.constant 4 : i32
          %mul3A_336 = arith.muli %scan3A_169, %mul3A_335 : i32
          %add3A_337 = arith.addi %mul3A_334, %mul3A_336 : i32
          %add3A_338 = arith.constant 2 : i32
          %add3A_339 = arith.addi %add3A_337, %add3A_338 : i32
          %get3A_340 = arith.index_cast %add3A_339 : i32 to index
          %get3A_341 = arith.constant 0 : index
          %get3A_342 = tpu.vector_load %arg13[%get3A_340, %get3A_341] {strides = array<i32>} : memref<128x128xf32, #tpu.memory_space<vmem>>, vector<16xf32>,
          %get3A_343 = arith.index_cast %add3A_339 : i32 to index
          %get3A_344 = arith.constant 0 : index
          %get3A_345 = tpu.vector_load %arg16[%get3A_343, %get3A_344] {strides = array<i32>} : memref<128x128xf32, #tpu.memory_space<vmem>>, vector<16xf32>,
          %mul3A_346 = arith.mulf %get3A_342, %get3A_345 : vector<16xf32>
          %get3A_347 = arith.index_cast %add3A_339 : i32 to index
          %get3A_348 = arith.constant 16 : index
          %get3A_349 = tpu.vector_load %arg13[%get3A_347, %get3A_348] {strides = array<i32>} : memref<128x128xf32, #tpu.memory_space<vmem>>, vector<16xf32>,
          %get3A_350 = arith.index_cast %add3A_339 : i32 to index
          %get3A_351 = arith.constant 16 : index
          %get3A_352 = tpu.vector_load %arg16[%get3A_350, %get3A_351] {strides = array<i32>} : memref<128x128xf32, #tpu.memory_space<vmem>>, vector<16xf32>,
          %mul3A_353 = arith.mulf %get3A_349, %get3A_352 : vector<16xf32>
          %add3A_354 = arith.addf %mul3A_346, %mul3A_353 : vector<16xf32>
          %get3A_355 = arith.index_cast %add3A_339 : i32 to index
          %get3A_356 = arith.constant 32 : index
          %get3A_357 = tpu.vector_load %arg13[%get3A_355, %get3A_356] {strides = array<i32>} : memref<128x128xf32, #tpu.memory_space<vmem>>, vector<16xf32>,
          %get3A_358 = arith.index_cast %add3A_339 : i32 to index
          %get3A_359 = arith.constant 32 : index
          %get3A_360 = tpu.vector_load %arg16[%get3A_358, %get3A_359] {strides = array<i32>} : memref<128x128xf32, #tpu.memory_space<vmem>>, vector<16xf32>,
          %mul3A_361 = arith.mulf %get3A_357, %get3A_360 : vector<16xf32>
          %add3A_362 = arith.addf %add3A_354, %mul3A_361 : vector<16xf32>
          %get3A_363 = arith.index_cast %add3A_339 : i32 to index
          %get3A_364 = arith.constant 48 : index
          %get3A_365 = tpu.vector_load %arg13[%get3A_363, %get3A_364] {strides = array<i32>} : memref<128x128xf32, #tpu.memory_space<vmem>>, vector<16xf32>,
          %get3A_366 = arith.index_cast %add3A_339 : i32 to index
          %get3A_367 = arith.constant 48 : index
          %get3A_368 = tpu.vector_load %arg16[%get3A_366, %get3A_367] {strides = array<i32>} : memref<128x128xf32, #tpu.memory_space<vmem>>, vector<16xf32>,
          %mul3A_369 = arith.mulf %get3A_365, %get3A_368 : vector<16xf32>
          %add3A_370 = arith.addf %add3A_362, %mul3A_369 : vector<16xf32>
          %get3A_371 = arith.index_cast %add3A_339 : i32 to index
          %get3A_372 = arith.constant 64 : index
          %get3A_373 = tpu.vector_load %arg13[%get3A_371, %get3A_372] {strides = array<i32>} : memref<128x128xf32, #tpu.memory_space<vmem>>, vector<16xf32>,
          %get3A_374 = arith.index_cast %add3A_339 : i32 to index
          %get3A_375 = arith.constant 64 : index
          %get3A_376 = tpu.vector_load %arg16[%get3A_374, %get3A_375] {strides = array<i32>} : memref<128x128xf32, #tpu.memory_space<vmem>>, vector<16xf32>,
          %mul3A_377 = arith.mulf %get3A_373, %get3A_376 : vector<16xf32>
          %add3A_378 = arith.addf %add3A_370, %mul3A_377 : vector<16xf32>
          %get3A_379 = arith.index_cast %add3A_339 : i32 to index
          %get3A_380 = arith.constant 80 : index
          %get3A_381 = tpu.vector_load %arg13[%get3A_379, %get3A_380] {strides = array<i32>} : memref<128x128xf32, #tpu.memory_space<vmem>>, vector<16xf32>,
          %get3A_382 = arith.index_cast %add3A_339 : i32 to index
          %get3A_383 = arith.constant 80 : index
          %get3A_384 = tpu.vector_load %arg16[%get3A_382, %get3A_383] {strides = array<i32>} : memref<128x128xf32, #tpu.memory_space<vmem>>, vector<16xf32>,
          %mul3A_385 = arith.mulf %get3A_381, %get3A_384 : vector<16xf32>
          %add3A_386 = arith.addf %add3A_378, %mul3A_385 : vector<16xf32>
          %get3A_387 = arith.index_cast %add3A_339 : i32 to index
          %get3A_388 = arith.constant 96 : index
          %get3A_389 = tpu.vector_load %arg13[%get3A_387, %get3A_388] {strides = array<i32>} : memref<128x128xf32, #tpu.memory_space<vmem>>, vector<16xf32>,
          %get3A_390 = arith.index_cast %add3A_339 : i32 to index
          %get3A_391 = arith.constant 96 : index
          %get3A_392 = tpu.vector_load %arg16[%get3A_390, %get3A_391] {strides = array<i32>} : memref<128x128xf32, #tpu.memory_space<vmem>>, vector<16xf32>,
          %mul3A_393 = arith.mulf %get3A_389, %get3A_392 : vector<16xf32>
          %add3A_394 = arith.addf %add3A_386, %mul3A_393 : vector<16xf32>
          %get3A_395 = arith.index_cast %add3A_339 : i32 to index
          %get3A_396 = arith.constant 112 : index
          %get3A_397 = tpu.vector_load %arg13[%get3A_395, %get3A_396] {strides = array<i32>} : memref<128x128xf32, #tpu.memory_space<vmem>>, vector<16xf32>,
          %get3A_398 = arith.index_cast %add3A_339 : i32 to index
          %get3A_399 = arith.constant 112 : index
          %get3A_400 = tpu.vector_load %arg16[%get3A_398, %get3A_399] {strides = array<i32>} : memref<128x128xf32, #tpu.memory_space<vmem>>, vector<16xf32>,
          %mul3A_401 = arith.mulf %get3A_397, %get3A_400 : vector<16xf32>
          %add3A_402 = arith.addf %add3A_394, %mul3A_401 : vector<16xf32>
          %mul3A_403 = arith.constant 4 : i32
          %mul3A_404 = arith.muli %scan3A_169, %mul3A_403 : i32
          %add3A_405 = arith.constant 2 : i32
          %add3A_406 = arith.addi %mul3A_404, %add3A_405 : i32
          %eq3A_407 = vector.broadcast %add3A_406 : i32 to vector<16xi32>
          %eq3A_408 = arith.cmpi eq, %iota3A, %eq3A_407 : vector<16xi32>
          %reduce_sum3A_409 = arith.constant true
          %reduce_sum3A_410 = vector.broadcast %reduce_sum3A_409 : i1 to vector<16xi1>
          %reduce_sum3A_411 = tpu.scan <sum>, %add3A_402 masked %reduce_sum3A_410 : vector<16xf32>, vector<16xi1> -> vector<16xf32>
          %reduce_sum3A_412 = vector.extract %reduce_sum3A_411[15] : f32 from vector<16xf32>
          %broadcast_in_dim3A_413 = vector.broadcast %reduce_sum3A_412 : f32 to vector<16xf32>
          %select_n3A_414 = arith.select %eq3A_408, %broadcast_in_dim3A_413, %select_n3A_332 : vector<16xi1>, vector<16xf32>
          %mul3A_415 = arith.constant 16 : i32
          %mul3A_416 = arith.muli %scan3A_158, %mul3A_415 : i32
          %mul3A_417 = arith.constant 4 : i32
          %mul3A_418 = arith.muli %scan3A_169, %mul3A_417 : i32
          %add3A_419 = arith.addi %mul3A_416, %mul3A_418 : i32
          %add3A_420 = arith.constant 3 : i32
          %add3A_421 = arith.addi %add3A_419, %add3A_420 : i32
          %get3A_422 = arith.index_cast %add3A_421 : i32 to index
          %get3A_423 = arith.constant 0 : index
          %get3A_424 = tpu.vector_load %arg13[%get3A_422, %get3A_423] {strides = array<i32>} : memref<128x128xf32, #tpu.memory_space<vmem>>, vector<16xf32>,
          %get3A_425 = arith.index_cast %add3A_421 : i32 to index
          %get3A_426 = arith.constant 0 : index
          %get3A_427 = tpu.vector_load %arg16[%get3A_425, %get3A_426] {strides = array<i32>} : memref<128x128xf32, #tpu.memory_space<vmem>>, vector<16xf32>,
          %mul3A_428 = arith.mulf %get3A_424, %get3A_427 : vector<16xf32>
          %get3A_429 = arith.index_cast %add3A_421 : i32 to index
          %get3A_430 = arith.constant 16 : index
          %get3A_431 = tpu.vector_load %arg13[%get3A_429, %get3A_430] {strides = array<i32>} : memref<128x128xf32, #tpu.memory_space<vmem>>, vector<16xf32>,
          %get3A_432 = arith.index_cast %add3A_421 : i32 to index
          %get3A_433 = arith.constant 16 : index
          %get3A_434 = tpu.vector_load %arg16[%get3A_432, %get3A_433] {strides = array<i32>} : memref<128x128xf32, #tpu.memory_space<vmem>>, vector<16xf32>,
          %mul3A_435 = arith.mulf %get3A_431, %get3A_434 : vector<16xf32>
          %add3A_436 = arith.addf %mul3A_428, %mul3A_435 : vector<16xf32>
          %get3A_437 = arith.index_cast %add3A_421 : i32 to index
          %get3A_438 = arith.constant 32 : index
          %get3A_439 = tpu.vector_load %arg13[%get3A_437, %get3A_438] {strides = array<i32>} : memref<128x128xf32, #tpu.memory_space<vmem>>, vector<16xf32>,
          %get3A_440 = arith.index_cast %add3A_421 : i32 to index
          %get3A_441 = arith.constant 32 : index
          %get3A_442 = tpu.vector_load %arg16[%get3A_440, %get3A_441] {strides = array<i32>} : memref<128x128xf32, #tpu.memory_space<vmem>>, vector<16xf32>,
          %mul3A_443 = arith.mulf %get3A_439, %get3A_442 : vector<16xf32>
          %add3A_444 = arith.addf %add3A_436, %mul3A_443 : vector<16xf32>
          %get3A_445 = arith.index_cast %add3A_421 : i32 to index
          %get3A_446 = arith.constant 48 : index
          %get3A_447 = tpu.vector_load %arg13[%get3A_445, %get3A_446] {strides = array<i32>} : memref<128x128xf32, #tpu.memory_space<vmem>>, vector<16xf32>,
          %get3A_448 = arith.index_cast %add3A_421 : i32 to index
          %get3A_449 = arith.constant 48 : index
          %get3A_450 = tpu.vector_load %arg16[%get3A_448, %get3A_449] {strides = array<i32>} : memref<128x128xf32, #tpu.memory_space<vmem>>, vector<16xf32>,
          %mul3A_451 = arith.mulf %get3A_447, %get3A_450 : vector<16xf32>
          %add3A_452 = arith.addf %add3A_444, %mul3A_451 : vector<16xf32>
          %get3A_453 = arith.index_cast %add3A_421 : i32 to index
          %get3A_454 = arith.constant 64 : index
          %get3A_455 = tpu.vector_load %arg13[%get3A_453, %get3A_454] {strides = array<i32>} : memref<128x128xf32, #tpu.memory_space<vmem>>, vector<16xf32>,
          %get3A_456 = arith.index_cast %add3A_421 : i32 to index
          %get3A_457 = arith.constant 64 : index
          %get3A_458 = tpu.vector_load %arg16[%get3A_456, %get3A_457] {strides = array<i32>} : memref<128x128xf32, #tpu.memory_space<vmem>>, vector<16xf32>,
          %mul3A_459 = arith.mulf %get3A_455, %get3A_458 : vector<16xf32>
          %add3A_460 = arith.addf %add3A_452, %mul3A_459 : vector<16xf32>
          %get3A_461 = arith.index_cast %add3A_421 : i32 to index
          %get3A_462 = arith.constant 80 : index
          %get3A_463 = tpu.vector_load %arg13[%get3A_461, %get3A_462] {strides = array<i32>} : memref<128x128xf32, #tpu.memory_space<vmem>>, vector<16xf32>,
          %get3A_464 = arith.index_cast %add3A_421 : i32 to index
          %get3A_465 = arith.constant 80 : index
          %get3A_466 = tpu.vector_load %arg16[%get3A_464, %get3A_465] {strides = array<i32>} : memref<128x128xf32, #tpu.memory_space<vmem>>, vector<16xf32>,
          %mul3A_467 = arith.mulf %get3A_463, %get3A_466 : vector<16xf32>
          %add3A_468 = arith.addf %add3A_460, %mul3A_467 : vector<16xf32>
          %get3A_469 = arith.index_cast %add3A_421 : i32 to index
          %get3A_470 = arith.constant 96 : index
          %get3A_471 = tpu.vector_load %arg13[%get3A_469, %get3A_470] {strides = array<i32>} : memref<128x128xf32, #tpu.memory_space<vmem>>, vector<16xf32>,
          %get3A_472 = arith.index_cast %add3A_421 : i32 to index
          %get3A_473 = arith.constant 96 : index
          %get3A_474 = tpu.vector_load %arg16[%get3A_472, %get3A_473] {strides = array<i32>} : memref<128x128xf32, #tpu.memory_space<vmem>>, vector<16xf32>,
          %mul3A_475 = arith.mulf %get3A_471, %get3A_474 : vector<16xf32>
          %add3A_476 = arith.addf %add3A_468, %mul3A_475 : vector<16xf32>
          %get3A_477 = arith.index_cast %add3A_421 : i32 to index
          %get3A_478 = arith.constant 112 : index
          %get3A_479 = tpu.vector_load %arg13[%get3A_477, %get3A_478] {strides = array<i32>} : memref<128x128xf32, #tpu.memory_space<vmem>>, vector<16xf32>,
          %get3A_480 = arith.index_cast %add3A_421 : i32 to index
          %get3A_481 = arith.constant 112 : index
          %get3A_482 = tpu.vector_load %arg16[%get3A_480, %get3A_481] {strides = array<i32>} : memref<128x128xf32, #tpu.memory_space<vmem>>, vector<16xf32>,
          %mul3A_483 = arith.mulf %get3A_479, %get3A_482 : vector<16xf32>
          %add3A_484 = arith.addf %add3A_476, %mul3A_483 : vector<16xf32>
          %mul3A_485 = arith.constant 4 : i32
          %mul3A_486 = arith.muli %scan3A_169, %mul3A_485 : i32
          %add3A_487 = arith.constant 3 : i32
          %add3A_488 = arith.addi %mul3A_486, %add3A_487 : i32
          %eq3A_489 = vector.broadcast %add3A_488 : i32 to vector<16xi32>
          %eq3A_490 = arith.cmpi eq, %iota3A, %eq3A_489 : vector<16xi32>
          %reduce_sum3A_491 = arith.constant true
          %reduce_sum3A_492 = vector.broadcast %reduce_sum3A_491 : i1 to vector<16xi1>
          %reduce_sum3A_493 = tpu.scan <sum>, %add3A_484 masked %reduce_sum3A_492 : vector<16xf32>, vector<16xi1> -> vector<16xf32>
          %reduce_sum3A_494 = vector.extract %reduce_sum3A_493[15] : f32 from vector<16xf32>
          %broadcast_in_dim3A_495 = vector.broadcast %reduce_sum3A_494 : f32 to vector<16xf32>
          %select_n3A_496 = arith.select %eq3A_490, %broadcast_in_dim3A_495, %select_n3A_414 : vector<16xi1>, vector<16xf32>
          scf.yield %select_n3A_496 : vector<16xf32>
        }
        %scan3A_165 = arith.constant 4 : i32
        %mul3A_166 = arith.constant 16 : i32
        %mul3A_167 = arith.muli %scan3A_158, %mul3A_166 : i32
        %swap3A = arith.index_cast %mul3A_167 : i32 to index
        %swap3A_168 = tpu.vector_load %arg19[%swap3A] {strides = array<i32>} : memref<128xf32, #tpu.memory_space<vmem>>, vector<16xf32>,
        tpu.vector_store %arg19[%swap3A], %scan3A_164 {strides = array<i32>} : memref<128xf32, #tpu.memory_space<vmem>>, vector<16xf32>,
      }
      %scan3A_114 = arith.constant 8 : i32
      %mul3A_115 = arith.constant 128 : i32
      %mul3A_116 = arith.muli %add3A_97, %mul3A_115 : i32
      %add3A_117 = arith.addi %mul3A_10, %mul3A_116 : i32
      %dma_start3A_118 = tpu.memref_slice %arg5[%add3A_117] : memref<602112xf32, #tpu.memory_space<hbm>> -> memref<128xf32, #tpu.memory_space<hbm>>
      %dma_start3A_119 = tpu.memref_slice %arg5[%add3A_117] : memref<602112xf32, #tpu.memory_space<hbm>> -> memref<128xf32, #tpu.memory_space<hbm>>
      tpu.enqueue_dma source(%arg19 : memref<128xf32, #tpu.memory_space<vmem>>) target(%dma_start3A_119 : memref<128xf32, #tpu.memory_space<hbm>>) target_semaphore(%arg28 : memref<!tpu.dma_semaphore, #tpu.memory_space<semaphore_mem>>)
      %add3A_120 = arith.constant 3 : i32
      %add3A_121 = arith.addi %add3A_97, %add3A_120 : i32
      %lt3A_122 = arith.cmpi slt, %add3A_121, %select_n3A : i32
      %convert_element_type3A_123 = arith.extui %lt3A_122 : i1 to i32
      %cond3A_124 = arith.constant 0 : i32
      %cond3A_125 = arith.cmpi ne, %convert_element_type3A_123, %cond3A_124 : i32
      scf.if %cond3A_125 {
        %mul3A_158 = arith.constant 128 : i32
        %mul3A_159 = arith.muli %add3A_121, %mul3A_158 : i32
        %add3A_160 = arith.addi %mul3A_10, %mul3A_159 : i32
        "tpu.region"() ({
          %run_scoped3A = tpu.sem_alloc : memref<!tpu.dma_semaphore, #tpu.memory_space<semaphore_mem>>
          %dma_start3A_167 = tpu.memref_slice %arg3[%add3A_160] : memref<602112xi32, #tpu.memory_space<hbm>> -> memref<128xi32, #tpu.memory_space<hbm>>
          %dma_start3A_168 = tpu.memref_slice %arg3[%add3A_160] : memref<602112xi32, #tpu.memory_space<hbm>> -> memref<128xi32, #tpu.memory_space<hbm>>
          tpu.enqueue_dma source(%dma_start3A_168 : memref<128xi32, #tpu.memory_space<hbm>>) target(%arg7 : memref<128xi32, #tpu.memory_space<vmem>>) target_semaphore(%run_scoped3A : memref<!tpu.dma_semaphore, #tpu.memory_space<semaphore_mem>>)
          %dma_wait3A_169 = tpu.memref_slice %arg3[%add3A_160] : memref<602112xi32, #tpu.memory_space<hbm>> -> memref<128xi32, #tpu.memory_space<hbm>>
          %dma_wait3A_170 = tpu.memref_slice %arg3[%add3A_160] : memref<602112xi32, #tpu.memory_space<hbm>> -> memref<128xi32, #tpu.memory_space<hbm>>
          tpu.wait_dma2 semaphore(%run_scoped3A : memref<!tpu.dma_semaphore, #tpu.memory_space<semaphore_mem>>) src(%dma_wait3A_170 : memref<128xi32, #tpu.memory_space<hbm>>) dst(%arg7 : memref<128xi32, #tpu.memory_space<vmem>>)
          tpu.yield
        }) : () -> ()
        "tpu.region"() ({
          %run_scoped3A = tpu.sem_alloc : memref<!tpu.dma_semaphore, #tpu.memory_space<semaphore_mem>>
          %dma_start3A_167 = tpu.memref_slice %arg4[%add3A_160] : memref<602112xi32, #tpu.memory_space<hbm>> -> memref<128xi32, #tpu.memory_space<hbm>>
          %dma_start3A_168 = tpu.memref_slice %arg4[%add3A_160] : memref<602112xi32, #tpu.memory_space<hbm>> -> memref<128xi32, #tpu.memory_space<hbm>>
          tpu.enqueue_dma source(%dma_start3A_168 : memref<128xi32, #tpu.memory_space<hbm>>) target(%arg10 : memref<128xi32, #tpu.memory_space<vmem>>) target_semaphore(%run_scoped3A : memref<!tpu.dma_semaphore, #tpu.memory_space<semaphore_mem>>)
          %dma_wait3A_169 = tpu.memref_slice %arg4[%add3A_160] : memref<602112xi32, #tpu.memory_space<hbm>> -> memref<128xi32, #tpu.memory_space<hbm>>
          %dma_wait3A_170 = tpu.memref_slice %arg4[%add3A_160] : memref<602112xi32, #tpu.memory_space<hbm>> -> memref<128xi32, #tpu.memory_space<hbm>>
          tpu.wait_dma2 semaphore(%run_scoped3A : memref<!tpu.dma_semaphore, #tpu.memory_space<semaphore_mem>>) src(%dma_wait3A_170 : memref<128xi32, #tpu.memory_space<hbm>>) dst(%arg10 : memref<128xi32, #tpu.memory_space<vmem>>)
          tpu.yield
        }) : () -> ()
        %dma_start3A_161 = arith.constant 0 : i32
        %dma_start3A_162 = arith.constant 0 : i32
        %dma_start3A_163 = tpu.memref_slice %arg2[%dma_start3A_161, %dma_start3A_162] : memref<100000x128xf32, #tpu.memory_space<hbm>> -> memref<100000x128xf32, #tpu.memory_space<hbm>>
        tpu.enqueue_indirect_dma source(%dma_start3A_163 : memref<100000x128xf32, #tpu.memory_space<hbm>>) target(%arg13 : memref<128x128xf32, #tpu.memory_space<vmem>>) offsets(%arg7 : memref<128xi32, #tpu.memory_space<vmem>>) semaphore(%arg22 : memref<!tpu.dma_semaphore, #tpu.memory_space<semaphore_mem>>)
        %dma_start3A_164 = arith.constant 0 : i32
        %dma_start3A_165 = arith.constant 0 : i32
        %dma_start3A_166 = tpu.memref_slice %arg2[%dma_start3A_164, %dma_start3A_165] : memref<100000x128xf32, #tpu.memory_space<hbm>> -> memref<100000x128xf32, #tpu.memory_space<hbm>>
        tpu.enqueue_indirect_dma source(%dma_start3A_166 : memref<100000x128xf32, #tpu.memory_space<hbm>>) target(%arg16 : memref<128x128xf32, #tpu.memory_space<vmem>>) offsets(%arg10 : memref<128xi32, #tpu.memory_space<vmem>>) semaphore(%arg25 : memref<!tpu.dma_semaphore, #tpu.memory_space<semaphore_mem>>)
      } else {
      }
      %mul3A_126 = arith.constant 3 : i32
      %mul3A_127 = arith.muli %while3A_66, %mul3A_126 : i32
      %add3A_128 = arith.constant 2 : i32
      %add3A_129 = arith.addi %mul3A_127, %add3A_128 : i32
      %dma_wait3A_130 = arith.constant 0 : i32
      %dma_wait3A_131 = arith.constant 0 : i32
      %dma_wait3A_132 = tpu.memref_slice %arg2[%dma_wait3A_130, %dma_wait3A_131] : memref<100000x128xf32, #tpu.memory_space<hbm>> -> memref<100000x128xf32, #tpu.memory_space<hbm>>
      tpu.wait_indirect_dma semaphore(%arg23 : memref<!tpu.dma_semaphore, #tpu.memory_space<semaphore_mem>>) src(%dma_wait3A_132 : memref<100000x128xf32, #tpu.memory_space<hbm>>) dst(%arg14 : memref<128x128xf32, #tpu.memory_space<vmem>>)
      %dma_wait3A_133 = arith.constant 0 : i32
      %dma_wait3A_134 = arith.constant 0 : i32
      %dma_wait3A_135 = tpu.memref_slice %arg2[%dma_wait3A_133, %dma_wait3A_134] : memref<100000x128xf32, #tpu.memory_space<hbm>> -> memref<100000x128xf32, #tpu.memory_space<hbm>>
      tpu.wait_indirect_dma semaphore(%arg26 : memref<!tpu.dma_semaphore, #tpu.memory_space<semaphore_mem>>) src(%dma_wait3A_135 : memref<100000x128xf32, #tpu.memory_space<hbm>>) dst(%arg17 : memref<128x128xf32, #tpu.memory_space<vmem>>)
      %ge3A_136 = arith.constant 3 : i32
      %ge3A_137 = arith.cmpi sge, %add3A_129, %ge3A_136 : i32
      %convert_element_type3A_138 = arith.extui %ge3A_137 : i1 to i32
      %cond3A_139 = arith.constant 0 : i32
      %cond3A_140 = arith.cmpi ne, %convert_element_type3A_138, %cond3A_139 : i32
      scf.if %cond3A_140 {
        %dma_wait3A_158 = tpu.memref_slice %arg5[%mul3A_10] : memref<602112xf32, #tpu.memory_space<hbm>> -> memref<128xf32, #tpu.memory_space<hbm>>
        %dma_wait3A_159 = tpu.memref_slice %arg5[%mul3A_10] : memref<602112xf32, #tpu.memory_space<hbm>> -> memref<128xf32, #tpu.memory_space<hbm>>
        tpu.wait_dma2 semaphore(%arg29 : memref<!tpu.dma_semaphore, #tpu.memory_space<semaphore_mem>>) src(%arg20 : memref<128xf32, #tpu.memory_space<vmem>>) dst(%dma_wait3A_159 : memref<128xf32, #tpu.memory_space<hbm>>)
      } else {
      }
      %scan3A_141 = arith.constant 0 : i32
      %scan3A_142 = arith.constant 0 : i32
      %scan3A_143 = arith.constant 8 : i32
      %scan3A_144 = arith.addi %scan3A_142, %scan3A_143 : i32
      %scan3A_145 = arith.constant 1 : i32
      scf.for %scan3A_158 = %scan3A_142 to %scan3A_144 step %scan3A_145  : i32 {
        %broadcast_in_dim3A = arith.constant 0.000000e+00 : f32
        %broadcast_in_dim3A_159 = vector.broadcast %broadcast_in_dim3A : f32 to vector<16xf32>
        %scan3A_160 = arith.constant 0 : i32
        %scan3A_161 = arith.constant 4 : i32
        %scan3A_162 = arith.addi %scan3A_160, %scan3A_161 : i32
        %scan3A_163 = arith.constant 1 : i32
        %scan3A_164 = scf.for %scan3A_169 = %scan3A_160 to %scan3A_162 step %scan3A_163 iter_args(%scan3A_170 = %broadcast_in_dim3A_159) -> (vector<16xf32>)  : i32 {
          %mul3A_171 = arith.constant 16 : i32
          %mul3A_172 = arith.muli %scan3A_158, %mul3A_171 : i32
          %mul3A_173 = arith.constant 4 : i32
          %mul3A_174 = arith.muli %scan3A_169, %mul3A_173 : i32
          %add3A_175 = arith.addi %mul3A_172, %mul3A_174 : i32
          %add3A_176 = arith.constant 0 : i32
          %add3A_177 = arith.addi %add3A_175, %add3A_176 : i32
          %get3A = arith.index_cast %add3A_177 : i32 to index
          %get3A_178 = arith.constant 0 : index
          %get3A_179 = tpu.vector_load %arg14[%get3A, %get3A_178] {strides = array<i32>} : memref<128x128xf32, #tpu.memory_space<vmem>>, vector<16xf32>,
          %get3A_180 = arith.index_cast %add3A_177 : i32 to index
          %get3A_181 = arith.constant 0 : index
          %get3A_182 = tpu.vector_load %arg17[%get3A_180, %get3A_181] {strides = array<i32>} : memref<128x128xf32, #tpu.memory_space<vmem>>, vector<16xf32>,
          %mul3A_183 = arith.mulf %get3A_179, %get3A_182 : vector<16xf32>
          %get3A_184 = arith.index_cast %add3A_177 : i32 to index
          %get3A_185 = arith.constant 16 : index
          %get3A_186 = tpu.vector_load %arg14[%get3A_184, %get3A_185] {strides = array<i32>} : memref<128x128xf32, #tpu.memory_space<vmem>>, vector<16xf32>,
          %get3A_187 = arith.index_cast %add3A_177 : i32 to index
          %get3A_188 = arith.constant 16 : index
          %get3A_189 = tpu.vector_load %arg17[%get3A_187, %get3A_188] {strides = array<i32>} : memref<128x128xf32, #tpu.memory_space<vmem>>, vector<16xf32>,
          %mul3A_190 = arith.mulf %get3A_186, %get3A_189 : vector<16xf32>
          %add3A_191 = arith.addf %mul3A_183, %mul3A_190 : vector<16xf32>
          %get3A_192 = arith.index_cast %add3A_177 : i32 to index
          %get3A_193 = arith.constant 32 : index
          %get3A_194 = tpu.vector_load %arg14[%get3A_192, %get3A_193] {strides = array<i32>} : memref<128x128xf32, #tpu.memory_space<vmem>>, vector<16xf32>,
          %get3A_195 = arith.index_cast %add3A_177 : i32 to index
          %get3A_196 = arith.constant 32 : index
          %get3A_197 = tpu.vector_load %arg17[%get3A_195, %get3A_196] {strides = array<i32>} : memref<128x128xf32, #tpu.memory_space<vmem>>, vector<16xf32>,
          %mul3A_198 = arith.mulf %get3A_194, %get3A_197 : vector<16xf32>
          %add3A_199 = arith.addf %add3A_191, %mul3A_198 : vector<16xf32>
          %get3A_200 = arith.index_cast %add3A_177 : i32 to index
          %get3A_201 = arith.constant 48 : index
          %get3A_202 = tpu.vector_load %arg14[%get3A_200, %get3A_201] {strides = array<i32>} : memref<128x128xf32, #tpu.memory_space<vmem>>, vector<16xf32>,
          %get3A_203 = arith.index_cast %add3A_177 : i32 to index
          %get3A_204 = arith.constant 48 : index
          %get3A_205 = tpu.vector_load %arg17[%get3A_203, %get3A_204] {strides = array<i32>} : memref<128x128xf32, #tpu.memory_space<vmem>>, vector<16xf32>,
          %mul3A_206 = arith.mulf %get3A_202, %get3A_205 : vector<16xf32>
          %add3A_207 = arith.addf %add3A_199, %mul3A_206 : vector<16xf32>
          %get3A_208 = arith.index_cast %add3A_177 : i32 to index
          %get3A_209 = arith.constant 64 : index
          %get3A_210 = tpu.vector_load %arg14[%get3A_208, %get3A_209] {strides = array<i32>} : memref<128x128xf32, #tpu.memory_space<vmem>>, vector<16xf32>,
          %get3A_211 = arith.index_cast %add3A_177 : i32 to index
          %get3A_212 = arith.constant 64 : index
          %get3A_213 = tpu.vector_load %arg17[%get3A_211, %get3A_212] {strides = array<i32>} : memref<128x128xf32, #tpu.memory_space<vmem>>, vector<16xf32>,
          %mul3A_214 = arith.mulf %get3A_210, %get3A_213 : vector<16xf32>
          %add3A_215 = arith.addf %add3A_207, %mul3A_214 : vector<16xf32>
          %get3A_216 = arith.index_cast %add3A_177 : i32 to index
          %get3A_217 = arith.constant 80 : index
          %get3A_218 = tpu.vector_load %arg14[%get3A_216, %get3A_217] {strides = array<i32>} : memref<128x128xf32, #tpu.memory_space<vmem>>, vector<16xf32>,
          %get3A_219 = arith.index_cast %add3A_177 : i32 to index
          %get3A_220 = arith.constant 80 : index
          %get3A_221 = tpu.vector_load %arg17[%get3A_219, %get3A_220] {strides = array<i32>} : memref<128x128xf32, #tpu.memory_space<vmem>>, vector<16xf32>,
          %mul3A_222 = arith.mulf %get3A_218, %get3A_221 : vector<16xf32>
          %add3A_223 = arith.addf %add3A_215, %mul3A_222 : vector<16xf32>
          %get3A_224 = arith.index_cast %add3A_177 : i32 to index
          %get3A_225 = arith.constant 96 : index
          %get3A_226 = tpu.vector_load %arg14[%get3A_224, %get3A_225] {strides = array<i32>} : memref<128x128xf32, #tpu.memory_space<vmem>>, vector<16xf32>,
          %get3A_227 = arith.index_cast %add3A_177 : i32 to index
          %get3A_228 = arith.constant 96 : index
          %get3A_229 = tpu.vector_load %arg17[%get3A_227, %get3A_228] {strides = array<i32>} : memref<128x128xf32, #tpu.memory_space<vmem>>, vector<16xf32>,
          %mul3A_230 = arith.mulf %get3A_226, %get3A_229 : vector<16xf32>
          %add3A_231 = arith.addf %add3A_223, %mul3A_230 : vector<16xf32>
          %get3A_232 = arith.index_cast %add3A_177 : i32 to index
          %get3A_233 = arith.constant 112 : index
          %get3A_234 = tpu.vector_load %arg14[%get3A_232, %get3A_233] {strides = array<i32>} : memref<128x128xf32, #tpu.memory_space<vmem>>, vector<16xf32>,
          %get3A_235 = arith.index_cast %add3A_177 : i32 to index
          %get3A_236 = arith.constant 112 : index
          %get3A_237 = tpu.vector_load %arg17[%get3A_235, %get3A_236] {strides = array<i32>} : memref<128x128xf32, #tpu.memory_space<vmem>>, vector<16xf32>,
          %mul3A_238 = arith.mulf %get3A_234, %get3A_237 : vector<16xf32>
          %add3A_239 = arith.addf %add3A_231, %mul3A_238 : vector<16xf32>
          %mul3A_240 = arith.constant 4 : i32
          %mul3A_241 = arith.muli %scan3A_169, %mul3A_240 : i32
          %add3A_242 = arith.constant 0 : i32
          %add3A_243 = arith.addi %mul3A_241, %add3A_242 : i32
          %eq3A_244 = vector.broadcast %add3A_243 : i32 to vector<16xi32>
          %eq3A_245 = arith.cmpi eq, %iota3A, %eq3A_244 : vector<16xi32>
          %reduce_sum3A = arith.constant true
          %reduce_sum3A_246 = vector.broadcast %reduce_sum3A : i1 to vector<16xi1>
          %reduce_sum3A_247 = tpu.scan <sum>, %add3A_239 masked %reduce_sum3A_246 : vector<16xf32>, vector<16xi1> -> vector<16xf32>
          %reduce_sum3A_248 = vector.extract %reduce_sum3A_247[15] : f32 from vector<16xf32>
          %broadcast_in_dim3A_249 = vector.broadcast %reduce_sum3A_248 : f32 to vector<16xf32>
          %select_n3A_250 = arith.select %eq3A_245, %broadcast_in_dim3A_249, %scan3A_170 : vector<16xi1>, vector<16xf32>
          %mul3A_251 = arith.constant 16 : i32
          %mul3A_252 = arith.muli %scan3A_158, %mul3A_251 : i32
          %mul3A_253 = arith.constant 4 : i32
          %mul3A_254 = arith.muli %scan3A_169, %mul3A_253 : i32
          %add3A_255 = arith.addi %mul3A_252, %mul3A_254 : i32
          %add3A_256 = arith.constant 1 : i32
          %add3A_257 = arith.addi %add3A_255, %add3A_256 : i32
          %get3A_258 = arith.index_cast %add3A_257 : i32 to index
          %get3A_259 = arith.constant 0 : index
          %get3A_260 = tpu.vector_load %arg14[%get3A_258, %get3A_259] {strides = array<i32>} : memref<128x128xf32, #tpu.memory_space<vmem>>, vector<16xf32>,
          %get3A_261 = arith.index_cast %add3A_257 : i32 to index
          %get3A_262 = arith.constant 0 : index
          %get3A_263 = tpu.vector_load %arg17[%get3A_261, %get3A_262] {strides = array<i32>} : memref<128x128xf32, #tpu.memory_space<vmem>>, vector<16xf32>,
          %mul3A_264 = arith.mulf %get3A_260, %get3A_263 : vector<16xf32>
          %get3A_265 = arith.index_cast %add3A_257 : i32 to index
          %get3A_266 = arith.constant 16 : index
          %get3A_267 = tpu.vector_load %arg14[%get3A_265, %get3A_266] {strides = array<i32>} : memref<128x128xf32, #tpu.memory_space<vmem>>, vector<16xf32>,
          %get3A_268 = arith.index_cast %add3A_257 : i32 to index
          %get3A_269 = arith.constant 16 : index
          %get3A_270 = tpu.vector_load %arg17[%get3A_268, %get3A_269] {strides = array<i32>} : memref<128x128xf32, #tpu.memory_space<vmem>>, vector<16xf32>,
          %mul3A_271 = arith.mulf %get3A_267, %get3A_270 : vector<16xf32>
          %add3A_272 = arith.addf %mul3A_264, %mul3A_271 : vector<16xf32>
          %get3A_273 = arith.index_cast %add3A_257 : i32 to index
          %get3A_274 = arith.constant 32 : index
          %get3A_275 = tpu.vector_load %arg14[%get3A_273, %get3A_274] {strides = array<i32>} : memref<128x128xf32, #tpu.memory_space<vmem>>, vector<16xf32>,
          %get3A_276 = arith.index_cast %add3A_257 : i32 to index
          %get3A_277 = arith.constant 32 : index
          %get3A_278 = tpu.vector_load %arg17[%get3A_276, %get3A_277] {strides = array<i32>} : memref<128x128xf32, #tpu.memory_space<vmem>>, vector<16xf32>,
          %mul3A_279 = arith.mulf %get3A_275, %get3A_278 : vector<16xf32>
          %add3A_280 = arith.addf %add3A_272, %mul3A_279 : vector<16xf32>
          %get3A_281 = arith.index_cast %add3A_257 : i32 to index
          %get3A_282 = arith.constant 48 : index
          %get3A_283 = tpu.vector_load %arg14[%get3A_281, %get3A_282] {strides = array<i32>} : memref<128x128xf32, #tpu.memory_space<vmem>>, vector<16xf32>,
          %get3A_284 = arith.index_cast %add3A_257 : i32 to index
          %get3A_285 = arith.constant 48 : index
          %get3A_286 = tpu.vector_load %arg17[%get3A_284, %get3A_285] {strides = array<i32>} : memref<128x128xf32, #tpu.memory_space<vmem>>, vector<16xf32>,
          %mul3A_287 = arith.mulf %get3A_283, %get3A_286 : vector<16xf32>
          %add3A_288 = arith.addf %add3A_280, %mul3A_287 : vector<16xf32>
          %get3A_289 = arith.index_cast %add3A_257 : i32 to index
          %get3A_290 = arith.constant 64 : index
          %get3A_291 = tpu.vector_load %arg14[%get3A_289, %get3A_290] {strides = array<i32>} : memref<128x128xf32, #tpu.memory_space<vmem>>, vector<16xf32>,
          %get3A_292 = arith.index_cast %add3A_257 : i32 to index
          %get3A_293 = arith.constant 64 : index
          %get3A_294 = tpu.vector_load %arg17[%get3A_292, %get3A_293] {strides = array<i32>} : memref<128x128xf32, #tpu.memory_space<vmem>>, vector<16xf32>,
          %mul3A_295 = arith.mulf %get3A_291, %get3A_294 : vector<16xf32>
          %add3A_296 = arith.addf %add3A_288, %mul3A_295 : vector<16xf32>
          %get3A_297 = arith.index_cast %add3A_257 : i32 to index
          %get3A_298 = arith.constant 80 : index
          %get3A_299 = tpu.vector_load %arg14[%get3A_297, %get3A_298] {strides = array<i32>} : memref<128x128xf32, #tpu.memory_space<vmem>>, vector<16xf32>,
          %get3A_300 = arith.index_cast %add3A_257 : i32 to index
          %get3A_301 = arith.constant 80 : index
          %get3A_302 = tpu.vector_load %arg17[%get3A_300, %get3A_301] {strides = array<i32>} : memref<128x128xf32, #tpu.memory_space<vmem>>, vector<16xf32>,
          %mul3A_303 = arith.mulf %get3A_299, %get3A_302 : vector<16xf32>
          %add3A_304 = arith.addf %add3A_296, %mul3A_303 : vector<16xf32>
          %get3A_305 = arith.index_cast %add3A_257 : i32 to index
          %get3A_306 = arith.constant 96 : index
          %get3A_307 = tpu.vector_load %arg14[%get3A_305, %get3A_306] {strides = array<i32>} : memref<128x128xf32, #tpu.memory_space<vmem>>, vector<16xf32>,
          %get3A_308 = arith.index_cast %add3A_257 : i32 to index
          %get3A_309 = arith.constant 96 : index
          %get3A_310 = tpu.vector_load %arg17[%get3A_308, %get3A_309] {strides = array<i32>} : memref<128x128xf32, #tpu.memory_space<vmem>>, vector<16xf32>,
          %mul3A_311 = arith.mulf %get3A_307, %get3A_310 : vector<16xf32>
          %add3A_312 = arith.addf %add3A_304, %mul3A_311 : vector<16xf32>
          %get3A_313 = arith.index_cast %add3A_257 : i32 to index
          %get3A_314 = arith.constant 112 : index
          %get3A_315 = tpu.vector_load %arg14[%get3A_313, %get3A_314] {strides = array<i32>} : memref<128x128xf32, #tpu.memory_space<vmem>>, vector<16xf32>,
          %get3A_316 = arith.index_cast %add3A_257 : i32 to index
          %get3A_317 = arith.constant 112 : index
          %get3A_318 = tpu.vector_load %arg17[%get3A_316, %get3A_317] {strides = array<i32>} : memref<128x128xf32, #tpu.memory_space<vmem>>, vector<16xf32>,
          %mul3A_319 = arith.mulf %get3A_315, %get3A_318 : vector<16xf32>
          %add3A_320 = arith.addf %add3A_312, %mul3A_319 : vector<16xf32>
          %mul3A_321 = arith.constant 4 : i32
          %mul3A_322 = arith.muli %scan3A_169, %mul3A_321 : i32
          %add3A_323 = arith.constant 1 : i32
          %add3A_324 = arith.addi %mul3A_322, %add3A_323 : i32
          %eq3A_325 = vector.broadcast %add3A_324 : i32 to vector<16xi32>
          %eq3A_326 = arith.cmpi eq, %iota3A, %eq3A_325 : vector<16xi32>
          %reduce_sum3A_327 = arith.constant true
          %reduce_sum3A_328 = vector.broadcast %reduce_sum3A_327 : i1 to vector<16xi1>
          %reduce_sum3A_329 = tpu.scan <sum>, %add3A_320 masked %reduce_sum3A_328 : vector<16xf32>, vector<16xi1> -> vector<16xf32>
          %reduce_sum3A_330 = vector.extract %reduce_sum3A_329[15] : f32 from vector<16xf32>
          %broadcast_in_dim3A_331 = vector.broadcast %reduce_sum3A_330 : f32 to vector<16xf32>
          %select_n3A_332 = arith.select %eq3A_326, %broadcast_in_dim3A_331, %select_n3A_250 : vector<16xi1>, vector<16xf32>
          %mul3A_333 = arith.constant 16 : i32
          %mul3A_334 = arith.muli %scan3A_158, %mul3A_333 : i32
          %mul3A_335 = arith.constant 4 : i32
          %mul3A_336 = arith.muli %scan3A_169, %mul3A_335 : i32
          %add3A_337 = arith.addi %mul3A_334, %mul3A_336 : i32
          %add3A_338 = arith.constant 2 : i32
          %add3A_339 = arith.addi %add3A_337, %add3A_338 : i32
          %get3A_340 = arith.index_cast %add3A_339 : i32 to index
          %get3A_341 = arith.constant 0 : index
          %get3A_342 = tpu.vector_load %arg14[%get3A_340, %get3A_341] {strides = array<i32>} : memref<128x128xf32, #tpu.memory_space<vmem>>, vector<16xf32>,
          %get3A_343 = arith.index_cast %add3A_339 : i32 to index
          %get3A_344 = arith.constant 0 : index
          %get3A_345 = tpu.vector_load %arg17[%get3A_343, %get3A_344] {strides = array<i32>} : memref<128x128xf32, #tpu.memory_space<vmem>>, vector<16xf32>,
          %mul3A_346 = arith.mulf %get3A_342, %get3A_345 : vector<16xf32>
          %get3A_347 = arith.index_cast %add3A_339 : i32 to index
          %get3A_348 = arith.constant 16 : index
          %get3A_349 = tpu.vector_load %arg14[%get3A_347, %get3A_348] {strides = array<i32>} : memref<128x128xf32, #tpu.memory_space<vmem>>, vector<16xf32>,
          %get3A_350 = arith.index_cast %add3A_339 : i32 to index
          %get3A_351 = arith.constant 16 : index
          %get3A_352 = tpu.vector_load %arg17[%get3A_350, %get3A_351] {strides = array<i32>} : memref<128x128xf32, #tpu.memory_space<vmem>>, vector<16xf32>,
          %mul3A_353 = arith.mulf %get3A_349, %get3A_352 : vector<16xf32>
          %add3A_354 = arith.addf %mul3A_346, %mul3A_353 : vector<16xf32>
          %get3A_355 = arith.index_cast %add3A_339 : i32 to index
          %get3A_356 = arith.constant 32 : index
          %get3A_357 = tpu.vector_load %arg14[%get3A_355, %get3A_356] {strides = array<i32>} : memref<128x128xf32, #tpu.memory_space<vmem>>, vector<16xf32>,
          %get3A_358 = arith.index_cast %add3A_339 : i32 to index
          %get3A_359 = arith.constant 32 : index
          %get3A_360 = tpu.vector_load %arg17[%get3A_358, %get3A_359] {strides = array<i32>} : memref<128x128xf32, #tpu.memory_space<vmem>>, vector<16xf32>,
          %mul3A_361 = arith.mulf %get3A_357, %get3A_360 : vector<16xf32>
          %add3A_362 = arith.addf %add3A_354, %mul3A_361 : vector<16xf32>
          %get3A_363 = arith.index_cast %add3A_339 : i32 to index
          %get3A_364 = arith.constant 48 : index
          %get3A_365 = tpu.vector_load %arg14[%get3A_363, %get3A_364] {strides = array<i32>} : memref<128x128xf32, #tpu.memory_space<vmem>>, vector<16xf32>,
          %get3A_366 = arith.index_cast %add3A_339 : i32 to index
          %get3A_367 = arith.constant 48 : index
          %get3A_368 = tpu.vector_load %arg17[%get3A_366, %get3A_367] {strides = array<i32>} : memref<128x128xf32, #tpu.memory_space<vmem>>, vector<16xf32>,
          %mul3A_369 = arith.mulf %get3A_365, %get3A_368 : vector<16xf32>
          %add3A_370 = arith.addf %add3A_362, %mul3A_369 : vector<16xf32>
          %get3A_371 = arith.index_cast %add3A_339 : i32 to index
          %get3A_372 = arith.constant 64 : index
          %get3A_373 = tpu.vector_load %arg14[%get3A_371, %get3A_372] {strides = array<i32>} : memref<128x128xf32, #tpu.memory_space<vmem>>, vector<16xf32>,
          %get3A_374 = arith.index_cast %add3A_339 : i32 to index
          %get3A_375 = arith.constant 64 : index
          %get3A_376 = tpu.vector_load %arg17[%get3A_374, %get3A_375] {strides = array<i32>} : memref<128x128xf32, #tpu.memory_space<vmem>>, vector<16xf32>,
          %mul3A_377 = arith.mulf %get3A_373, %get3A_376 : vector<16xf32>
          %add3A_378 = arith.addf %add3A_370, %mul3A_377 : vector<16xf32>
          %get3A_379 = arith.index_cast %add3A_339 : i32 to index
          %get3A_380 = arith.constant 80 : index
          %get3A_381 = tpu.vector_load %arg14[%get3A_379, %get3A_380] {strides = array<i32>} : memref<128x128xf32, #tpu.memory_space<vmem>>, vector<16xf32>,
          %get3A_382 = arith.index_cast %add3A_339 : i32 to index
          %get3A_383 = arith.constant 80 : index
          %get3A_384 = tpu.vector_load %arg17[%get3A_382, %get3A_383] {strides = array<i32>} : memref<128x128xf32, #tpu.memory_space<vmem>>, vector<16xf32>,
          %mul3A_385 = arith.mulf %get3A_381, %get3A_384 : vector<16xf32>
          %add3A_386 = arith.addf %add3A_378, %mul3A_385 : vector<16xf32>
          %get3A_387 = arith.index_cast %add3A_339 : i32 to index
          %get3A_388 = arith.constant 96 : index
          %get3A_389 = tpu.vector_load %arg14[%get3A_387, %get3A_388] {strides = array<i32>} : memref<128x128xf32, #tpu.memory_space<vmem>>, vector<16xf32>,
          %get3A_390 = arith.index_cast %add3A_339 : i32 to index
          %get3A_391 = arith.constant 96 : index
          %get3A_392 = tpu.vector_load %arg17[%get3A_390, %get3A_391] {strides = array<i32>} : memref<128x128xf32, #tpu.memory_space<vmem>>, vector<16xf32>,
          %mul3A_393 = arith.mulf %get3A_389, %get3A_392 : vector<16xf32>
          %add3A_394 = arith.addf %add3A_386, %mul3A_393 : vector<16xf32>
          %get3A_395 = arith.index_cast %add3A_339 : i32 to index
          %get3A_396 = arith.constant 112 : index
          %get3A_397 = tpu.vector_load %arg14[%get3A_395, %get3A_396] {strides = array<i32>} : memref<128x128xf32, #tpu.memory_space<vmem>>, vector<16xf32>,
          %get3A_398 = arith.index_cast %add3A_339 : i32 to index
          %get3A_399 = arith.constant 112 : index
          %get3A_400 = tpu.vector_load %arg17[%get3A_398, %get3A_399] {strides = array<i32>} : memref<128x128xf32, #tpu.memory_space<vmem>>, vector<16xf32>,
          %mul3A_401 = arith.mulf %get3A_397, %get3A_400 : vector<16xf32>
          %add3A_402 = arith.addf %add3A_394, %mul3A_401 : vector<16xf32>
          %mul3A_403 = arith.constant 4 : i32
          %mul3A_404 = arith.muli %scan3A_169, %mul3A_403 : i32
          %add3A_405 = arith.constant 2 : i32
          %add3A_406 = arith.addi %mul3A_404, %add3A_405 : i32
          %eq3A_407 = vector.broadcast %add3A_406 : i32 to vector<16xi32>
          %eq3A_408 = arith.cmpi eq, %iota3A, %eq3A_407 : vector<16xi32>
          %reduce_sum3A_409 = arith.constant true
          %reduce_sum3A_410 = vector.broadcast %reduce_sum3A_409 : i1 to vector<16xi1>
          %reduce_sum3A_411 = tpu.scan <sum>, %add3A_402 masked %reduce_sum3A_410 : vector<16xf32>, vector<16xi1> -> vector<16xf32>
          %reduce_sum3A_412 = vector.extract %reduce_sum3A_411[15] : f32 from vector<16xf32>
          %broadcast_in_dim3A_413 = vector.broadcast %reduce_sum3A_412 : f32 to vector<16xf32>
          %select_n3A_414 = arith.select %eq3A_408, %broadcast_in_dim3A_413, %select_n3A_332 : vector<16xi1>, vector<16xf32>
          %mul3A_415 = arith.constant 16 : i32
          %mul3A_416 = arith.muli %scan3A_158, %mul3A_415 : i32
          %mul3A_417 = arith.constant 4 : i32
          %mul3A_418 = arith.muli %scan3A_169, %mul3A_417 : i32
          %add3A_419 = arith.addi %mul3A_416, %mul3A_418 : i32
          %add3A_420 = arith.constant 3 : i32
          %add3A_421 = arith.addi %add3A_419, %add3A_420 : i32
          %get3A_422 = arith.index_cast %add3A_421 : i32 to index
          %get3A_423 = arith.constant 0 : index
          %get3A_424 = tpu.vector_load %arg14[%get3A_422, %get3A_423] {strides = array<i32>} : memref<128x128xf32, #tpu.memory_space<vmem>>, vector<16xf32>,
          %get3A_425 = arith.index_cast %add3A_421 : i32 to index
          %get3A_426 = arith.constant 0 : index
          %get3A_427 = tpu.vector_load %arg17[%get3A_425, %get3A_426] {strides = array<i32>} : memref<128x128xf32, #tpu.memory_space<vmem>>, vector<16xf32>,
          %mul3A_428 = arith.mulf %get3A_424, %get3A_427 : vector<16xf32>
          %get3A_429 = arith.index_cast %add3A_421 : i32 to index
          %get3A_430 = arith.constant 16 : index
          %get3A_431 = tpu.vector_load %arg14[%get3A_429, %get3A_430] {strides = array<i32>} : memref<128x128xf32, #tpu.memory_space<vmem>>, vector<16xf32>,
          %get3A_432 = arith.index_cast %add3A_421 : i32 to index
          %get3A_433 = arith.constant 16 : index
          %get3A_434 = tpu.vector_load %arg17[%get3A_432, %get3A_433] {strides = array<i32>} : memref<128x128xf32, #tpu.memory_space<vmem>>, vector<16xf32>,
          %mul3A_435 = arith.mulf %get3A_431, %get3A_434 : vector<16xf32>
          %add3A_436 = arith.addf %mul3A_428, %mul3A_435 : vector<16xf32>
          %get3A_437 = arith.index_cast %add3A_421 : i32 to index
          %get3A_438 = arith.constant 32 : index
          %get3A_439 = tpu.vector_load %arg14[%get3A_437, %get3A_438] {strides = array<i32>} : memref<128x128xf32, #tpu.memory_space<vmem>>, vector<16xf32>,
          %get3A_440 = arith.index_cast %add3A_421 : i32 to index
          %get3A_441 = arith.constant 32 : index
          %get3A_442 = tpu.vector_load %arg17[%get3A_440, %get3A_441] {strides = array<i32>} : memref<128x128xf32, #tpu.memory_space<vmem>>, vector<16xf32>,
          %mul3A_443 = arith.mulf %get3A_439, %get3A_442 : vector<16xf32>
          %add3A_444 = arith.addf %add3A_436, %mul3A_443 : vector<16xf32>
          %get3A_445 = arith.index_cast %add3A_421 : i32 to index
          %get3A_446 = arith.constant 48 : index
          %get3A_447 = tpu.vector_load %arg14[%get3A_445, %get3A_446] {strides = array<i32>} : memref<128x128xf32, #tpu.memory_space<vmem>>, vector<16xf32>,
          %get3A_448 = arith.index_cast %add3A_421 : i32 to index
          %get3A_449 = arith.constant 48 : index
          %get3A_450 = tpu.vector_load %arg17[%get3A_448, %get3A_449] {strides = array<i32>} : memref<128x128xf32, #tpu.memory_space<vmem>>, vector<16xf32>,
          %mul3A_451 = arith.mulf %get3A_447, %get3A_450 : vector<16xf32>
          %add3A_452 = arith.addf %add3A_444, %mul3A_451 : vector<16xf32>
          %get3A_453 = arith.index_cast %add3A_421 : i32 to index
          %get3A_454 = arith.constant 64 : index
          %get3A_455 = tpu.vector_load %arg14[%get3A_453, %get3A_454] {strides = array<i32>} : memref<128x128xf32, #tpu.memory_space<vmem>>, vector<16xf32>,
          %get3A_456 = arith.index_cast %add3A_421 : i32 to index
          %get3A_457 = arith.constant 64 : index
          %get3A_458 = tpu.vector_load %arg17[%get3A_456, %get3A_457] {strides = array<i32>} : memref<128x128xf32, #tpu.memory_space<vmem>>, vector<16xf32>,
          %mul3A_459 = arith.mulf %get3A_455, %get3A_458 : vector<16xf32>
          %add3A_460 = arith.addf %add3A_452, %mul3A_459 : vector<16xf32>
          %get3A_461 = arith.index_cast %add3A_421 : i32 to index
          %get3A_462 = arith.constant 80 : index
          %get3A_463 = tpu.vector_load %arg14[%get3A_461, %get3A_462] {strides = array<i32>} : memref<128x128xf32, #tpu.memory_space<vmem>>, vector<16xf32>,
          %get3A_464 = arith.index_cast %add3A_421 : i32 to index
          %get3A_465 = arith.constant 80 : index
          %get3A_466 = tpu.vector_load %arg17[%get3A_464, %get3A_465] {strides = array<i32>} : memref<128x128xf32, #tpu.memory_space<vmem>>, vector<16xf32>,
          %mul3A_467 = arith.mulf %get3A_463, %get3A_466 : vector<16xf32>
          %add3A_468 = arith.addf %add3A_460, %mul3A_467 : vector<16xf32>
          %get3A_469 = arith.index_cast %add3A_421 : i32 to index
          %get3A_470 = arith.constant 96 : index
          %get3A_471 = tpu.vector_load %arg14[%get3A_469, %get3A_470] {strides = array<i32>} : memref<128x128xf32, #tpu.memory_space<vmem>>, vector<16xf32>,
          %get3A_472 = arith.index_cast %add3A_421 : i32 to index
          %get3A_473 = arith.constant 96 : index
          %get3A_474 = tpu.vector_load %arg17[%get3A_472, %get3A_473] {strides = array<i32>} : memref<128x128xf32, #tpu.memory_space<vmem>>, vector<16xf32>,
          %mul3A_475 = arith.mulf %get3A_471, %get3A_474 : vector<16xf32>
          %add3A_476 = arith.addf %add3A_468, %mul3A_475 : vector<16xf32>
          %get3A_477 = arith.index_cast %add3A_421 : i32 to index
          %get3A_478 = arith.constant 112 : index
          %get3A_479 = tpu.vector_load %arg14[%get3A_477, %get3A_478] {strides = array<i32>} : memref<128x128xf32, #tpu.memory_space<vmem>>, vector<16xf32>,
          %get3A_480 = arith.index_cast %add3A_421 : i32 to index
          %get3A_481 = arith.constant 112 : index
          %get3A_482 = tpu.vector_load %arg17[%get3A_480, %get3A_481] {strides = array<i32>} : memref<128x128xf32, #tpu.memory_space<vmem>>, vector<16xf32>,
          %mul3A_483 = arith.mulf %get3A_479, %get3A_482 : vector<16xf32>
          %add3A_484 = arith.addf %add3A_476, %mul3A_483 : vector<16xf32>
          %mul3A_485 = arith.constant 4 : i32
          %mul3A_486 = arith.muli %scan3A_169, %mul3A_485 : i32
          %add3A_487 = arith.constant 3 : i32
          %add3A_488 = arith.addi %mul3A_486, %add3A_487 : i32
          %eq3A_489 = vector.broadcast %add3A_488 : i32 to vector<16xi32>
          %eq3A_490 = arith.cmpi eq, %iota3A, %eq3A_489 : vector<16xi32>
          %reduce_sum3A_491 = arith.constant true
          %reduce_sum3A_492 = vector.broadcast %reduce_sum3A_491 : i1 to vector<16xi1>
          %reduce_sum3A_493 = tpu.scan <sum>, %add3A_484 masked %reduce_sum3A_492 : vector<16xf32>, vector<16xi1> -> vector<16xf32>
          %reduce_sum3A_494 = vector.extract %reduce_sum3A_493[15] : f32 from vector<16xf32>
          %broadcast_in_dim3A_495 = vector.broadcast %reduce_sum3A_494 : f32 to vector<16xf32>
          %select_n3A_496 = arith.select %eq3A_490, %broadcast_in_dim3A_495, %select_n3A_414 : vector<16xi1>, vector<16xf32>
          scf.yield %select_n3A_496 : vector<16xf32>
        }
        %scan3A_165 = arith.constant 4 : i32
        %mul3A_166 = arith.constant 16 : i32
        %mul3A_167 = arith.muli %scan3A_158, %mul3A_166 : i32
        %swap3A = arith.index_cast %mul3A_167 : i32 to index
        %swap3A_168 = tpu.vector_load %arg20[%swap3A] {strides = array<i32>} : memref<128xf32, #tpu.memory_space<vmem>>, vector<16xf32>,
        tpu.vector_store %arg20[%swap3A], %scan3A_164 {strides = array<i32>} : memref<128xf32, #tpu.memory_space<vmem>>, vector<16xf32>,
      }
      %scan3A_146 = arith.constant 8 : i32
      %mul3A_147 = arith.constant 128 : i32
      %mul3A_148 = arith.muli %add3A_129, %mul3A_147 : i32
      %add3A_149 = arith.addi %mul3A_10, %mul3A_148 : i32
      %dma_start3A_150 = tpu.memref_slice %arg5[%add3A_149] : memref<602112xf32, #tpu.memory_space<hbm>> -> memref<128xf32, #tpu.memory_space<hbm>>
      %dma_start3A_151 = tpu.memref_slice %arg5[%add3A_149] : memref<602112xf32, #tpu.memory_space<hbm>> -> memref<128xf32, #tpu.memory_space<hbm>>
      tpu.enqueue_dma source(%arg20 : memref<128xf32, #tpu.memory_space<vmem>>) target(%dma_start3A_151 : memref<128xf32, #tpu.memory_space<hbm>>) target_semaphore(%arg29 : memref<!tpu.dma_semaphore, #tpu.memory_space<semaphore_mem>>)
      %add3A_152 = arith.constant 3 : i32
      %add3A_153 = arith.addi %add3A_129, %add3A_152 : i32
      %lt3A_154 = arith.cmpi slt, %add3A_153, %select_n3A : i32
      %convert_element_type3A_155 = arith.extui %lt3A_154 : i1 to i32
      %cond3A_156 = arith.constant 0 : i32
      %cond3A_157 = arith.cmpi ne, %convert_element_type3A_155, %cond3A_156 : i32
      scf.if %cond3A_157 {
        %mul3A_158 = arith.constant 128 : i32
        %mul3A_159 = arith.muli %add3A_153, %mul3A_158 : i32
        %add3A_160 = arith.addi %mul3A_10, %mul3A_159 : i32
        "tpu.region"() ({
          %run_scoped3A = tpu.sem_alloc : memref<!tpu.dma_semaphore, #tpu.memory_space<semaphore_mem>>
          %dma_start3A_167 = tpu.memref_slice %arg3[%add3A_160] : memref<602112xi32, #tpu.memory_space<hbm>> -> memref<128xi32, #tpu.memory_space<hbm>>
          %dma_start3A_168 = tpu.memref_slice %arg3[%add3A_160] : memref<602112xi32, #tpu.memory_space<hbm>> -> memref<128xi32, #tpu.memory_space<hbm>>
          tpu.enqueue_dma source(%dma_start3A_168 : memref<128xi32, #tpu.memory_space<hbm>>) target(%arg8 : memref<128xi32, #tpu.memory_space<vmem>>) target_semaphore(%run_scoped3A : memref<!tpu.dma_semaphore, #tpu.memory_space<semaphore_mem>>)
          %dma_wait3A_169 = tpu.memref_slice %arg3[%add3A_160] : memref<602112xi32, #tpu.memory_space<hbm>> -> memref<128xi32, #tpu.memory_space<hbm>>
          %dma_wait3A_170 = tpu.memref_slice %arg3[%add3A_160] : memref<602112xi32, #tpu.memory_space<hbm>> -> memref<128xi32, #tpu.memory_space<hbm>>
          tpu.wait_dma2 semaphore(%run_scoped3A : memref<!tpu.dma_semaphore, #tpu.memory_space<semaphore_mem>>) src(%dma_wait3A_170 : memref<128xi32, #tpu.memory_space<hbm>>) dst(%arg8 : memref<128xi32, #tpu.memory_space<vmem>>)
          tpu.yield
        }) : () -> ()
        "tpu.region"() ({
          %run_scoped3A = tpu.sem_alloc : memref<!tpu.dma_semaphore, #tpu.memory_space<semaphore_mem>>
          %dma_start3A_167 = tpu.memref_slice %arg4[%add3A_160] : memref<602112xi32, #tpu.memory_space<hbm>> -> memref<128xi32, #tpu.memory_space<hbm>>
          %dma_start3A_168 = tpu.memref_slice %arg4[%add3A_160] : memref<602112xi32, #tpu.memory_space<hbm>> -> memref<128xi32, #tpu.memory_space<hbm>>
          tpu.enqueue_dma source(%dma_start3A_168 : memref<128xi32, #tpu.memory_space<hbm>>) target(%arg11 : memref<128xi32, #tpu.memory_space<vmem>>) target_semaphore(%run_scoped3A : memref<!tpu.dma_semaphore, #tpu.memory_space<semaphore_mem>>)
          %dma_wait3A_169 = tpu.memref_slice %arg4[%add3A_160] : memref<602112xi32, #tpu.memory_space<hbm>> -> memref<128xi32, #tpu.memory_space<hbm>>
          %dma_wait3A_170 = tpu.memref_slice %arg4[%add3A_160] : memref<602112xi32, #tpu.memory_space<hbm>> -> memref<128xi32, #tpu.memory_space<hbm>>
          tpu.wait_dma2 semaphore(%run_scoped3A : memref<!tpu.dma_semaphore, #tpu.memory_space<semaphore_mem>>) src(%dma_wait3A_170 : memref<128xi32, #tpu.memory_space<hbm>>) dst(%arg11 : memref<128xi32, #tpu.memory_space<vmem>>)
          tpu.yield
        }) : () -> ()
        %dma_start3A_161 = arith.constant 0 : i32
        %dma_start3A_162 = arith.constant 0 : i32
        %dma_start3A_163 = tpu.memref_slice %arg2[%dma_start3A_161, %dma_start3A_162] : memref<100000x128xf32, #tpu.memory_space<hbm>> -> memref<100000x128xf32, #tpu.memory_space<hbm>>
        tpu.enqueue_indirect_dma source(%dma_start3A_163 : memref<100000x128xf32, #tpu.memory_space<hbm>>) target(%arg14 : memref<128x128xf32, #tpu.memory_space<vmem>>) offsets(%arg8 : memref<128xi32, #tpu.memory_space<vmem>>) semaphore(%arg23 : memref<!tpu.dma_semaphore, #tpu.memory_space<semaphore_mem>>)
        %dma_start3A_164 = arith.constant 0 : i32
        %dma_start3A_165 = arith.constant 0 : i32
        %dma_start3A_166 = tpu.memref_slice %arg2[%dma_start3A_164, %dma_start3A_165] : memref<100000x128xf32, #tpu.memory_space<hbm>> -> memref<100000x128xf32, #tpu.memory_space<hbm>>
        tpu.enqueue_indirect_dma source(%dma_start3A_166 : memref<100000x128xf32, #tpu.memory_space<hbm>>) target(%arg17 : memref<128x128xf32, #tpu.memory_space<vmem>>) offsets(%arg11 : memref<128xi32, #tpu.memory_space<vmem>>) semaphore(%arg26 : memref<!tpu.dma_semaphore, #tpu.memory_space<semaphore_mem>>)
      } else {
      }
    }
    %while3A_60 = arith.constant 1 : i32
    scf.for %while3A_66 = %while3A_58 to %while3A_54 step %while3A_60  : i32 {
      %mul3A_67 = arith.constant 3 : i32
      %mul3A_68 = arith.muli %while3A_66, %mul3A_67 : i32
      %add3A_69 = arith.constant 0 : i32
      %add3A_70 = arith.addi %mul3A_68, %add3A_69 : i32
      %dma_wait3A_71 = arith.constant 0 : i32
      %dma_wait3A_72 = arith.constant 0 : i32
      %dma_wait3A_73 = tpu.memref_slice %arg2[%dma_wait3A_71, %dma_wait3A_72] : memref<100000x128xf32, #tpu.memory_space<hbm>> -> memref<100000x128xf32, #tpu.memory_space<hbm>>
      tpu.wait_indirect_dma semaphore(%arg21 : memref<!tpu.dma_semaphore, #tpu.memory_space<semaphore_mem>>) src(%dma_wait3A_73 : memref<100000x128xf32, #tpu.memory_space<hbm>>) dst(%arg12 : memref<128x128xf32, #tpu.memory_space<vmem>>)
      %dma_wait3A_74 = arith.constant 0 : i32
      %dma_wait3A_75 = arith.constant 0 : i32
      %dma_wait3A_76 = tpu.memref_slice %arg2[%dma_wait3A_74, %dma_wait3A_75] : memref<100000x128xf32, #tpu.memory_space<hbm>> -> memref<100000x128xf32, #tpu.memory_space<hbm>>
      tpu.wait_indirect_dma semaphore(%arg24 : memref<!tpu.dma_semaphore, #tpu.memory_space<semaphore_mem>>) src(%dma_wait3A_76 : memref<100000x128xf32, #tpu.memory_space<hbm>>) dst(%arg15 : memref<128x128xf32, #tpu.memory_space<vmem>>)
      %ge3A = arith.constant 3 : i32
      %ge3A_77 = arith.cmpi sge, %add3A_70, %ge3A : i32
      %convert_element_type3A = arith.extui %ge3A_77 : i1 to i32
      %cond3A = arith.constant 0 : i32
      %cond3A_78 = arith.cmpi ne, %convert_element_type3A, %cond3A : i32
      scf.if %cond3A_78 {
        %dma_wait3A_158 = tpu.memref_slice %arg5[%mul3A_10] : memref<602112xf32, #tpu.memory_space<hbm>> -> memref<128xf32, #tpu.memory_space<hbm>>
        %dma_wait3A_159 = tpu.memref_slice %arg5[%mul3A_10] : memref<602112xf32, #tpu.memory_space<hbm>> -> memref<128xf32, #tpu.memory_space<hbm>>
        tpu.wait_dma2 semaphore(%arg27 : memref<!tpu.dma_semaphore, #tpu.memory_space<semaphore_mem>>) src(%arg18 : memref<128xf32, #tpu.memory_space<vmem>>) dst(%dma_wait3A_159 : memref<128xf32, #tpu.memory_space<hbm>>)
      } else {
      }
      %scan3A = arith.constant 0 : i32
      %scan3A_79 = arith.constant 0 : i32
      %scan3A_80 = arith.constant 8 : i32
      %scan3A_81 = arith.addi %scan3A_79, %scan3A_80 : i32
      %scan3A_82 = arith.constant 1 : i32
      scf.for %scan3A_158 = %scan3A_79 to %scan3A_81 step %scan3A_82  : i32 {
        %broadcast_in_dim3A = arith.constant 0.000000e+00 : f32
        %broadcast_in_dim3A_159 = vector.broadcast %broadcast_in_dim3A : f32 to vector<16xf32>
        %scan3A_160 = arith.constant 0 : i32
        %scan3A_161 = arith.constant 4 : i32
        %scan3A_162 = arith.addi %scan3A_160, %scan3A_161 : i32
        %scan3A_163 = arith.constant 1 : i32
        %scan3A_164 = scf.for %scan3A_169 = %scan3A_160 to %scan3A_162 step %scan3A_163 iter_args(%scan3A_170 = %broadcast_in_dim3A_159) -> (vector<16xf32>)  : i32 {
          %mul3A_171 = arith.constant 16 : i32
          %mul3A_172 = arith.muli %scan3A_158, %mul3A_171 : i32
          %mul3A_173 = arith.constant 4 : i32
          %mul3A_174 = arith.muli %scan3A_169, %mul3A_173 : i32
          %add3A_175 = arith.addi %mul3A_172, %mul3A_174 : i32
          %add3A_176 = arith.constant 0 : i32
          %add3A_177 = arith.addi %add3A_175, %add3A_176 : i32
          %get3A = arith.index_cast %add3A_177 : i32 to index
          %get3A_178 = arith.constant 0 : index
          %get3A_179 = tpu.vector_load %arg12[%get3A, %get3A_178] {strides = array<i32>} : memref<128x128xf32, #tpu.memory_space<vmem>>, vector<16xf32>,
          %get3A_180 = arith.index_cast %add3A_177 : i32 to index
          %get3A_181 = arith.constant 0 : index
          %get3A_182 = tpu.vector_load %arg15[%get3A_180, %get3A_181] {strides = array<i32>} : memref<128x128xf32, #tpu.memory_space<vmem>>, vector<16xf32>,
          %mul3A_183 = arith.mulf %get3A_179, %get3A_182 : vector<16xf32>
          %get3A_184 = arith.index_cast %add3A_177 : i32 to index
          %get3A_185 = arith.constant 16 : index
          %get3A_186 = tpu.vector_load %arg12[%get3A_184, %get3A_185] {strides = array<i32>} : memref<128x128xf32, #tpu.memory_space<vmem>>, vector<16xf32>,
          %get3A_187 = arith.index_cast %add3A_177 : i32 to index
          %get3A_188 = arith.constant 16 : index
          %get3A_189 = tpu.vector_load %arg15[%get3A_187, %get3A_188] {strides = array<i32>} : memref<128x128xf32, #tpu.memory_space<vmem>>, vector<16xf32>,
          %mul3A_190 = arith.mulf %get3A_186, %get3A_189 : vector<16xf32>
          %add3A_191 = arith.addf %mul3A_183, %mul3A_190 : vector<16xf32>
          %get3A_192 = arith.index_cast %add3A_177 : i32 to index
          %get3A_193 = arith.constant 32 : index
          %get3A_194 = tpu.vector_load %arg12[%get3A_192, %get3A_193] {strides = array<i32>} : memref<128x128xf32, #tpu.memory_space<vmem>>, vector<16xf32>,
          %get3A_195 = arith.index_cast %add3A_177 : i32 to index
          %get3A_196 = arith.constant 32 : index
          %get3A_197 = tpu.vector_load %arg15[%get3A_195, %get3A_196] {strides = array<i32>} : memref<128x128xf32, #tpu.memory_space<vmem>>, vector<16xf32>,
          %mul3A_198 = arith.mulf %get3A_194, %get3A_197 : vector<16xf32>
          %add3A_199 = arith.addf %add3A_191, %mul3A_198 : vector<16xf32>
          %get3A_200 = arith.index_cast %add3A_177 : i32 to index
          %get3A_201 = arith.constant 48 : index
          %get3A_202 = tpu.vector_load %arg12[%get3A_200, %get3A_201] {strides = array<i32>} : memref<128x128xf32, #tpu.memory_space<vmem>>, vector<16xf32>,
          %get3A_203 = arith.index_cast %add3A_177 : i32 to index
          %get3A_204 = arith.constant 48 : index
          %get3A_205 = tpu.vector_load %arg15[%get3A_203, %get3A_204] {strides = array<i32>} : memref<128x128xf32, #tpu.memory_space<vmem>>, vector<16xf32>,
          %mul3A_206 = arith.mulf %get3A_202, %get3A_205 : vector<16xf32>
          %add3A_207 = arith.addf %add3A_199, %mul3A_206 : vector<16xf32>
          %get3A_208 = arith.index_cast %add3A_177 : i32 to index
          %get3A_209 = arith.constant 64 : index
          %get3A_210 = tpu.vector_load %arg12[%get3A_208, %get3A_209] {strides = array<i32>} : memref<128x128xf32, #tpu.memory_space<vmem>>, vector<16xf32>,
          %get3A_211 = arith.index_cast %add3A_177 : i32 to index
          %get3A_212 = arith.constant 64 : index
          %get3A_213 = tpu.vector_load %arg15[%get3A_211, %get3A_212] {strides = array<i32>} : memref<128x128xf32, #tpu.memory_space<vmem>>, vector<16xf32>,
          %mul3A_214 = arith.mulf %get3A_210, %get3A_213 : vector<16xf32>
          %add3A_215 = arith.addf %add3A_207, %mul3A_214 : vector<16xf32>
          %get3A_216 = arith.index_cast %add3A_177 : i32 to index
          %get3A_217 = arith.constant 80 : index
          %get3A_218 = tpu.vector_load %arg12[%get3A_216, %get3A_217] {strides = array<i32>} : memref<128x128xf32, #tpu.memory_space<vmem>>, vector<16xf32>,
          %get3A_219 = arith.index_cast %add3A_177 : i32 to index
          %get3A_220 = arith.constant 80 : index
          %get3A_221 = tpu.vector_load %arg15[%get3A_219, %get3A_220] {strides = array<i32>} : memref<128x128xf32, #tpu.memory_space<vmem>>, vector<16xf32>,
          %mul3A_222 = arith.mulf %get3A_218, %get3A_221 : vector<16xf32>
          %add3A_223 = arith.addf %add3A_215, %mul3A_222 : vector<16xf32>
          %get3A_224 = arith.index_cast %add3A_177 : i32 to index
          %get3A_225 = arith.constant 96 : index
          %get3A_226 = tpu.vector_load %arg12[%get3A_224, %get3A_225] {strides = array<i32>} : memref<128x128xf32, #tpu.memory_space<vmem>>, vector<16xf32>,
          %get3A_227 = arith.index_cast %add3A_177 : i32 to index
          %get3A_228 = arith.constant 96 : index
          %get3A_229 = tpu.vector_load %arg15[%get3A_227, %get3A_228] {strides = array<i32>} : memref<128x128xf32, #tpu.memory_space<vmem>>, vector<16xf32>,
          %mul3A_230 = arith.mulf %get3A_226, %get3A_229 : vector<16xf32>
          %add3A_231 = arith.addf %add3A_223, %mul3A_230 : vector<16xf32>
          %get3A_232 = arith.index_cast %add3A_177 : i32 to index
          %get3A_233 = arith.constant 112 : index
          %get3A_234 = tpu.vector_load %arg12[%get3A_232, %get3A_233] {strides = array<i32>} : memref<128x128xf32, #tpu.memory_space<vmem>>, vector<16xf32>,
          %get3A_235 = arith.index_cast %add3A_177 : i32 to index
          %get3A_236 = arith.constant 112 : index
          %get3A_237 = tpu.vector_load %arg15[%get3A_235, %get3A_236] {strides = array<i32>} : memref<128x128xf32, #tpu.memory_space<vmem>>, vector<16xf32>,
          %mul3A_238 = arith.mulf %get3A_234, %get3A_237 : vector<16xf32>
          %add3A_239 = arith.addf %add3A_231, %mul3A_238 : vector<16xf32>
          %mul3A_240 = arith.constant 4 : i32
          %mul3A_241 = arith.muli %scan3A_169, %mul3A_240 : i32
          %add3A_242 = arith.constant 0 : i32
          %add3A_243 = arith.addi %mul3A_241, %add3A_242 : i32
          %eq3A_244 = vector.broadcast %add3A_243 : i32 to vector<16xi32>
          %eq3A_245 = arith.cmpi eq, %iota3A, %eq3A_244 : vector<16xi32>
          %reduce_sum3A = arith.constant true
          %reduce_sum3A_246 = vector.broadcast %reduce_sum3A : i1 to vector<16xi1>
          %reduce_sum3A_247 = tpu.scan <sum>, %add3A_239 masked %reduce_sum3A_246 : vector<16xf32>, vector<16xi1> -> vector<16xf32>
          %reduce_sum3A_248 = vector.extract %reduce_sum3A_247[15] : f32 from vector<16xf32>
          %broadcast_in_dim3A_249 = vector.broadcast %reduce_sum3A_248 : f32 to vector<16xf32>
          %select_n3A_250 = arith.select %eq3A_245, %broadcast_in_dim3A_249, %scan3A_170 : vector<16xi1>, vector<16xf32>
          %mul3A_251 = arith.constant 16 : i32
          %mul3A_252 = arith.muli %scan3A_158, %mul3A_251 : i32
          %mul3A_253 = arith.constant 4 : i32
          %mul3A_254 = arith.muli %scan3A_169, %mul3A_253 : i32
          %add3A_255 = arith.addi %mul3A_252, %mul3A_254 : i32
          %add3A_256 = arith.constant 1 : i32
          %add3A_257 = arith.addi %add3A_255, %add3A_256 : i32
          %get3A_258 = arith.index_cast %add3A_257 : i32 to index
          %get3A_259 = arith.constant 0 : index
          %get3A_260 = tpu.vector_load %arg12[%get3A_258, %get3A_259] {strides = array<i32>} : memref<128x128xf32, #tpu.memory_space<vmem>>, vector<16xf32>,
          %get3A_261 = arith.index_cast %add3A_257 : i32 to index
          %get3A_262 = arith.constant 0 : index
          %get3A_263 = tpu.vector_load %arg15[%get3A_261, %get3A_262] {strides = array<i32>} : memref<128x128xf32, #tpu.memory_space<vmem>>, vector<16xf32>,
          %mul3A_264 = arith.mulf %get3A_260, %get3A_263 : vector<16xf32>
          %get3A_265 = arith.index_cast %add3A_257 : i32 to index
          %get3A_266 = arith.constant 16 : index
          %get3A_267 = tpu.vector_load %arg12[%get3A_265, %get3A_266] {strides = array<i32>} : memref<128x128xf32, #tpu.memory_space<vmem>>, vector<16xf32>,
          %get3A_268 = arith.index_cast %add3A_257 : i32 to index
          %get3A_269 = arith.constant 16 : index
          %get3A_270 = tpu.vector_load %arg15[%get3A_268, %get3A_269] {strides = array<i32>} : memref<128x128xf32, #tpu.memory_space<vmem>>, vector<16xf32>,
          %mul3A_271 = arith.mulf %get3A_267, %get3A_270 : vector<16xf32>
          %add3A_272 = arith.addf %mul3A_264, %mul3A_271 : vector<16xf32>
          %get3A_273 = arith.index_cast %add3A_257 : i32 to index
          %get3A_274 = arith.constant 32 : index
          %get3A_275 = tpu.vector_load %arg12[%get3A_273, %get3A_274] {strides = array<i32>} : memref<128x128xf32, #tpu.memory_space<vmem>>, vector<16xf32>,
          %get3A_276 = arith.index_cast %add3A_257 : i32 to index
          %get3A_277 = arith.constant 32 : index
          %get3A_278 = tpu.vector_load %arg15[%get3A_276, %get3A_277] {strides = array<i32>} : memref<128x128xf32, #tpu.memory_space<vmem>>, vector<16xf32>,
          %mul3A_279 = arith.mulf %get3A_275, %get3A_278 : vector<16xf32>
          %add3A_280 = arith.addf %add3A_272, %mul3A_279 : vector<16xf32>
          %get3A_281 = arith.index_cast %add3A_257 : i32 to index
          %get3A_282 = arith.constant 48 : index
          %get3A_283 = tpu.vector_load %arg12[%get3A_281, %get3A_282] {strides = array<i32>} : memref<128x128xf32, #tpu.memory_space<vmem>>, vector<16xf32>,
          %get3A_284 = arith.index_cast %add3A_257 : i32 to index
          %get3A_285 = arith.constant 48 : index
          %get3A_286 = tpu.vector_load %arg15[%get3A_284, %get3A_285] {strides = array<i32>} : memref<128x128xf32, #tpu.memory_space<vmem>>, vector<16xf32>,
          %mul3A_287 = arith.mulf %get3A_283, %get3A_286 : vector<16xf32>
          %add3A_288 = arith.addf %add3A_280, %mul3A_287 : vector<16xf32>
          %get3A_289 = arith.index_cast %add3A_257 : i32 to index
          %get3A_290 = arith.constant 64 : index
          %get3A_291 = tpu.vector_load %arg12[%get3A_289, %get3A_290] {strides = array<i32>} : memref<128x128xf32, #tpu.memory_space<vmem>>, vector<16xf32>,
          %get3A_292 = arith.index_cast %add3A_257 : i32 to index
          %get3A_293 = arith.constant 64 : index
          %get3A_294 = tpu.vector_load %arg15[%get3A_292, %get3A_293] {strides = array<i32>} : memref<128x128xf32, #tpu.memory_space<vmem>>, vector<16xf32>,
          %mul3A_295 = arith.mulf %get3A_291, %get3A_294 : vector<16xf32>
          %add3A_296 = arith.addf %add3A_288, %mul3A_295 : vector<16xf32>
          %get3A_297 = arith.index_cast %add3A_257 : i32 to index
          %get3A_298 = arith.constant 80 : index
          %get3A_299 = tpu.vector_load %arg12[%get3A_297, %get3A_298] {strides = array<i32>} : memref<128x128xf32, #tpu.memory_space<vmem>>, vector<16xf32>,
          %get3A_300 = arith.index_cast %add3A_257 : i32 to index
          %get3A_301 = arith.constant 80 : index
          %get3A_302 = tpu.vector_load %arg15[%get3A_300, %get3A_301] {strides = array<i32>} : memref<128x128xf32, #tpu.memory_space<vmem>>, vector<16xf32>,
          %mul3A_303 = arith.mulf %get3A_299, %get3A_302 : vector<16xf32>
          %add3A_304 = arith.addf %add3A_296, %mul3A_303 : vector<16xf32>
          %get3A_305 = arith.index_cast %add3A_257 : i32 to index
          %get3A_306 = arith.constant 96 : index
          %get3A_307 = tpu.vector_load %arg12[%get3A_305, %get3A_306] {strides = array<i32>} : memref<128x128xf32, #tpu.memory_space<vmem>>, vector<16xf32>,
          %get3A_308 = arith.index_cast %add3A_257 : i32 to index
          %get3A_309 = arith.constant 96 : index
          %get3A_310 = tpu.vector_load %arg15[%get3A_308, %get3A_309] {strides = array<i32>} : memref<128x128xf32, #tpu.memory_space<vmem>>, vector<16xf32>,
          %mul3A_311 = arith.mulf %get3A_307, %get3A_310 : vector<16xf32>
          %add3A_312 = arith.addf %add3A_304, %mul3A_311 : vector<16xf32>
          %get3A_313 = arith.index_cast %add3A_257 : i32 to index
          %get3A_314 = arith.constant 112 : index
          %get3A_315 = tpu.vector_load %arg12[%get3A_313, %get3A_314] {strides = array<i32>} : memref<128x128xf32, #tpu.memory_space<vmem>>, vector<16xf32>,
          %get3A_316 = arith.index_cast %add3A_257 : i32 to index
          %get3A_317 = arith.constant 112 : index
          %get3A_318 = tpu.vector_load %arg15[%get3A_316, %get3A_317] {strides = array<i32>} : memref<128x128xf32, #tpu.memory_space<vmem>>, vector<16xf32>,
          %mul3A_319 = arith.mulf %get3A_315, %get3A_318 : vector<16xf32>
          %add3A_320 = arith.addf %add3A_312, %mul3A_319 : vector<16xf32>
          %mul3A_321 = arith.constant 4 : i32
          %mul3A_322 = arith.muli %scan3A_169, %mul3A_321 : i32
          %add3A_323 = arith.constant 1 : i32
          %add3A_324 = arith.addi %mul3A_322, %add3A_323 : i32
          %eq3A_325 = vector.broadcast %add3A_324 : i32 to vector<16xi32>
          %eq3A_326 = arith.cmpi eq, %iota3A, %eq3A_325 : vector<16xi32>
          %reduce_sum3A_327 = arith.constant true
          %reduce_sum3A_328 = vector.broadcast %reduce_sum3A_327 : i1 to vector<16xi1>
          %reduce_sum3A_329 = tpu.scan <sum>, %add3A_320 masked %reduce_sum3A_328 : vector<16xf32>, vector<16xi1> -> vector<16xf32>
          %reduce_sum3A_330 = vector.extract %reduce_sum3A_329[15] : f32 from vector<16xf32>
          %broadcast_in_dim3A_331 = vector.broadcast %reduce_sum3A_330 : f32 to vector<16xf32>
          %select_n3A_332 = arith.select %eq3A_326, %broadcast_in_dim3A_331, %select_n3A_250 : vector<16xi1>, vector<16xf32>
          %mul3A_333 = arith.constant 16 : i32
          %mul3A_334 = arith.muli %scan3A_158, %mul3A_333 : i32
          %mul3A_335 = arith.constant 4 : i32
          %mul3A_336 = arith.muli %scan3A_169, %mul3A_335 : i32
          %add3A_337 = arith.addi %mul3A_334, %mul3A_336 : i32
          %add3A_338 = arith.constant 2 : i32
          %add3A_339 = arith.addi %add3A_337, %add3A_338 : i32
          %get3A_340 = arith.index_cast %add3A_339 : i32 to index
          %get3A_341 = arith.constant 0 : index
          %get3A_342 = tpu.vector_load %arg12[%get3A_340, %get3A_341] {strides = array<i32>} : memref<128x128xf32, #tpu.memory_space<vmem>>, vector<16xf32>,
          %get3A_343 = arith.index_cast %add3A_339 : i32 to index
          %get3A_344 = arith.constant 0 : index
          %get3A_345 = tpu.vector_load %arg15[%get3A_343, %get3A_344] {strides = array<i32>} : memref<128x128xf32, #tpu.memory_space<vmem>>, vector<16xf32>,
          %mul3A_346 = arith.mulf %get3A_342, %get3A_345 : vector<16xf32>
          %get3A_347 = arith.index_cast %add3A_339 : i32 to index
          %get3A_348 = arith.constant 16 : index
          %get3A_349 = tpu.vector_load %arg12[%get3A_347, %get3A_348] {strides = array<i32>} : memref<128x128xf32, #tpu.memory_space<vmem>>, vector<16xf32>,
          %get3A_350 = arith.index_cast %add3A_339 : i32 to index
          %get3A_351 = arith.constant 16 : index
          %get3A_352 = tpu.vector_load %arg15[%get3A_350, %get3A_351] {strides = array<i32>} : memref<128x128xf32, #tpu.memory_space<vmem>>, vector<16xf32>,
          %mul3A_353 = arith.mulf %get3A_349, %get3A_352 : vector<16xf32>
          %add3A_354 = arith.addf %mul3A_346, %mul3A_353 : vector<16xf32>
          %get3A_355 = arith.index_cast %add3A_339 : i32 to index
          %get3A_356 = arith.constant 32 : index
          %get3A_357 = tpu.vector_load %arg12[%get3A_355, %get3A_356] {strides = array<i32>} : memref<128x128xf32, #tpu.memory_space<vmem>>, vector<16xf32>,
          %get3A_358 = arith.index_cast %add3A_339 : i32 to index
          %get3A_359 = arith.constant 32 : index
          %get3A_360 = tpu.vector_load %arg15[%get3A_358, %get3A_359] {strides = array<i32>} : memref<128x128xf32, #tpu.memory_space<vmem>>, vector<16xf32>,
          %mul3A_361 = arith.mulf %get3A_357, %get3A_360 : vector<16xf32>
          %add3A_362 = arith.addf %add3A_354, %mul3A_361 : vector<16xf32>
          %get3A_363 = arith.index_cast %add3A_339 : i32 to index
          %get3A_364 = arith.constant 48 : index
          %get3A_365 = tpu.vector_load %arg12[%get3A_363, %get3A_364] {strides = array<i32>} : memref<128x128xf32, #tpu.memory_space<vmem>>, vector<16xf32>,
          %get3A_366 = arith.index_cast %add3A_339 : i32 to index
          %get3A_367 = arith.constant 48 : index
          %get3A_368 = tpu.vector_load %arg15[%get3A_366, %get3A_367] {strides = array<i32>} : memref<128x128xf32, #tpu.memory_space<vmem>>, vector<16xf32>,
          %mul3A_369 = arith.mulf %get3A_365, %get3A_368 : vector<16xf32>
          %add3A_370 = arith.addf %add3A_362, %mul3A_369 : vector<16xf32>
          %get3A_371 = arith.index_cast %add3A_339 : i32 to index
          %get3A_372 = arith.constant 64 : index
          %get3A_373 = tpu.vector_load %arg12[%get3A_371, %get3A_372] {strides = array<i32>} : memref<128x128xf32, #tpu.memory_space<vmem>>, vector<16xf32>,
          %get3A_374 = arith.index_cast %add3A_339 : i32 to index
          %get3A_375 = arith.constant 64 : index
          %get3A_376 = tpu.vector_load %arg15[%get3A_374, %get3A_375] {strides = array<i32>} : memref<128x128xf32, #tpu.memory_space<vmem>>, vector<16xf32>,
          %mul3A_377 = arith.mulf %get3A_373, %get3A_376 : vector<16xf32>
          %add3A_378 = arith.addf %add3A_370, %mul3A_377 : vector<16xf32>
          %get3A_379 = arith.index_cast %add3A_339 : i32 to index
          %get3A_380 = arith.constant 80 : index
          %get3A_381 = tpu.vector_load %arg12[%get3A_379, %get3A_380] {strides = array<i32>} : memref<128x128xf32, #tpu.memory_space<vmem>>, vector<16xf32>,
          %get3A_382 = arith.index_cast %add3A_339 : i32 to index
          %get3A_383 = arith.constant 80 : index
          %get3A_384 = tpu.vector_load %arg15[%get3A_382, %get3A_383] {strides = array<i32>} : memref<128x128xf32, #tpu.memory_space<vmem>>, vector<16xf32>,
          %mul3A_385 = arith.mulf %get3A_381, %get3A_384 : vector<16xf32>
          %add3A_386 = arith.addf %add3A_378, %mul3A_385 : vector<16xf32>
          %get3A_387 = arith.index_cast %add3A_339 : i32 to index
          %get3A_388 = arith.constant 96 : index
          %get3A_389 = tpu.vector_load %arg12[%get3A_387, %get3A_388] {strides = array<i32>} : memref<128x128xf32, #tpu.memory_space<vmem>>, vector<16xf32>,
          %get3A_390 = arith.index_cast %add3A_339 : i32 to index
          %get3A_391 = arith.constant 96 : index
          %get3A_392 = tpu.vector_load %arg15[%get3A_390, %get3A_391] {strides = array<i32>} : memref<128x128xf32, #tpu.memory_space<vmem>>, vector<16xf32>,
          %mul3A_393 = arith.mulf %get3A_389, %get3A_392 : vector<16xf32>
          %add3A_394 = arith.addf %add3A_386, %mul3A_393 : vector<16xf32>
          %get3A_395 = arith.index_cast %add3A_339 : i32 to index
          %get3A_396 = arith.constant 112 : index
          %get3A_397 = tpu.vector_load %arg12[%get3A_395, %get3A_396] {strides = array<i32>} : memref<128x128xf32, #tpu.memory_space<vmem>>, vector<16xf32>,
          %get3A_398 = arith.index_cast %add3A_339 : i32 to index
          %get3A_399 = arith.constant 112 : index
          %get3A_400 = tpu.vector_load %arg15[%get3A_398, %get3A_399] {strides = array<i32>} : memref<128x128xf32, #tpu.memory_space<vmem>>, vector<16xf32>,
          %mul3A_401 = arith.mulf %get3A_397, %get3A_400 : vector<16xf32>
          %add3A_402 = arith.addf %add3A_394, %mul3A_401 : vector<16xf32>
          %mul3A_403 = arith.constant 4 : i32
          %mul3A_404 = arith.muli %scan3A_169, %mul3A_403 : i32
          %add3A_405 = arith.constant 2 : i32
          %add3A_406 = arith.addi %mul3A_404, %add3A_405 : i32
          %eq3A_407 = vector.broadcast %add3A_406 : i32 to vector<16xi32>
          %eq3A_408 = arith.cmpi eq, %iota3A, %eq3A_407 : vector<16xi32>
          %reduce_sum3A_409 = arith.constant true
          %reduce_sum3A_410 = vector.broadcast %reduce_sum3A_409 : i1 to vector<16xi1>
          %reduce_sum3A_411 = tpu.scan <sum>, %add3A_402 masked %reduce_sum3A_410 : vector<16xf32>, vector<16xi1> -> vector<16xf32>
          %reduce_sum3A_412 = vector.extract %reduce_sum3A_411[15] : f32 from vector<16xf32>
          %broadcast_in_dim3A_413 = vector.broadcast %reduce_sum3A_412 : f32 to vector<16xf32>
          %select_n3A_414 = arith.select %eq3A_408, %broadcast_in_dim3A_413, %select_n3A_332 : vector<16xi1>, vector<16xf32>
          %mul3A_415 = arith.constant 16 : i32
          %mul3A_416 = arith.muli %scan3A_158, %mul3A_415 : i32
          %mul3A_417 = arith.constant 4 : i32
          %mul3A_418 = arith.muli %scan3A_169, %mul3A_417 : i32
          %add3A_419 = arith.addi %mul3A_416, %mul3A_418 : i32
          %add3A_420 = arith.constant 3 : i32
          %add3A_421 = arith.addi %add3A_419, %add3A_420 : i32
          %get3A_422 = arith.index_cast %add3A_421 : i32 to index
          %get3A_423 = arith.constant 0 : index
          %get3A_424 = tpu.vector_load %arg12[%get3A_422, %get3A_423] {strides = array<i32>} : memref<128x128xf32, #tpu.memory_space<vmem>>, vector<16xf32>,
          %get3A_425 = arith.index_cast %add3A_421 : i32 to index
          %get3A_426 = arith.constant 0 : index
          %get3A_427 = tpu.vector_load %arg15[%get3A_425, %get3A_426] {strides = array<i32>} : memref<128x128xf32, #tpu.memory_space<vmem>>, vector<16xf32>,
          %mul3A_428 = arith.mulf %get3A_424, %get3A_427 : vector<16xf32>
          %get3A_429 = arith.index_cast %add3A_421 : i32 to index
          %get3A_430 = arith.constant 16 : index
          %get3A_431 = tpu.vector_load %arg12[%get3A_429, %get3A_430] {strides = array<i32>} : memref<128x128xf32, #tpu.memory_space<vmem>>, vector<16xf32>,
          %get3A_432 = arith.index_cast %add3A_421 : i32 to index
          %get3A_433 = arith.constant 16 : index
          %get3A_434 = tpu.vector_load %arg15[%get3A_432, %get3A_433] {strides = array<i32>} : memref<128x128xf32, #tpu.memory_space<vmem>>, vector<16xf32>,
          %mul3A_435 = arith.mulf %get3A_431, %get3A_434 : vector<16xf32>
          %add3A_436 = arith.addf %mul3A_428, %mul3A_435 : vector<16xf32>
          %get3A_437 = arith.index_cast %add3A_421 : i32 to index
          %get3A_438 = arith.constant 32 : index
          %get3A_439 = tpu.vector_load %arg12[%get3A_437, %get3A_438] {strides = array<i32>} : memref<128x128xf32, #tpu.memory_space<vmem>>, vector<16xf32>,
          %get3A_440 = arith.index_cast %add3A_421 : i32 to index
          %get3A_441 = arith.constant 32 : index
          %get3A_442 = tpu.vector_load %arg15[%get3A_440, %get3A_441] {strides = array<i32>} : memref<128x128xf32, #tpu.memory_space<vmem>>, vector<16xf32>,
          %mul3A_443 = arith.mulf %get3A_439, %get3A_442 : vector<16xf32>
          %add3A_444 = arith.addf %add3A_436, %mul3A_443 : vector<16xf32>
          %get3A_445 = arith.index_cast %add3A_421 : i32 to index
          %get3A_446 = arith.constant 48 : index
          %get3A_447 = tpu.vector_load %arg12[%get3A_445, %get3A_446] {strides = array<i32>} : memref<128x128xf32, #tpu.memory_space<vmem>>, vector<16xf32>,
          %get3A_448 = arith.index_cast %add3A_421 : i32 to index
          %get3A_449 = arith.constant 48 : index
          %get3A_450 = tpu.vector_load %arg15[%get3A_448, %get3A_449] {strides = array<i32>} : memref<128x128xf32, #tpu.memory_space<vmem>>, vector<16xf32>,
          %mul3A_451 = arith.mulf %get3A_447, %get3A_450 : vector<16xf32>
          %add3A_452 = arith.addf %add3A_444, %mul3A_451 : vector<16xf32>
          %get3A_453 = arith.index_cast %add3A_421 : i32 to index
          %get3A_454 = arith.constant 64 : index
          %get3A_455 = tpu.vector_load %arg12[%get3A_453, %get3A_454] {strides = array<i32>} : memref<128x128xf32, #tpu.memory_space<vmem>>, vector<16xf32>,
          %get3A_456 = arith.index_cast %add3A_421 : i32 to index
          %get3A_457 = arith.constant 64 : index
          %get3A_458 = tpu.vector_load %arg15[%get3A_456, %get3A_457] {strides = array<i32>} : memref<128x128xf32, #tpu.memory_space<vmem>>, vector<16xf32>,
          %mul3A_459 = arith.mulf %get3A_455, %get3A_458 : vector<16xf32>
          %add3A_460 = arith.addf %add3A_452, %mul3A_459 : vector<16xf32>
          %get3A_461 = arith.index_cast %add3A_421 : i32 to index
          %get3A_462 = arith.constant 80 : index
          %get3A_463 = tpu.vector_load %arg12[%get3A_461, %get3A_462] {strides = array<i32>} : memref<128x128xf32, #tpu.memory_space<vmem>>, vector<16xf32>,
          %get3A_464 = arith.index_cast %add3A_421 : i32 to index
          %get3A_465 = arith.constant 80 : index
          %get3A_466 = tpu.vector_load %arg15[%get3A_464, %get3A_465] {strides = array<i32>} : memref<128x128xf32, #tpu.memory_space<vmem>>, vector<16xf32>,
          %mul3A_467 = arith.mulf %get3A_463, %get3A_466 : vector<16xf32>
          %add3A_468 = arith.addf %add3A_460, %mul3A_467 : vector<16xf32>
          %get3A_469 = arith.index_cast %add3A_421 : i32 to index
          %get3A_470 = arith.constant 96 : index
          %get3A_471 = tpu.vector_load %arg12[%get3A_469, %get3A_470] {strides = array<i32>} : memref<128x128xf32, #tpu.memory_space<vmem>>, vector<16xf32>,
          %get3A_472 = arith.index_cast %add3A_421 : i32 to index
          %get3A_473 = arith.constant 96 : index
          %get3A_474 = tpu.vector_load %arg15[%get3A_472, %get3A_473] {strides = array<i32>} : memref<128x128xf32, #tpu.memory_space<vmem>>, vector<16xf32>,
          %mul3A_475 = arith.mulf %get3A_471, %get3A_474 : vector<16xf32>
          %add3A_476 = arith.addf %add3A_468, %mul3A_475 : vector<16xf32>
          %get3A_477 = arith.index_cast %add3A_421 : i32 to index
          %get3A_478 = arith.constant 112 : index
          %get3A_479 = tpu.vector_load %arg12[%get3A_477, %get3A_478] {strides = array<i32>} : memref<128x128xf32, #tpu.memory_space<vmem>>, vector<16xf32>,
          %get3A_480 = arith.index_cast %add3A_421 : i32 to index
          %get3A_481 = arith.constant 112 : index
          %get3A_482 = tpu.vector_load %arg15[%get3A_480, %get3A_481] {strides = array<i32>} : memref<128x128xf32, #tpu.memory_space<vmem>>, vector<16xf32>,
          %mul3A_483 = arith.mulf %get3A_479, %get3A_482 : vector<16xf32>
          %add3A_484 = arith.addf %add3A_476, %mul3A_483 : vector<16xf32>
          %mul3A_485 = arith.constant 4 : i32
          %mul3A_486 = arith.muli %scan3A_169, %mul3A_485 : i32
          %add3A_487 = arith.constant 3 : i32
          %add3A_488 = arith.addi %mul3A_486, %add3A_487 : i32
          %eq3A_489 = vector.broadcast %add3A_488 : i32 to vector<16xi32>
          %eq3A_490 = arith.cmpi eq, %iota3A, %eq3A_489 : vector<16xi32>
          %reduce_sum3A_491 = arith.constant true
          %reduce_sum3A_492 = vector.broadcast %reduce_sum3A_491 : i1 to vector<16xi1>
          %reduce_sum3A_493 = tpu.scan <sum>, %add3A_484 masked %reduce_sum3A_492 : vector<16xf32>, vector<16xi1> -> vector<16xf32>
          %reduce_sum3A_494 = vector.extract %reduce_sum3A_493[15] : f32 from vector<16xf32>
          %broadcast_in_dim3A_495 = vector.broadcast %reduce_sum3A_494 : f32 to vector<16xf32>
          %select_n3A_496 = arith.select %eq3A_490, %broadcast_in_dim3A_495, %select_n3A_414 : vector<16xi1>, vector<16xf32>
          scf.yield %select_n3A_496 : vector<16xf32>
        }
        %scan3A_165 = arith.constant 4 : i32
        %mul3A_166 = arith.constant 16 : i32
        %mul3A_167 = arith.muli %scan3A_158, %mul3A_166 : i32
        %swap3A = arith.index_cast %mul3A_167 : i32 to index
        %swap3A_168 = tpu.vector_load %arg18[%swap3A] {strides = array<i32>} : memref<128xf32, #tpu.memory_space<vmem>>, vector<16xf32>,
        tpu.vector_store %arg18[%swap3A], %scan3A_164 {strides = array<i32>} : memref<128xf32, #tpu.memory_space<vmem>>, vector<16xf32>,
      }
      %scan3A_83 = arith.constant 8 : i32
      %mul3A_84 = arith.constant 128 : i32
      %mul3A_85 = arith.muli %add3A_70, %mul3A_84 : i32
      %add3A_86 = arith.addi %mul3A_10, %mul3A_85 : i32
      %dma_start3A_87 = tpu.memref_slice %arg5[%add3A_86] : memref<602112xf32, #tpu.memory_space<hbm>> -> memref<128xf32, #tpu.memory_space<hbm>>
      %dma_start3A_88 = tpu.memref_slice %arg5[%add3A_86] : memref<602112xf32, #tpu.memory_space<hbm>> -> memref<128xf32, #tpu.memory_space<hbm>>
      tpu.enqueue_dma source(%arg18 : memref<128xf32, #tpu.memory_space<vmem>>) target(%dma_start3A_88 : memref<128xf32, #tpu.memory_space<hbm>>) target_semaphore(%arg27 : memref<!tpu.dma_semaphore, #tpu.memory_space<semaphore_mem>>)
      %add3A_89 = arith.constant 3 : i32
      %add3A_90 = arith.addi %add3A_70, %add3A_89 : i32
      %lt3A = arith.cmpi slt, %add3A_90, %select_n3A : i32
      %convert_element_type3A_91 = arith.extui %lt3A : i1 to i32
      %cond3A_92 = arith.constant 0 : i32
      %cond3A_93 = arith.cmpi ne, %convert_element_type3A_91, %cond3A_92 : i32
      scf.if %cond3A_93 {
        %mul3A_158 = arith.constant 128 : i32
        %mul3A_159 = arith.muli %add3A_90, %mul3A_158 : i32
        %add3A_160 = arith.addi %mul3A_10, %mul3A_159 : i32
        "tpu.region"() ({
          %run_scoped3A = tpu.sem_alloc : memref<!tpu.dma_semaphore, #tpu.memory_space<semaphore_mem>>
          %dma_start3A_167 = tpu.memref_slice %arg3[%add3A_160] : memref<602112xi32, #tpu.memory_space<hbm>> -> memref<128xi32, #tpu.memory_space<hbm>>
          %dma_start3A_168 = tpu.memref_slice %arg3[%add3A_160] : memref<602112xi32, #tpu.memory_space<hbm>> -> memref<128xi32, #tpu.memory_space<hbm>>
          tpu.enqueue_dma source(%dma_start3A_168 : memref<128xi32, #tpu.memory_space<hbm>>) target(%arg6 : memref<128xi32, #tpu.memory_space<vmem>>) target_semaphore(%run_scoped3A : memref<!tpu.dma_semaphore, #tpu.memory_space<semaphore_mem>>)
          %dma_wait3A_169 = tpu.memref_slice %arg3[%add3A_160] : memref<602112xi32, #tpu.memory_space<hbm>> -> memref<128xi32, #tpu.memory_space<hbm>>
          %dma_wait3A_170 = tpu.memref_slice %arg3[%add3A_160] : memref<602112xi32, #tpu.memory_space<hbm>> -> memref<128xi32, #tpu.memory_space<hbm>>
          tpu.wait_dma2 semaphore(%run_scoped3A : memref<!tpu.dma_semaphore, #tpu.memory_space<semaphore_mem>>) src(%dma_wait3A_170 : memref<128xi32, #tpu.memory_space<hbm>>) dst(%arg6 : memref<128xi32, #tpu.memory_space<vmem>>)
          tpu.yield
        }) : () -> ()
        "tpu.region"() ({
          %run_scoped3A = tpu.sem_alloc : memref<!tpu.dma_semaphore, #tpu.memory_space<semaphore_mem>>
          %dma_start3A_167 = tpu.memref_slice %arg4[%add3A_160] : memref<602112xi32, #tpu.memory_space<hbm>> -> memref<128xi32, #tpu.memory_space<hbm>>
          %dma_start3A_168 = tpu.memref_slice %arg4[%add3A_160] : memref<602112xi32, #tpu.memory_space<hbm>> -> memref<128xi32, #tpu.memory_space<hbm>>
          tpu.enqueue_dma source(%dma_start3A_168 : memref<128xi32, #tpu.memory_space<hbm>>) target(%arg9 : memref<128xi32, #tpu.memory_space<vmem>>) target_semaphore(%run_scoped3A : memref<!tpu.dma_semaphore, #tpu.memory_space<semaphore_mem>>)
          %dma_wait3A_169 = tpu.memref_slice %arg4[%add3A_160] : memref<602112xi32, #tpu.memory_space<hbm>> -> memref<128xi32, #tpu.memory_space<hbm>>
          %dma_wait3A_170 = tpu.memref_slice %arg4[%add3A_160] : memref<602112xi32, #tpu.memory_space<hbm>> -> memref<128xi32, #tpu.memory_space<hbm>>
          tpu.wait_dma2 semaphore(%run_scoped3A : memref<!tpu.dma_semaphore, #tpu.memory_space<semaphore_mem>>) src(%dma_wait3A_170 : memref<128xi32, #tpu.memory_space<hbm>>) dst(%arg9 : memref<128xi32, #tpu.memory_space<vmem>>)
          tpu.yield
        }) : () -> ()
        %dma_start3A_161 = arith.constant 0 : i32
        %dma_start3A_162 = arith.constant 0 : i32
        %dma_start3A_163 = tpu.memref_slice %arg2[%dma_start3A_161, %dma_start3A_162] : memref<100000x128xf32, #tpu.memory_space<hbm>> -> memref<100000x128xf32, #tpu.memory_space<hbm>>
        tpu.enqueue_indirect_dma source(%dma_start3A_163 : memref<100000x128xf32, #tpu.memory_space<hbm>>) target(%arg12 : memref<128x128xf32, #tpu.memory_space<vmem>>) offsets(%arg6 : memref<128xi32, #tpu.memory_space<vmem>>) semaphore(%arg21 : memref<!tpu.dma_semaphore, #tpu.memory_space<semaphore_mem>>)
        %dma_start3A_164 = arith.constant 0 : i32
        %dma_start3A_165 = arith.constant 0 : i32
        %dma_start3A_166 = tpu.memref_slice %arg2[%dma_start3A_164, %dma_start3A_165] : memref<100000x128xf32, #tpu.memory_space<hbm>> -> memref<100000x128xf32, #tpu.memory_space<hbm>>
        tpu.enqueue_indirect_dma source(%dma_start3A_166 : memref<100000x128xf32, #tpu.memory_space<hbm>>) target(%arg15 : memref<128x128xf32, #tpu.memory_space<vmem>>) offsets(%arg9 : memref<128xi32, #tpu.memory_space<vmem>>) semaphore(%arg24 : memref<!tpu.dma_semaphore, #tpu.memory_space<semaphore_mem>>)
      } else {
      }
      %mul3A_94 = arith.constant 3 : i32
      %mul3A_95 = arith.muli %while3A_66, %mul3A_94 : i32
      %add3A_96 = arith.constant 1 : i32
      %add3A_97 = arith.addi %mul3A_95, %add3A_96 : i32
      %dma_wait3A_98 = arith.constant 0 : i32
      %dma_wait3A_99 = arith.constant 0 : i32
      %dma_wait3A_100 = tpu.memref_slice %arg2[%dma_wait3A_98, %dma_wait3A_99] : memref<100000x128xf32, #tpu.memory_space<hbm>> -> memref<100000x128xf32, #tpu.memory_space<hbm>>
      tpu.wait_indirect_dma semaphore(%arg22 : memref<!tpu.dma_semaphore, #tpu.memory_space<semaphore_mem>>) src(%dma_wait3A_100 : memref<100000x128xf32, #tpu.memory_space<hbm>>) dst(%arg13 : memref<128x128xf32, #tpu.memory_space<vmem>>)
      %dma_wait3A_101 = arith.constant 0 : i32
      %dma_wait3A_102 = arith.constant 0 : i32
      %dma_wait3A_103 = tpu.memref_slice %arg2[%dma_wait3A_101, %dma_wait3A_102] : memref<100000x128xf32, #tpu.memory_space<hbm>> -> memref<100000x128xf32, #tpu.memory_space<hbm>>
      tpu.wait_indirect_dma semaphore(%arg25 : memref<!tpu.dma_semaphore, #tpu.memory_space<semaphore_mem>>) src(%dma_wait3A_103 : memref<100000x128xf32, #tpu.memory_space<hbm>>) dst(%arg16 : memref<128x128xf32, #tpu.memory_space<vmem>>)
      %ge3A_104 = arith.constant 3 : i32
      %ge3A_105 = arith.cmpi sge, %add3A_97, %ge3A_104 : i32
      %convert_element_type3A_106 = arith.extui %ge3A_105 : i1 to i32
      %cond3A_107 = arith.constant 0 : i32
      %cond3A_108 = arith.cmpi ne, %convert_element_type3A_106, %cond3A_107 : i32
      scf.if %cond3A_108 {
        %dma_wait3A_158 = tpu.memref_slice %arg5[%mul3A_10] : memref<602112xf32, #tpu.memory_space<hbm>> -> memref<128xf32, #tpu.memory_space<hbm>>
        %dma_wait3A_159 = tpu.memref_slice %arg5[%mul3A_10] : memref<602112xf32, #tpu.memory_space<hbm>> -> memref<128xf32, #tpu.memory_space<hbm>>
        tpu.wait_dma2 semaphore(%arg28 : memref<!tpu.dma_semaphore, #tpu.memory_space<semaphore_mem>>) src(%arg19 : memref<128xf32, #tpu.memory_space<vmem>>) dst(%dma_wait3A_159 : memref<128xf32, #tpu.memory_space<hbm>>)
      } else {
      }
      %scan3A_109 = arith.constant 0 : i32
      %scan3A_110 = arith.constant 0 : i32
      %scan3A_111 = arith.constant 8 : i32
      %scan3A_112 = arith.addi %scan3A_110, %scan3A_111 : i32
      %scan3A_113 = arith.constant 1 : i32
      scf.for %scan3A_158 = %scan3A_110 to %scan3A_112 step %scan3A_113  : i32 {
        %broadcast_in_dim3A = arith.constant 0.000000e+00 : f32
        %broadcast_in_dim3A_159 = vector.broadcast %broadcast_in_dim3A : f32 to vector<16xf32>
        %scan3A_160 = arith.constant 0 : i32
        %scan3A_161 = arith.constant 4 : i32
        %scan3A_162 = arith.addi %scan3A_160, %scan3A_161 : i32
        %scan3A_163 = arith.constant 1 : i32
        %scan3A_164 = scf.for %scan3A_169 = %scan3A_160 to %scan3A_162 step %scan3A_163 iter_args(%scan3A_170 = %broadcast_in_dim3A_159) -> (vector<16xf32>)  : i32 {
          %mul3A_171 = arith.constant 16 : i32
          %mul3A_172 = arith.muli %scan3A_158, %mul3A_171 : i32
          %mul3A_173 = arith.constant 4 : i32
          %mul3A_174 = arith.muli %scan3A_169, %mul3A_173 : i32
          %add3A_175 = arith.addi %mul3A_172, %mul3A_174 : i32
          %add3A_176 = arith.constant 0 : i32
          %add3A_177 = arith.addi %add3A_175, %add3A_176 : i32
          %get3A = arith.index_cast %add3A_177 : i32 to index
          %get3A_178 = arith.constant 0 : index
          %get3A_179 = tpu.vector_load %arg13[%get3A, %get3A_178] {strides = array<i32>} : memref<128x128xf32, #tpu.memory_space<vmem>>, vector<16xf32>,
          %get3A_180 = arith.index_cast %add3A_177 : i32 to index
          %get3A_181 = arith.constant 0 : index
          %get3A_182 = tpu.vector_load %arg16[%get3A_180, %get3A_181] {strides = array<i32>} : memref<128x128xf32, #tpu.memory_space<vmem>>, vector<16xf32>,
          %mul3A_183 = arith.mulf %get3A_179, %get3A_182 : vector<16xf32>
          %get3A_184 = arith.index_cast %add3A_177 : i32 to index
          %get3A_185 = arith.constant 16 : index
          %get3A_186 = tpu.vector_load %arg13[%get3A_184, %get3A_185] {strides = array<i32>} : memref<128x128xf32, #tpu.memory_space<vmem>>, vector<16xf32>,
          %get3A_187 = arith.index_cast %add3A_177 : i32 to index
          %get3A_188 = arith.constant 16 : index
          %get3A_189 = tpu.vector_load %arg16[%get3A_187, %get3A_188] {strides = array<i32>} : memref<128x128xf32, #tpu.memory_space<vmem>>, vector<16xf32>,
          %mul3A_190 = arith.mulf %get3A_186, %get3A_189 : vector<16xf32>
          %add3A_191 = arith.addf %mul3A_183, %mul3A_190 : vector<16xf32>
          %get3A_192 = arith.index_cast %add3A_177 : i32 to index
          %get3A_193 = arith.constant 32 : index
          %get3A_194 = tpu.vector_load %arg13[%get3A_192, %get3A_193] {strides = array<i32>} : memref<128x128xf32, #tpu.memory_space<vmem>>, vector<16xf32>,
          %get3A_195 = arith.index_cast %add3A_177 : i32 to index
          %get3A_196 = arith.constant 32 : index
          %get3A_197 = tpu.vector_load %arg16[%get3A_195, %get3A_196] {strides = array<i32>} : memref<128x128xf32, #tpu.memory_space<vmem>>, vector<16xf32>,
          %mul3A_198 = arith.mulf %get3A_194, %get3A_197 : vector<16xf32>
          %add3A_199 = arith.addf %add3A_191, %mul3A_198 : vector<16xf32>
          %get3A_200 = arith.index_cast %add3A_177 : i32 to index
          %get3A_201 = arith.constant 48 : index
          %get3A_202 = tpu.vector_load %arg13[%get3A_200, %get3A_201] {strides = array<i32>} : memref<128x128xf32, #tpu.memory_space<vmem>>, vector<16xf32>,
          %get3A_203 = arith.index_cast %add3A_177 : i32 to index
          %get3A_204 = arith.constant 48 : index
          %get3A_205 = tpu.vector_load %arg16[%get3A_203, %get3A_204] {strides = array<i32>} : memref<128x128xf32, #tpu.memory_space<vmem>>, vector<16xf32>,
          %mul3A_206 = arith.mulf %get3A_202, %get3A_205 : vector<16xf32>
          %add3A_207 = arith.addf %add3A_199, %mul3A_206 : vector<16xf32>
          %get3A_208 = arith.index_cast %add3A_177 : i32 to index
          %get3A_209 = arith.constant 64 : index
          %get3A_210 = tpu.vector_load %arg13[%get3A_208, %get3A_209] {strides = array<i32>} : memref<128x128xf32, #tpu.memory_space<vmem>>, vector<16xf32>,
          %get3A_211 = arith.index_cast %add3A_177 : i32 to index
          %get3A_212 = arith.constant 64 : index
          %get3A_213 = tpu.vector_load %arg16[%get3A_211, %get3A_212] {strides = array<i32>} : memref<128x128xf32, #tpu.memory_space<vmem>>, vector<16xf32>,
          %mul3A_214 = arith.mulf %get3A_210, %get3A_213 : vector<16xf32>
          %add3A_215 = arith.addf %add3A_207, %mul3A_214 : vector<16xf32>
          %get3A_216 = arith.index_cast %add3A_177 : i32 to index
          %get3A_217 = arith.constant 80 : index
          %get3A_218 = tpu.vector_load %arg13[%get3A_216, %get3A_217] {strides = array<i32>} : memref<128x128xf32, #tpu.memory_space<vmem>>, vector<16xf32>,
          %get3A_219 = arith.index_cast %add3A_177 : i32 to index
          %get3A_220 = arith.constant 80 : index
          %get3A_221 = tpu.vector_load %arg16[%get3A_219, %get3A_220] {strides = array<i32>} : memref<128x128xf32, #tpu.memory_space<vmem>>, vector<16xf32>,
          %mul3A_222 = arith.mulf %get3A_218, %get3A_221 : vector<16xf32>
          %add3A_223 = arith.addf %add3A_215, %mul3A_222 : vector<16xf32>
          %get3A_224 = arith.index_cast %add3A_177 : i32 to index
          %get3A_225 = arith.constant 96 : index
          %get3A_226 = tpu.vector_load %arg13[%get3A_224, %get3A_225] {strides = array<i32>} : memref<128x128xf32, #tpu.memory_space<vmem>>, vector<16xf32>,
          %get3A_227 = arith.index_cast %add3A_177 : i32 to index
          %get3A_228 = arith.constant 96 : index
          %get3A_229 = tpu.vector_load %arg16[%get3A_227, %get3A_228] {strides = array<i32>} : memref<128x128xf32, #tpu.memory_space<vmem>>, vector<16xf32>,
          %mul3A_230 = arith.mulf %get3A_226, %get3A_229 : vector<16xf32>
          %add3A_231 = arith.addf %add3A_223, %mul3A_230 : vector<16xf32>
          %get3A_232 = arith.index_cast %add3A_177 : i32 to index
          %get3A_233 = arith.constant 112 : index
          %get3A_234 = tpu.vector_load %arg13[%get3A_232, %get3A_233] {strides = array<i32>} : memref<128x128xf32, #tpu.memory_space<vmem>>, vector<16xf32>,
          %get3A_235 = arith.index_cast %add3A_177 : i32 to index
          %get3A_236 = arith.constant 112 : index
          %get3A_237 = tpu.vector_load %arg16[%get3A_235, %get3A_236] {strides = array<i32>} : memref<128x128xf32, #tpu.memory_space<vmem>>, vector<16xf32>,
          %mul3A_238 = arith.mulf %get3A_234, %get3A_237 : vector<16xf32>
          %add3A_239 = arith.addf %add3A_231, %mul3A_238 : vector<16xf32>
          %mul3A_240 = arith.constant 4 : i32
          %mul3A_241 = arith.muli %scan3A_169, %mul3A_240 : i32
          %add3A_242 = arith.constant 0 : i32
          %add3A_243 = arith.addi %mul3A_241, %add3A_242 : i32
          %eq3A_244 = vector.broadcast %add3A_243 : i32 to vector<16xi32>
          %eq3A_245 = arith.cmpi eq, %iota3A, %eq3A_244 : vector<16xi32>
          %reduce_sum3A = arith.constant true
          %reduce_sum3A_246 = vector.broadcast %reduce_sum3A : i1 to vector<16xi1>
          %reduce_sum3A_247 = tpu.scan <sum>, %add3A_239 masked %reduce_sum3A_246 : vector<16xf32>, vector<16xi1> -> vector<16xf32>
          %reduce_sum3A_248 = vector.extract %reduce_sum3A_247[15] : f32 from vector<16xf32>
          %broadcast_in_dim3A_249 = vector.broadcast %reduce_sum3A_248 : f32 to vector<16xf32>
          %select_n3A_250 = arith.select %eq3A_245, %broadcast_in_dim3A_249, %scan3A_170 : vector<16xi1>, vector<16xf32>
          %mul3A_251 = arith.constant 16 : i32
          %mul3A_252 = arith.muli %scan3A_158, %mul3A_251 : i32
          %mul3A_253 = arith.constant 4 : i32
          %mul3A_254 = arith.muli %scan3A_169, %mul3A_253 : i32
          %add3A_255 = arith.addi %mul3A_252, %mul3A_254 : i32
          %add3A_256 = arith.constant 1 : i32
          %add3A_257 = arith.addi %add3A_255, %add3A_256 : i32
          %get3A_258 = arith.index_cast %add3A_257 : i32 to index
          %get3A_259 = arith.constant 0 : index
          %get3A_260 = tpu.vector_load %arg13[%get3A_258, %get3A_259] {strides = array<i32>} : memref<128x128xf32, #tpu.memory_space<vmem>>, vector<16xf32>,
          %get3A_261 = arith.index_cast %add3A_257 : i32 to index
          %get3A_262 = arith.constant 0 : index
          %get3A_263 = tpu.vector_load %arg16[%get3A_261, %get3A_262] {strides = array<i32>} : memref<128x128xf32, #tpu.memory_space<vmem>>, vector<16xf32>,
          %mul3A_264 = arith.mulf %get3A_260, %get3A_263 : vector<16xf32>
          %get3A_265 = arith.index_cast %add3A_257 : i32 to index
          %get3A_266 = arith.constant 16 : index
          %get3A_267 = tpu.vector_load %arg13[%get3A_265, %get3A_266] {strides = array<i32>} : memref<128x128xf32, #tpu.memory_space<vmem>>, vector<16xf32>,
          %get3A_268 = arith.index_cast %add3A_257 : i32 to index
          %get3A_269 = arith.constant 16 : index
          %get3A_270 = tpu.vector_load %arg16[%get3A_268, %get3A_269] {strides = array<i32>} : memref<128x128xf32, #tpu.memory_space<vmem>>, vector<16xf32>,
          %mul3A_271 = arith.mulf %get3A_267, %get3A_270 : vector<16xf32>
          %add3A_272 = arith.addf %mul3A_264, %mul3A_271 : vector<16xf32>
          %get3A_273 = arith.index_cast %add3A_257 : i32 to index
          %get3A_274 = arith.constant 32 : index
          %get3A_275 = tpu.vector_load %arg13[%get3A_273, %get3A_274] {strides = array<i32>} : memref<128x128xf32, #tpu.memory_space<vmem>>, vector<16xf32>,
          %get3A_276 = arith.index_cast %add3A_257 : i32 to index
          %get3A_277 = arith.constant 32 : index
          %get3A_278 = tpu.vector_load %arg16[%get3A_276, %get3A_277] {strides = array<i32>} : memref<128x128xf32, #tpu.memory_space<vmem>>, vector<16xf32>,
          %mul3A_279 = arith.mulf %get3A_275, %get3A_278 : vector<16xf32>
          %add3A_280 = arith.addf %add3A_272, %mul3A_279 : vector<16xf32>
          %get3A_281 = arith.index_cast %add3A_257 : i32 to index
          %get3A_282 = arith.constant 48 : index
          %get3A_283 = tpu.vector_load %arg13[%get3A_281, %get3A_282] {strides = array<i32>} : memref<128x128xf32, #tpu.memory_space<vmem>>, vector<16xf32>,
          %get3A_284 = arith.index_cast %add3A_257 : i32 to index
          %get3A_285 = arith.constant 48 : index
          %get3A_286 = tpu.vector_load %arg16[%get3A_284, %get3A_285] {strides = array<i32>} : memref<128x128xf32, #tpu.memory_space<vmem>>, vector<16xf32>,
          %mul3A_287 = arith.mulf %get3A_283, %get3A_286 : vector<16xf32>
          %add3A_288 = arith.addf %add3A_280, %mul3A_287 : vector<16xf32>
          %get3A_289 = arith.index_cast %add3A_257 : i32 to index
          %get3A_290 = arith.constant 64 : index
          %get3A_291 = tpu.vector_load %arg13[%get3A_289, %get3A_290] {strides = array<i32>} : memref<128x128xf32, #tpu.memory_space<vmem>>, vector<16xf32>,
          %get3A_292 = arith.index_cast %add3A_257 : i32 to index
          %get3A_293 = arith.constant 64 : index
          %get3A_294 = tpu.vector_load %arg16[%get3A_292, %get3A_293] {strides = array<i32>} : memref<128x128xf32, #tpu.memory_space<vmem>>, vector<16xf32>,
          %mul3A_295 = arith.mulf %get3A_291, %get3A_294 : vector<16xf32>
          %add3A_296 = arith.addf %add3A_288, %mul3A_295 : vector<16xf32>
          %get3A_297 = arith.index_cast %add3A_257 : i32 to index
          %get3A_298 = arith.constant 80 : index
          %get3A_299 = tpu.vector_load %arg13[%get3A_297, %get3A_298] {strides = array<i32>} : memref<128x128xf32, #tpu.memory_space<vmem>>, vector<16xf32>,
          %get3A_300 = arith.index_cast %add3A_257 : i32 to index
          %get3A_301 = arith.constant 80 : index
          %get3A_302 = tpu.vector_load %arg16[%get3A_300, %get3A_301] {strides = array<i32>} : memref<128x128xf32, #tpu.memory_space<vmem>>, vector<16xf32>,
          %mul3A_303 = arith.mulf %get3A_299, %get3A_302 : vector<16xf32>
          %add3A_304 = arith.addf %add3A_296, %mul3A_303 : vector<16xf32>
          %get3A_305 = arith.index_cast %add3A_257 : i32 to index
          %get3A_306 = arith.constant 96 : index
          %get3A_307 = tpu.vector_load %arg13[%get3A_305, %get3A_306] {strides = array<i32>} : memref<128x128xf32, #tpu.memory_space<vmem>>, vector<16xf32>,
          %get3A_308 = arith.index_cast %add3A_257 : i32 to index
          %get3A_309 = arith.constant 96 : index
          %get3A_310 = tpu.vector_load %arg16[%get3A_308, %get3A_309] {strides = array<i32>} : memref<128x128xf32, #tpu.memory_space<vmem>>, vector<16xf32>,
          %mul3A_311 = arith.mulf %get3A_307, %get3A_310 : vector<16xf32>
          %add3A_312 = arith.addf %add3A_304, %mul3A_311 : vector<16xf32>
          %get3A_313 = arith.index_cast %add3A_257 : i32 to index
          %get3A_314 = arith.constant 112 : index
          %get3A_315 = tpu.vector_load %arg13[%get3A_313, %get3A_314] {strides = array<i32>} : memref<128x128xf32, #tpu.memory_space<vmem>>, vector<16xf32>,
          %get3A_316 = arith.index_cast %add3A_257 : i32 to index
          %get3A_317 = arith.constant 112 : index
          %get3A_318 = tpu.vector_load %arg16[%get3A_316, %get3A_317] {strides = array<i32>} : memref<128x128xf32, #tpu.memory_space<vmem>>, vector<16xf32>,
          %mul3A_319 = arith.mulf %get3A_315, %get3A_318 : vector<16xf32>
          %add3A_320 = arith.addf %add3A_312, %mul3A_319 : vector<16xf32>
          %mul3A_321 = arith.constant 4 : i32
          %mul3A_322 = arith.muli %scan3A_169, %mul3A_321 : i32
          %add3A_323 = arith.constant 1 : i32
          %add3A_324 = arith.addi %mul3A_322, %add3A_323 : i32
          %eq3A_325 = vector.broadcast %add3A_324 : i32 to vector<16xi32>
          %eq3A_326 = arith.cmpi eq, %iota3A, %eq3A_325 : vector<16xi32>
          %reduce_sum3A_327 = arith.constant true
          %reduce_sum3A_328 = vector.broadcast %reduce_sum3A_327 : i1 to vector<16xi1>
          %reduce_sum3A_329 = tpu.scan <sum>, %add3A_320 masked %reduce_sum3A_328 : vector<16xf32>, vector<16xi1> -> vector<16xf32>
          %reduce_sum3A_330 = vector.extract %reduce_sum3A_329[15] : f32 from vector<16xf32>
          %broadcast_in_dim3A_331 = vector.broadcast %reduce_sum3A_330 : f32 to vector<16xf32>
          %select_n3A_332 = arith.select %eq3A_326, %broadcast_in_dim3A_331, %select_n3A_250 : vector<16xi1>, vector<16xf32>
          %mul3A_333 = arith.constant 16 : i32
          %mul3A_334 = arith.muli %scan3A_158, %mul3A_333 : i32
          %mul3A_335 = arith.constant 4 : i32
          %mul3A_336 = arith.muli %scan3A_169, %mul3A_335 : i32
          %add3A_337 = arith.addi %mul3A_334, %mul3A_336 : i32
          %add3A_338 = arith.constant 2 : i32
          %add3A_339 = arith.addi %add3A_337, %add3A_338 : i32
          %get3A_340 = arith.index_cast %add3A_339 : i32 to index
          %get3A_341 = arith.constant 0 : index
          %get3A_342 = tpu.vector_load %arg13[%get3A_340, %get3A_341] {strides = array<i32>} : memref<128x128xf32, #tpu.memory_space<vmem>>, vector<16xf32>,
          %get3A_343 = arith.index_cast %add3A_339 : i32 to index
          %get3A_344 = arith.constant 0 : index
          %get3A_345 = tpu.vector_load %arg16[%get3A_343, %get3A_344] {strides = array<i32>} : memref<128x128xf32, #tpu.memory_space<vmem>>, vector<16xf32>,
          %mul3A_346 = arith.mulf %get3A_342, %get3A_345 : vector<16xf32>
          %get3A_347 = arith.index_cast %add3A_339 : i32 to index
          %get3A_348 = arith.constant 16 : index
          %get3A_349 = tpu.vector_load %arg13[%get3A_347, %get3A_348] {strides = array<i32>} : memref<128x128xf32, #tpu.memory_space<vmem>>, vector<16xf32>,
          %get3A_350 = arith.index_cast %add3A_339 : i32 to index
          %get3A_351 = arith.constant 16 : index
          %get3A_352 = tpu.vector_load %arg16[%get3A_350, %get3A_351] {strides = array<i32>} : memref<128x128xf32, #tpu.memory_space<vmem>>, vector<16xf32>,
          %mul3A_353 = arith.mulf %get3A_349, %get3A_352 : vector<16xf32>
          %add3A_354 = arith.addf %mul3A_346, %mul3A_353 : vector<16xf32>
          %get3A_355 = arith.index_cast %add3A_339 : i32 to index
          %get3A_356 = arith.constant 32 : index
          %get3A_357 = tpu.vector_load %arg13[%get3A_355, %get3A_356] {strides = array<i32>} : memref<128x128xf32, #tpu.memory_space<vmem>>, vector<16xf32>,
          %get3A_358 = arith.index_cast %add3A_339 : i32 to index
          %get3A_359 = arith.constant 32 : index
          %get3A_360 = tpu.vector_load %arg16[%get3A_358, %get3A_359] {strides = array<i32>} : memref<128x128xf32, #tpu.memory_space<vmem>>, vector<16xf32>,
          %mul3A_361 = arith.mulf %get3A_357, %get3A_360 : vector<16xf32>
          %add3A_362 = arith.addf %add3A_354, %mul3A_361 : vector<16xf32>
          %get3A_363 = arith.index_cast %add3A_339 : i32 to index
          %get3A_364 = arith.constant 48 : index
          %get3A_365 = tpu.vector_load %arg13[%get3A_363, %get3A_364] {strides = array<i32>} : memref<128x128xf32, #tpu.memory_space<vmem>>, vector<16xf32>,
          %get3A_366 = arith.index_cast %add3A_339 : i32 to index
          %get3A_367 = arith.constant 48 : index
          %get3A_368 = tpu.vector_load %arg16[%get3A_366, %get3A_367] {strides = array<i32>} : memref<128x128xf32, #tpu.memory_space<vmem>>, vector<16xf32>,
          %mul3A_369 = arith.mulf %get3A_365, %get3A_368 : vector<16xf32>
          %add3A_370 = arith.addf %add3A_362, %mul3A_369 : vector<16xf32>
          %get3A_371 = arith.index_cast %add3A_339 : i32 to index
          %get3A_372 = arith.constant 64 : index
          %get3A_373 = tpu.vector_load %arg13[%get3A_371, %get3A_372] {strides = array<i32>} : memref<128x128xf32, #tpu.memory_space<vmem>>, vector<16xf32>,
          %get3A_374 = arith.index_cast %add3A_339 : i32 to index
          %get3A_375 = arith.constant 64 : index
          %get3A_376 = tpu.vector_load %arg16[%get3A_374, %get3A_375] {strides = array<i32>} : memref<128x128xf32, #tpu.memory_space<vmem>>, vector<16xf32>,
          %mul3A_377 = arith.mulf %get3A_373, %get3A_376 : vector<16xf32>
          %add3A_378 = arith.addf %add3A_370, %mul3A_377 : vector<16xf32>
          %get3A_379 = arith.index_cast %add3A_339 : i32 to index
          %get3A_380 = arith.constant 80 : index
          %get3A_381 = tpu.vector_load %arg13[%get3A_379, %get3A_380] {strides = array<i32>} : memref<128x128xf32, #tpu.memory_space<vmem>>, vector<16xf32>,
          %get3A_382 = arith.index_cast %add3A_339 : i32 to index
          %get3A_383 = arith.constant 80 : index
          %get3A_384 = tpu.vector_load %arg16[%get3A_382, %get3A_383] {strides = array<i32>} : memref<128x128xf32, #tpu.memory_space<vmem>>, vector<16xf32>,
          %mul3A_385 = arith.mulf %get3A_381, %get3A_384 : vector<16xf32>
          %add3A_386 = arith.addf %add3A_378, %mul3A_385 : vector<16xf32>
          %get3A_387 = arith.index_cast %add3A_339 : i32 to index
          %get3A_388 = arith.constant 96 : index
          %get3A_389 = tpu.vector_load %arg13[%get3A_387, %get3A_388] {strides = array<i32>} : memref<128x128xf32, #tpu.memory_space<vmem>>, vector<16xf32>,
          %get3A_390 = arith.index_cast %add3A_339 : i32 to index
          %get3A_391 = arith.constant 96 : index
          %get3A_392 = tpu.vector_load %arg16[%get3A_390, %get3A_391] {strides = array<i32>} : memref<128x128xf32, #tpu.memory_space<vmem>>, vector<16xf32>,
          %mul3A_393 = arith.mulf %get3A_389, %get3A_392 : vector<16xf32>
          %add3A_394 = arith.addf %add3A_386, %mul3A_393 : vector<16xf32>
          %get3A_395 = arith.index_cast %add3A_339 : i32 to index
          %get3A_396 = arith.constant 112 : index
          %get3A_397 = tpu.vector_load %arg13[%get3A_395, %get3A_396] {strides = array<i32>} : memref<128x128xf32, #tpu.memory_space<vmem>>, vector<16xf32>,
          %get3A_398 = arith.index_cast %add3A_339 : i32 to index
          %get3A_399 = arith.constant 112 : index
          %get3A_400 = tpu.vector_load %arg16[%get3A_398, %get3A_399] {strides = array<i32>} : memref<128x128xf32, #tpu.memory_space<vmem>>, vector<16xf32>,
          %mul3A_401 = arith.mulf %get3A_397, %get3A_400 : vector<16xf32>
          %add3A_402 = arith.addf %add3A_394, %mul3A_401 : vector<16xf32>
          %mul3A_403 = arith.constant 4 : i32
          %mul3A_404 = arith.muli %scan3A_169, %mul3A_403 : i32
          %add3A_405 = arith.constant 2 : i32
          %add3A_406 = arith.addi %mul3A_404, %add3A_405 : i32
          %eq3A_407 = vector.broadcast %add3A_406 : i32 to vector<16xi32>
          %eq3A_408 = arith.cmpi eq, %iota3A, %eq3A_407 : vector<16xi32>
          %reduce_sum3A_409 = arith.constant true
          %reduce_sum3A_410 = vector.broadcast %reduce_sum3A_409 : i1 to vector<16xi1>
          %reduce_sum3A_411 = tpu.scan <sum>, %add3A_402 masked %reduce_sum3A_410 : vector<16xf32>, vector<16xi1> -> vector<16xf32>
          %reduce_sum3A_412 = vector.extract %reduce_sum3A_411[15] : f32 from vector<16xf32>
          %broadcast_in_dim3A_413 = vector.broadcast %reduce_sum3A_412 : f32 to vector<16xf32>
          %select_n3A_414 = arith.select %eq3A_408, %broadcast_in_dim3A_413, %select_n3A_332 : vector<16xi1>, vector<16xf32>
          %mul3A_415 = arith.constant 16 : i32
          %mul3A_416 = arith.muli %scan3A_158, %mul3A_415 : i32
          %mul3A_417 = arith.constant 4 : i32
          %mul3A_418 = arith.muli %scan3A_169, %mul3A_417 : i32
          %add3A_419 = arith.addi %mul3A_416, %mul3A_418 : i32
          %add3A_420 = arith.constant 3 : i32
          %add3A_421 = arith.addi %add3A_419, %add3A_420 : i32
          %get3A_422 = arith.index_cast %add3A_421 : i32 to index
          %get3A_423 = arith.constant 0 : index
          %get3A_424 = tpu.vector_load %arg13[%get3A_422, %get3A_423] {strides = array<i32>} : memref<128x128xf32, #tpu.memory_space<vmem>>, vector<16xf32>,
          %get3A_425 = arith.index_cast %add3A_421 : i32 to index
          %get3A_426 = arith.constant 0 : index
          %get3A_427 = tpu.vector_load %arg16[%get3A_425, %get3A_426] {strides = array<i32>} : memref<128x128xf32, #tpu.memory_space<vmem>>, vector<16xf32>,
          %mul3A_428 = arith.mulf %get3A_424, %get3A_427 : vector<16xf32>
          %get3A_429 = arith.index_cast %add3A_421 : i32 to index
          %get3A_430 = arith.constant 16 : index
          %get3A_431 = tpu.vector_load %arg13[%get3A_429, %get3A_430] {strides = array<i32>} : memref<128x128xf32, #tpu.memory_space<vmem>>, vector<16xf32>,
          %get3A_432 = arith.index_cast %add3A_421 : i32 to index
          %get3A_433 = arith.constant 16 : index
          %get3A_434 = tpu.vector_load %arg16[%get3A_432, %get3A_433] {strides = array<i32>} : memref<128x128xf32, #tpu.memory_space<vmem>>, vector<16xf32>,
          %mul3A_435 = arith.mulf %get3A_431, %get3A_434 : vector<16xf32>
          %add3A_436 = arith.addf %mul3A_428, %mul3A_435 : vector<16xf32>
          %get3A_437 = arith.index_cast %add3A_421 : i32 to index
          %get3A_438 = arith.constant 32 : index
          %get3A_439 = tpu.vector_load %arg13[%get3A_437, %get3A_438] {strides = array<i32>} : memref<128x128xf32, #tpu.memory_space<vmem>>, vector<16xf32>,
          %get3A_440 = arith.index_cast %add3A_421 : i32 to index
          %get3A_441 = arith.constant 32 : index
          %get3A_442 = tpu.vector_load %arg16[%get3A_440, %get3A_441] {strides = array<i32>} : memref<128x128xf32, #tpu.memory_space<vmem>>, vector<16xf32>,
          %mul3A_443 = arith.mulf %get3A_439, %get3A_442 : vector<16xf32>
          %add3A_444 = arith.addf %add3A_436, %mul3A_443 : vector<16xf32>
          %get3A_445 = arith.index_cast %add3A_421 : i32 to index
          %get3A_446 = arith.constant 48 : index
          %get3A_447 = tpu.vector_load %arg13[%get3A_445, %get3A_446] {strides = array<i32>} : memref<128x128xf32, #tpu.memory_space<vmem>>, vector<16xf32>,
          %get3A_448 = arith.index_cast %add3A_421 : i32 to index
          %get3A_449 = arith.constant 48 : index
          %get3A_450 = tpu.vector_load %arg16[%get3A_448, %get3A_449] {strides = array<i32>} : memref<128x128xf32, #tpu.memory_space<vmem>>, vector<16xf32>,
          %mul3A_451 = arith.mulf %get3A_447, %get3A_450 : vector<16xf32>
          %add3A_452 = arith.addf %add3A_444, %mul3A_451 : vector<16xf32>
          %get3A_453 = arith.index_cast %add3A_421 : i32 to index
          %get3A_454 = arith.constant 64 : index
          %get3A_455 = tpu.vector_load %arg13[%get3A_453, %get3A_454] {strides = array<i32>} : memref<128x128xf32, #tpu.memory_space<vmem>>, vector<16xf32>,
          %get3A_456 = arith.index_cast %add3A_421 : i32 to index
          %get3A_457 = arith.constant 64 : index
          %get3A_458 = tpu.vector_load %arg16[%get3A_456, %get3A_457] {strides = array<i32>} : memref<128x128xf32, #tpu.memory_space<vmem>>, vector<16xf32>,
          %mul3A_459 = arith.mulf %get3A_455, %get3A_458 : vector<16xf32>
          %add3A_460 = arith.addf %add3A_452, %mul3A_459 : vector<16xf32>
          %get3A_461 = arith.index_cast %add3A_421 : i32 to index
          %get3A_462 = arith.constant 80 : index
          %get3A_463 = tpu.vector_load %arg13[%get3A_461, %get3A_462] {strides = array<i32>} : memref<128x128xf32, #tpu.memory_space<vmem>>, vector<16xf32>,
          %get3A_464 = arith.index_cast %add3A_421 : i32 to index
          %get3A_465 = arith.constant 80 : index
          %get3A_466 = tpu.vector_load %arg16[%get3A_464, %get3A_465] {strides = array<i32>} : memref<128x128xf32, #tpu.memory_space<vmem>>, vector<16xf32>,
          %mul3A_467 = arith.mulf %get3A_463, %get3A_466 : vector<16xf32>
          %add3A_468 = arith.addf %add3A_460, %mul3A_467 : vector<16xf32>
          %get3A_469 = arith.index_cast %add3A_421 : i32 to index
          %get3A_470 = arith.constant 96 : index
          %get3A_471 = tpu.vector_load %arg13[%get3A_469, %get3A_470] {strides = array<i32>} : memref<128x128xf32, #tpu.memory_space<vmem>>, vector<16xf32>,
          %get3A_472 = arith.index_cast %add3A_421 : i32 to index
          %get3A_473 = arith.constant 96 : index
          %get3A_474 = tpu.vector_load %arg16[%get3A_472, %get3A_473] {strides = array<i32>} : memref<128x128xf32, #tpu.memory_space<vmem>>, vector<16xf32>,
          %mul3A_475 = arith.mulf %get3A_471, %get3A_474 : vector<16xf32>
          %add3A_476 = arith.addf %add3A_468, %mul3A_475 : vector<16xf32>
          %get3A_477 = arith.index_cast %add3A_421 : i32 to index
          %get3A_478 = arith.constant 112 : index
          %get3A_479 = tpu.vector_load %arg13[%get3A_477, %get3A_478] {strides = array<i32>} : memref<128x128xf32, #tpu.memory_space<vmem>>, vector<16xf32>,
          %get3A_480 = arith.index_cast %add3A_421 : i32 to index
          %get3A_481 = arith.constant 112 : index
          %get3A_482 = tpu.vector_load %arg16[%get3A_480, %get3A_481] {strides = array<i32>} : memref<128x128xf32, #tpu.memory_space<vmem>>, vector<16xf32>,
          %mul3A_483 = arith.mulf %get3A_479, %get3A_482 : vector<16xf32>
          %add3A_484 = arith.addf %add3A_476, %mul3A_483 : vector<16xf32>
          %mul3A_485 = arith.constant 4 : i32
          %mul3A_486 = arith.muli %scan3A_169, %mul3A_485 : i32
          %add3A_487 = arith.constant 3 : i32
          %add3A_488 = arith.addi %mul3A_486, %add3A_487 : i32
          %eq3A_489 = vector.broadcast %add3A_488 : i32 to vector<16xi32>
          %eq3A_490 = arith.cmpi eq, %iota3A, %eq3A_489 : vector<16xi32>
          %reduce_sum3A_491 = arith.constant true
          %reduce_sum3A_492 = vector.broadcast %reduce_sum3A_491 : i1 to vector<16xi1>
          %reduce_sum3A_493 = tpu.scan <sum>, %add3A_484 masked %reduce_sum3A_492 : vector<16xf32>, vector<16xi1> -> vector<16xf32>
          %reduce_sum3A_494 = vector.extract %reduce_sum3A_493[15] : f32 from vector<16xf32>
          %broadcast_in_dim3A_495 = vector.broadcast %reduce_sum3A_494 : f32 to vector<16xf32>
          %select_n3A_496 = arith.select %eq3A_490, %broadcast_in_dim3A_495, %select_n3A_414 : vector<16xi1>, vector<16xf32>
          scf.yield %select_n3A_496 : vector<16xf32>
        }
        %scan3A_165 = arith.constant 4 : i32
        %mul3A_166 = arith.constant 16 : i32
        %mul3A_167 = arith.muli %scan3A_158, %mul3A_166 : i32
        %swap3A = arith.index_cast %mul3A_167 : i32 to index
        %swap3A_168 = tpu.vector_load %arg19[%swap3A] {strides = array<i32>} : memref<128xf32, #tpu.memory_space<vmem>>, vector<16xf32>,
        tpu.vector_store %arg19[%swap3A], %scan3A_164 {strides = array<i32>} : memref<128xf32, #tpu.memory_space<vmem>>, vector<16xf32>,
      }
      %scan3A_114 = arith.constant 8 : i32
      %mul3A_115 = arith.constant 128 : i32
      %mul3A_116 = arith.muli %add3A_97, %mul3A_115 : i32
      %add3A_117 = arith.addi %mul3A_10, %mul3A_116 : i32
      %dma_start3A_118 = tpu.memref_slice %arg5[%add3A_117] : memref<602112xf32, #tpu.memory_space<hbm>> -> memref<128xf32, #tpu.memory_space<hbm>>
      %dma_start3A_119 = tpu.memref_slice %arg5[%add3A_117] : memref<602112xf32, #tpu.memory_space<hbm>> -> memref<128xf32, #tpu.memory_space<hbm>>
      tpu.enqueue_dma source(%arg19 : memref<128xf32, #tpu.memory_space<vmem>>) target(%dma_start3A_119 : memref<128xf32, #tpu.memory_space<hbm>>) target_semaphore(%arg28 : memref<!tpu.dma_semaphore, #tpu.memory_space<semaphore_mem>>)
      %add3A_120 = arith.constant 3 : i32
      %add3A_121 = arith.addi %add3A_97, %add3A_120 : i32
      %lt3A_122 = arith.cmpi slt, %add3A_121, %select_n3A : i32
      %convert_element_type3A_123 = arith.extui %lt3A_122 : i1 to i32
      %cond3A_124 = arith.constant 0 : i32
      %cond3A_125 = arith.cmpi ne, %convert_element_type3A_123, %cond3A_124 : i32
      scf.if %cond3A_125 {
        %mul3A_158 = arith.constant 128 : i32
        %mul3A_159 = arith.muli %add3A_121, %mul3A_158 : i32
        %add3A_160 = arith.addi %mul3A_10, %mul3A_159 : i32
        "tpu.region"() ({
          %run_scoped3A = tpu.sem_alloc : memref<!tpu.dma_semaphore, #tpu.memory_space<semaphore_mem>>
          %dma_start3A_167 = tpu.memref_slice %arg3[%add3A_160] : memref<602112xi32, #tpu.memory_space<hbm>> -> memref<128xi32, #tpu.memory_space<hbm>>
          %dma_start3A_168 = tpu.memref_slice %arg3[%add3A_160] : memref<602112xi32, #tpu.memory_space<hbm>> -> memref<128xi32, #tpu.memory_space<hbm>>
          tpu.enqueue_dma source(%dma_start3A_168 : memref<128xi32, #tpu.memory_space<hbm>>) target(%arg7 : memref<128xi32, #tpu.memory_space<vmem>>) target_semaphore(%run_scoped3A : memref<!tpu.dma_semaphore, #tpu.memory_space<semaphore_mem>>)
          %dma_wait3A_169 = tpu.memref_slice %arg3[%add3A_160] : memref<602112xi32, #tpu.memory_space<hbm>> -> memref<128xi32, #tpu.memory_space<hbm>>
          %dma_wait3A_170 = tpu.memref_slice %arg3[%add3A_160] : memref<602112xi32, #tpu.memory_space<hbm>> -> memref<128xi32, #tpu.memory_space<hbm>>
          tpu.wait_dma2 semaphore(%run_scoped3A : memref<!tpu.dma_semaphore, #tpu.memory_space<semaphore_mem>>) src(%dma_wait3A_170 : memref<128xi32, #tpu.memory_space<hbm>>) dst(%arg7 : memref<128xi32, #tpu.memory_space<vmem>>)
          tpu.yield
        }) : () -> ()
        "tpu.region"() ({
          %run_scoped3A = tpu.sem_alloc : memref<!tpu.dma_semaphore, #tpu.memory_space<semaphore_mem>>
          %dma_start3A_167 = tpu.memref_slice %arg4[%add3A_160] : memref<602112xi32, #tpu.memory_space<hbm>> -> memref<128xi32, #tpu.memory_space<hbm>>
          %dma_start3A_168 = tpu.memref_slice %arg4[%add3A_160] : memref<602112xi32, #tpu.memory_space<hbm>> -> memref<128xi32, #tpu.memory_space<hbm>>
          tpu.enqueue_dma source(%dma_start3A_168 : memref<128xi32, #tpu.memory_space<hbm>>) target(%arg10 : memref<128xi32, #tpu.memory_space<vmem>>) target_semaphore(%run_scoped3A : memref<!tpu.dma_semaphore, #tpu.memory_space<semaphore_mem>>)
          %dma_wait3A_169 = tpu.memref_slice %arg4[%add3A_160] : memref<602112xi32, #tpu.memory_space<hbm>> -> memref<128xi32, #tpu.memory_space<hbm>>
          %dma_wait3A_170 = tpu.memref_slice %arg4[%add3A_160] : memref<602112xi32, #tpu.memory_space<hbm>> -> memref<128xi32, #tpu.memory_space<hbm>>
          tpu.wait_dma2 semaphore(%run_scoped3A : memref<!tpu.dma_semaphore, #tpu.memory_space<semaphore_mem>>) src(%dma_wait3A_170 : memref<128xi32, #tpu.memory_space<hbm>>) dst(%arg10 : memref<128xi32, #tpu.memory_space<vmem>>)
          tpu.yield
        }) : () -> ()
        %dma_start3A_161 = arith.constant 0 : i32
        %dma_start3A_162 = arith.constant 0 : i32
        %dma_start3A_163 = tpu.memref_slice %arg2[%dma_start3A_161, %dma_start3A_162] : memref<100000x128xf32, #tpu.memory_space<hbm>> -> memref<100000x128xf32, #tpu.memory_space<hbm>>
        tpu.enqueue_indirect_dma source(%dma_start3A_163 : memref<100000x128xf32, #tpu.memory_space<hbm>>) target(%arg13 : memref<128x128xf32, #tpu.memory_space<vmem>>) offsets(%arg7 : memref<128xi32, #tpu.memory_space<vmem>>) semaphore(%arg22 : memref<!tpu.dma_semaphore, #tpu.memory_space<semaphore_mem>>)
        %dma_start3A_164 = arith.constant 0 : i32
        %dma_start3A_165 = arith.constant 0 : i32
        %dma_start3A_166 = tpu.memref_slice %arg2[%dma_start3A_164, %dma_start3A_165] : memref<100000x128xf32, #tpu.memory_space<hbm>> -> memref<100000x128xf32, #tpu.memory_space<hbm>>
        tpu.enqueue_indirect_dma source(%dma_start3A_166 : memref<100000x128xf32, #tpu.memory_space<hbm>>) target(%arg16 : memref<128x128xf32, #tpu.memory_space<vmem>>) offsets(%arg10 : memref<128xi32, #tpu.memory_space<vmem>>) semaphore(%arg25 : memref<!tpu.dma_semaphore, #tpu.memory_space<semaphore_mem>>)
      } else {
      }
      %mul3A_126 = arith.constant 3 : i32
      %mul3A_127 = arith.muli %while3A_66, %mul3A_126 : i32
      %add3A_128 = arith.constant 2 : i32
      %add3A_129 = arith.addi %mul3A_127, %add3A_128 : i32
      %dma_wait3A_130 = arith.constant 0 : i32
      %dma_wait3A_131 = arith.constant 0 : i32
      %dma_wait3A_132 = tpu.memref_slice %arg2[%dma_wait3A_130, %dma_wait3A_131] : memref<100000x128xf32, #tpu.memory_space<hbm>> -> memref<100000x128xf32, #tpu.memory_space<hbm>>
      tpu.wait_indirect_dma semaphore(%arg23 : memref<!tpu.dma_semaphore, #tpu.memory_space<semaphore_mem>>) src(%dma_wait3A_132 : memref<100000x128xf32, #tpu.memory_space<hbm>>) dst(%arg14 : memref<128x128xf32, #tpu.memory_space<vmem>>)
      %dma_wait3A_133 = arith.constant 0 : i32
      %dma_wait3A_134 = arith.constant 0 : i32
      %dma_wait3A_135 = tpu.memref_slice %arg2[%dma_wait3A_133, %dma_wait3A_134] : memref<100000x128xf32, #tpu.memory_space<hbm>> -> memref<100000x128xf32, #tpu.memory_space<hbm>>
      tpu.wait_indirect_dma semaphore(%arg26 : memref<!tpu.dma_semaphore, #tpu.memory_space<semaphore_mem>>) src(%dma_wait3A_135 : memref<100000x128xf32, #tpu.memory_space<hbm>>) dst(%arg17 : memref<128x128xf32, #tpu.memory_space<vmem>>)
      %ge3A_136 = arith.constant 3 : i32
      %ge3A_137 = arith.cmpi sge, %add3A_129, %ge3A_136 : i32
      %convert_element_type3A_138 = arith.extui %ge3A_137 : i1 to i32
      %cond3A_139 = arith.constant 0 : i32
      %cond3A_140 = arith.cmpi ne, %convert_element_type3A_138, %cond3A_139 : i32
      scf.if %cond3A_140 {
        %dma_wait3A_158 = tpu.memref_slice %arg5[%mul3A_10] : memref<602112xf32, #tpu.memory_space<hbm>> -> memref<128xf32, #tpu.memory_space<hbm>>
        %dma_wait3A_159 = tpu.memref_slice %arg5[%mul3A_10] : memref<602112xf32, #tpu.memory_space<hbm>> -> memref<128xf32, #tpu.memory_space<hbm>>
        tpu.wait_dma2 semaphore(%arg29 : memref<!tpu.dma_semaphore, #tpu.memory_space<semaphore_mem>>) src(%arg20 : memref<128xf32, #tpu.memory_space<vmem>>) dst(%dma_wait3A_159 : memref<128xf32, #tpu.memory_space<hbm>>)
      } else {
      }
      %scan3A_141 = arith.constant 0 : i32
      %scan3A_142 = arith.constant 0 : i32
      %scan3A_143 = arith.constant 8 : i32
      %scan3A_144 = arith.addi %scan3A_142, %scan3A_143 : i32
      %scan3A_145 = arith.constant 1 : i32
      scf.for %scan3A_158 = %scan3A_142 to %scan3A_144 step %scan3A_145  : i32 {
        %broadcast_in_dim3A = arith.constant 0.000000e+00 : f32
        %broadcast_in_dim3A_159 = vector.broadcast %broadcast_in_dim3A : f32 to vector<16xf32>
        %scan3A_160 = arith.constant 0 : i32
        %scan3A_161 = arith.constant 4 : i32
        %scan3A_162 = arith.addi %scan3A_160, %scan3A_161 : i32
        %scan3A_163 = arith.constant 1 : i32
        %scan3A_164 = scf.for %scan3A_169 = %scan3A_160 to %scan3A_162 step %scan3A_163 iter_args(%scan3A_170 = %broadcast_in_dim3A_159) -> (vector<16xf32>)  : i32 {
          %mul3A_171 = arith.constant 16 : i32
          %mul3A_172 = arith.muli %scan3A_158, %mul3A_171 : i32
          %mul3A_173 = arith.constant 4 : i32
          %mul3A_174 = arith.muli %scan3A_169, %mul3A_173 : i32
          %add3A_175 = arith.addi %mul3A_172, %mul3A_174 : i32
          %add3A_176 = arith.constant 0 : i32
          %add3A_177 = arith.addi %add3A_175, %add3A_176 : i32
          %get3A = arith.index_cast %add3A_177 : i32 to index
          %get3A_178 = arith.constant 0 : index
          %get3A_179 = tpu.vector_load %arg14[%get3A, %get3A_178] {strides = array<i32>} : memref<128x128xf32, #tpu.memory_space<vmem>>, vector<16xf32>,
          %get3A_180 = arith.index_cast %add3A_177 : i32 to index
          %get3A_181 = arith.constant 0 : index
          %get3A_182 = tpu.vector_load %arg17[%get3A_180, %get3A_181] {strides = array<i32>} : memref<128x128xf32, #tpu.memory_space<vmem>>, vector<16xf32>,
          %mul3A_183 = arith.mulf %get3A_179, %get3A_182 : vector<16xf32>
          %get3A_184 = arith.index_cast %add3A_177 : i32 to index
          %get3A_185 = arith.constant 16 : index
          %get3A_186 = tpu.vector_load %arg14[%get3A_184, %get3A_185] {strides = array<i32>} : memref<128x128xf32, #tpu.memory_space<vmem>>, vector<16xf32>,
          %get3A_187 = arith.index_cast %add3A_177 : i32 to index
          %get3A_188 = arith.constant 16 : index
          %get3A_189 = tpu.vector_load %arg17[%get3A_187, %get3A_188] {strides = array<i32>} : memref<128x128xf32, #tpu.memory_space<vmem>>, vector<16xf32>,
          %mul3A_190 = arith.mulf %get3A_186, %get3A_189 : vector<16xf32>
          %add3A_191 = arith.addf %mul3A_183, %mul3A_190 : vector<16xf32>
          %get3A_192 = arith.index_cast %add3A_177 : i32 to index
          %get3A_193 = arith.constant 32 : index
          %get3A_194 = tpu.vector_load %arg14[%get3A_192, %get3A_193] {strides = array<i32>} : memref<128x128xf32, #tpu.memory_space<vmem>>, vector<16xf32>,
          %get3A_195 = arith.index_cast %add3A_177 : i32 to index
          %get3A_196 = arith.constant 32 : index
          %get3A_197 = tpu.vector_load %arg17[%get3A_195, %get3A_196] {strides = array<i32>} : memref<128x128xf32, #tpu.memory_space<vmem>>, vector<16xf32>,
          %mul3A_198 = arith.mulf %get3A_194, %get3A_197 : vector<16xf32>
          %add3A_199 = arith.addf %add3A_191, %mul3A_198 : vector<16xf32>
          %get3A_200 = arith.index_cast %add3A_177 : i32 to index
          %get3A_201 = arith.constant 48 : index
          %get3A_202 = tpu.vector_load %arg14[%get3A_200, %get3A_201] {strides = array<i32>} : memref<128x128xf32, #tpu.memory_space<vmem>>, vector<16xf32>,
          %get3A_203 = arith.index_cast %add3A_177 : i32 to index
          %get3A_204 = arith.constant 48 : index
          %get3A_205 = tpu.vector_load %arg17[%get3A_203, %get3A_204] {strides = array<i32>} : memref<128x128xf32, #tpu.memory_space<vmem>>, vector<16xf32>,
          %mul3A_206 = arith.mulf %get3A_202, %get3A_205 : vector<16xf32>
          %add3A_207 = arith.addf %add3A_199, %mul3A_206 : vector<16xf32>
          %get3A_208 = arith.index_cast %add3A_177 : i32 to index
          %get3A_209 = arith.constant 64 : index
          %get3A_210 = tpu.vector_load %arg14[%get3A_208, %get3A_209] {strides = array<i32>} : memref<128x128xf32, #tpu.memory_space<vmem>>, vector<16xf32>,
          %get3A_211 = arith.index_cast %add3A_177 : i32 to index
          %get3A_212 = arith.constant 64 : index
          %get3A_213 = tpu.vector_load %arg17[%get3A_211, %get3A_212] {strides = array<i32>} : memref<128x128xf32, #tpu.memory_space<vmem>>, vector<16xf32>,
          %mul3A_214 = arith.mulf %get3A_210, %get3A_213 : vector<16xf32>
          %add3A_215 = arith.addf %add3A_207, %mul3A_214 : vector<16xf32>
          %get3A_216 = arith.index_cast %add3A_177 : i32 to index
          %get3A_217 = arith.constant 80 : index
          %get3A_218 = tpu.vector_load %arg14[%get3A_216, %get3A_217] {strides = array<i32>} : memref<128x128xf32, #tpu.memory_space<vmem>>, vector<16xf32>,
          %get3A_219 = arith.index_cast %add3A_177 : i32 to index
          %get3A_220 = arith.constant 80 : index
          %get3A_221 = tpu.vector_load %arg17[%get3A_219, %get3A_220] {strides = array<i32>} : memref<128x128xf32, #tpu.memory_space<vmem>>, vector<16xf32>,
          %mul3A_222 = arith.mulf %get3A_218, %get3A_221 : vector<16xf32>
          %add3A_223 = arith.addf %add3A_215, %mul3A_222 : vector<16xf32>
          %get3A_224 = arith.index_cast %add3A_177 : i32 to index
          %get3A_225 = arith.constant 96 : index
          %get3A_226 = tpu.vector_load %arg14[%get3A_224, %get3A_225] {strides = array<i32>} : memref<128x128xf32, #tpu.memory_space<vmem>>, vector<16xf32>,
          %get3A_227 = arith.index_cast %add3A_177 : i32 to index
          %get3A_228 = arith.constant 96 : index
          %get3A_229 = tpu.vector_load %arg17[%get3A_227, %get3A_228] {strides = array<i32>} : memref<128x128xf32, #tpu.memory_space<vmem>>, vector<16xf32>,
          %mul3A_230 = arith.mulf %get3A_226, %get3A_229 : vector<16xf32>
          %add3A_231 = arith.addf %add3A_223, %mul3A_230 : vector<16xf32>
          %get3A_232 = arith.index_cast %add3A_177 : i32 to index
          %get3A_233 = arith.constant 112 : index
          %get3A_234 = tpu.vector_load %arg14[%get3A_232, %get3A_233] {strides = array<i32>} : memref<128x128xf32, #tpu.memory_space<vmem>>, vector<16xf32>,
          %get3A_235 = arith.index_cast %add3A_177 : i32 to index
          %get3A_236 = arith.constant 112 : index
          %get3A_237 = tpu.vector_load %arg17[%get3A_235, %get3A_236] {strides = array<i32>} : memref<128x128xf32, #tpu.memory_space<vmem>>, vector<16xf32>,
          %mul3A_238 = arith.mulf %get3A_234, %get3A_237 : vector<16xf32>
          %add3A_239 = arith.addf %add3A_231, %mul3A_238 : vector<16xf32>
          %mul3A_240 = arith.constant 4 : i32
          %mul3A_241 = arith.muli %scan3A_169, %mul3A_240 : i32
          %add3A_242 = arith.constant 0 : i32
          %add3A_243 = arith.addi %mul3A_241, %add3A_242 : i32
          %eq3A_244 = vector.broadcast %add3A_243 : i32 to vector<16xi32>
          %eq3A_245 = arith.cmpi eq, %iota3A, %eq3A_244 : vector<16xi32>
          %reduce_sum3A = arith.constant true
          %reduce_sum3A_246 = vector.broadcast %reduce_sum3A : i1 to vector<16xi1>
          %reduce_sum3A_247 = tpu.scan <sum>, %add3A_239 masked %reduce_sum3A_246 : vector<16xf32>, vector<16xi1> -> vector<16xf32>
          %reduce_sum3A_248 = vector.extract %reduce_sum3A_247[15] : f32 from vector<16xf32>
          %broadcast_in_dim3A_249 = vector.broadcast %reduce_sum3A_248 : f32 to vector<16xf32>
          %select_n3A_250 = arith.select %eq3A_245, %broadcast_in_dim3A_249, %scan3A_170 : vector<16xi1>, vector<16xf32>
          %mul3A_251 = arith.constant 16 : i32
          %mul3A_252 = arith.muli %scan3A_158, %mul3A_251 : i32
          %mul3A_253 = arith.constant 4 : i32
          %mul3A_254 = arith.muli %scan3A_169, %mul3A_253 : i32
          %add3A_255 = arith.addi %mul3A_252, %mul3A_254 : i32
          %add3A_256 = arith.constant 1 : i32
          %add3A_257 = arith.addi %add3A_255, %add3A_256 : i32
          %get3A_258 = arith.index_cast %add3A_257 : i32 to index
          %get3A_259 = arith.constant 0 : index
          %get3A_260 = tpu.vector_load %arg14[%get3A_258, %get3A_259] {strides = array<i32>} : memref<128x128xf32, #tpu.memory_space<vmem>>, vector<16xf32>,
          %get3A_261 = arith.index_cast %add3A_257 : i32 to index
          %get3A_262 = arith.constant 0 : index
          %get3A_263 = tpu.vector_load %arg17[%get3A_261, %get3A_262] {strides = array<i32>} : memref<128x128xf32, #tpu.memory_space<vmem>>, vector<16xf32>,
          %mul3A_264 = arith.mulf %get3A_260, %get3A_263 : vector<16xf32>
          %get3A_265 = arith.index_cast %add3A_257 : i32 to index
          %get3A_266 = arith.constant 16 : index
          %get3A_267 = tpu.vector_load %arg14[%get3A_265, %get3A_266] {strides = array<i32>} : memref<128x128xf32, #tpu.memory_space<vmem>>, vector<16xf32>,
          %get3A_268 = arith.index_cast %add3A_257 : i32 to index
          %get3A_269 = arith.constant 16 : index
          %get3A_270 = tpu.vector_load %arg17[%get3A_268, %get3A_269] {strides = array<i32>} : memref<128x128xf32, #tpu.memory_space<vmem>>, vector<16xf32>,
          %mul3A_271 = arith.mulf %get3A_267, %get3A_270 : vector<16xf32>
          %add3A_272 = arith.addf %mul3A_264, %mul3A_271 : vector<16xf32>
          %get3A_273 = arith.index_cast %add3A_257 : i32 to index
          %get3A_274 = arith.constant 32 : index
          %get3A_275 = tpu.vector_load %arg14[%get3A_273, %get3A_274] {strides = array<i32>} : memref<128x128xf32, #tpu.memory_space<vmem>>, vector<16xf32>,
          %get3A_276 = arith.index_cast %add3A_257 : i32 to index
          %get3A_277 = arith.constant 32 : index
          %get3A_278 = tpu.vector_load %arg17[%get3A_276, %get3A_277] {strides = array<i32>} : memref<128x128xf32, #tpu.memory_space<vmem>>, vector<16xf32>,
          %mul3A_279 = arith.mulf %get3A_275, %get3A_278 : vector<16xf32>
          %add3A_280 = arith.addf %add3A_272, %mul3A_279 : vector<16xf32>
          %get3A_281 = arith.index_cast %add3A_257 : i32 to index
          %get3A_282 = arith.constant 48 : index
          %get3A_283 = tpu.vector_load %arg14[%get3A_281, %get3A_282] {strides = array<i32>} : memref<128x128xf32, #tpu.memory_space<vmem>>, vector<16xf32>,
          %get3A_284 = arith.index_cast %add3A_257 : i32 to index
          %get3A_285 = arith.constant 48 : index
          %get3A_286 = tpu.vector_load %arg17[%get3A_284, %get3A_285] {strides = array<i32>} : memref<128x128xf32, #tpu.memory_space<vmem>>, vector<16xf32>,
          %mul3A_287 = arith.mulf %get3A_283, %get3A_286 : vector<16xf32>
          %add3A_288 = arith.addf %add3A_280, %mul3A_287 : vector<16xf32>
          %get3A_289 = arith.index_cast %add3A_257 : i32 to index
          %get3A_290 = arith.constant 64 : index
          %get3A_291 = tpu.vector_load %arg14[%get3A_289, %get3A_290] {strides = array<i32>} : memref<128x128xf32, #tpu.memory_space<vmem>>, vector<16xf32>,
          %get3A_292 = arith.index_cast %add3A_257 : i32 to index
          %get3A_293 = arith.constant 64 : index
          %get3A_294 = tpu.vector_load %arg17[%get3A_292, %get3A_293] {strides = array<i32>} : memref<128x128xf32, #tpu.memory_space<vmem>>, vector<16xf32>,
          %mul3A_295 = arith.mulf %get3A_291, %get3A_294 : vector<16xf32>
          %add3A_296 = arith.addf %add3A_288, %mul3A_295 : vector<16xf32>
          %get3A_297 = arith.index_cast %add3A_257 : i32 to index
          %get3A_298 = arith.constant 80 : index
          %get3A_299 = tpu.vector_load %arg14[%get3A_297, %get3A_298] {strides = array<i32>} : memref<128x128xf32, #tpu.memory_space<vmem>>, vector<16xf32>,
          %get3A_300 = arith.index_cast %add3A_257 : i32 to index
          %get3A_301 = arith.constant 80 : index
          %get3A_302 = tpu.vector_load %arg17[%get3A_300, %get3A_301] {strides = array<i32>} : memref<128x128xf32, #tpu.memory_space<vmem>>, vector<16xf32>,
          %mul3A_303 = arith.mulf %get3A_299, %get3A_302 : vector<16xf32>
          %add3A_304 = arith.addf %add3A_296, %mul3A_303 : vector<16xf32>
          %get3A_305 = arith.index_cast %add3A_257 : i32 to index
          %get3A_306 = arith.constant 96 : index
          %get3A_307 = tpu.vector_load %arg14[%get3A_305, %get3A_306] {strides = array<i32>} : memref<128x128xf32, #tpu.memory_space<vmem>>, vector<16xf32>,
          %get3A_308 = arith.index_cast %add3A_257 : i32 to index
          %get3A_309 = arith.constant 96 : index
          %get3A_310 = tpu.vector_load %arg17[%get3A_308, %get3A_309] {strides = array<i32>} : memref<128x128xf32, #tpu.memory_space<vmem>>, vector<16xf32>,
          %mul3A_311 = arith.mulf %get3A_307, %get3A_310 : vector<16xf32>
          %add3A_312 = arith.addf %add3A_304, %mul3A_311 : vector<16xf32>
          %get3A_313 = arith.index_cast %add3A_257 : i32 to index
          %get3A_314 = arith.constant 112 : index
          %get3A_315 = tpu.vector_load %arg14[%get3A_313, %get3A_314] {strides = array<i32>} : memref<128x128xf32, #tpu.memory_space<vmem>>, vector<16xf32>,
          %get3A_316 = arith.index_cast %add3A_257 : i32 to index
          %get3A_317 = arith.constant 112 : index
          %get3A_318 = tpu.vector_load %arg17[%get3A_316, %get3A_317] {strides = array<i32>} : memref<128x128xf32, #tpu.memory_space<vmem>>, vector<16xf32>,
          %mul3A_319 = arith.mulf %get3A_315, %get3A_318 : vector<16xf32>
          %add3A_320 = arith.addf %add3A_312, %mul3A_319 : vector<16xf32>
          %mul3A_321 = arith.constant 4 : i32
          %mul3A_322 = arith.muli %scan3A_169, %mul3A_321 : i32
          %add3A_323 = arith.constant 1 : i32
          %add3A_324 = arith.addi %mul3A_322, %add3A_323 : i32
          %eq3A_325 = vector.broadcast %add3A_324 : i32 to vector<16xi32>
          %eq3A_326 = arith.cmpi eq, %iota3A, %eq3A_325 : vector<16xi32>
          %reduce_sum3A_327 = arith.constant true
          %reduce_sum3A_328 = vector.broadcast %reduce_sum3A_327 : i1 to vector<16xi1>
          %reduce_sum3A_329 = tpu.scan <sum>, %add3A_320 masked %reduce_sum3A_328 : vector<16xf32>, vector<16xi1> -> vector<16xf32>
          %reduce_sum3A_330 = vector.extract %reduce_sum3A_329[15] : f32 from vector<16xf32>
          %broadcast_in_dim3A_331 = vector.broadcast %reduce_sum3A_330 : f32 to vector<16xf32>
          %select_n3A_332 = arith.select %eq3A_326, %broadcast_in_dim3A_331, %select_n3A_250 : vector<16xi1>, vector<16xf32>
          %mul3A_333 = arith.constant 16 : i32
          %mul3A_334 = arith.muli %scan3A_158, %mul3A_333 : i32
          %mul3A_335 = arith.constant 4 : i32
          %mul3A_336 = arith.muli %scan3A_169, %mul3A_335 : i32
          %add3A_337 = arith.addi %mul3A_334, %mul3A_336 : i32
          %add3A_338 = arith.constant 2 : i32
          %add3A_339 = arith.addi %add3A_337, %add3A_338 : i32
          %get3A_340 = arith.index_cast %add3A_339 : i32 to index
          %get3A_341 = arith.constant 0 : index
          %get3A_342 = tpu.vector_load %arg14[%get3A_340, %get3A_341] {strides = array<i32>} : memref<128x128xf32, #tpu.memory_space<vmem>>, vector<16xf32>,
          %get3A_343 = arith.index_cast %add3A_339 : i32 to index
          %get3A_344 = arith.constant 0 : index
          %get3A_345 = tpu.vector_load %arg17[%get3A_343, %get3A_344] {strides = array<i32>} : memref<128x128xf32, #tpu.memory_space<vmem>>, vector<16xf32>,
          %mul3A_346 = arith.mulf %get3A_342, %get3A_345 : vector<16xf32>
          %get3A_347 = arith.index_cast %add3A_339 : i32 to index
          %get3A_348 = arith.constant 16 : index
          %get3A_349 = tpu.vector_load %arg14[%get3A_347, %get3A_348] {strides = array<i32>} : memref<128x128xf32, #tpu.memory_space<vmem>>, vector<16xf32>,
          %get3A_350 = arith.index_cast %add3A_339 : i32 to index
          %get3A_351 = arith.constant 16 : index
          %get3A_352 = tpu.vector_load %arg17[%get3A_350, %get3A_351] {strides = array<i32>} : memref<128x128xf32, #tpu.memory_space<vmem>>, vector<16xf32>,
          %mul3A_353 = arith.mulf %get3A_349, %get3A_352 : vector<16xf32>
          %add3A_354 = arith.addf %mul3A_346, %mul3A_353 : vector<16xf32>
          %get3A_355 = arith.index_cast %add3A_339 : i32 to index
          %get3A_356 = arith.constant 32 : index
          %get3A_357 = tpu.vector_load %arg14[%get3A_355, %get3A_356] {strides = array<i32>} : memref<128x128xf32, #tpu.memory_space<vmem>>, vector<16xf32>,
          %get3A_358 = arith.index_cast %add3A_339 : i32 to index
          %get3A_359 = arith.constant 32 : index
          %get3A_360 = tpu.vector_load %arg17[%get3A_358, %get3A_359] {strides = array<i32>} : memref<128x128xf32, #tpu.memory_space<vmem>>, vector<16xf32>,
          %mul3A_361 = arith.mulf %get3A_357, %get3A_360 : vector<16xf32>
          %add3A_362 = arith.addf %add3A_354, %mul3A_361 : vector<16xf32>
          %get3A_363 = arith.index_cast %add3A_339 : i32 to index
          %get3A_364 = arith.constant 48 : index
          %get3A_365 = tpu.vector_load %arg14[%get3A_363, %get3A_364] {strides = array<i32>} : memref<128x128xf32, #tpu.memory_space<vmem>>, vector<16xf32>,
          %get3A_366 = arith.index_cast %add3A_339 : i32 to index
          %get3A_367 = arith.constant 48 : index
          %get3A_368 = tpu.vector_load %arg17[%get3A_366, %get3A_367] {strides = array<i32>} : memref<128x128xf32, #tpu.memory_space<vmem>>, vector<16xf32>,
          %mul3A_369 = arith.mulf %get3A_365, %get3A_368 : vector<16xf32>
          %add3A_370 = arith.addf %add3A_362, %mul3A_369 : vector<16xf32>
          %get3A_371 = arith.index_cast %add3A_339 : i32 to index
          %get3A_372 = arith.constant 64 : index
          %get3A_373 = tpu.vector_load %arg14[%get3A_371, %get3A_372] {strides = array<i32>} : memref<128x128xf32, #tpu.memory_space<vmem>>, vector<16xf32>,
          %get3A_374 = arith.index_cast %add3A_339 : i32 to index
          %get3A_375 = arith.constant 64 : index
          %get3A_376 = tpu.vector_load %arg17[%get3A_374, %get3A_375] {strides = array<i32>} : memref<128x128xf32, #tpu.memory_space<vmem>>, vector<16xf32>,
          %mul3A_377 = arith.mulf %get3A_373, %get3A_376 : vector<16xf32>
          %add3A_378 = arith.addf %add3A_370, %mul3A_377 : vector<16xf32>
          %get3A_379 = arith.index_cast %add3A_339 : i32 to index
          %get3A_380 = arith.constant 80 : index
          %get3A_381 = tpu.vector_load %arg14[%get3A_379, %get3A_380] {strides = array<i32>} : memref<128x128xf32, #tpu.memory_space<vmem>>, vector<16xf32>,
          %get3A_382 = arith.index_cast %add3A_339 : i32 to index
          %get3A_383 = arith.constant 80 : index
          %get3A_384 = tpu.vector_load %arg17[%get3A_382, %get3A_383] {strides = array<i32>} : memref<128x128xf32, #tpu.memory_space<vmem>>, vector<16xf32>,
          %mul3A_385 = arith.mulf %get3A_381, %get3A_384 : vector<16xf32>
          %add3A_386 = arith.addf %add3A_378, %mul3A_385 : vector<16xf32>
          %get3A_387 = arith.index_cast %add3A_339 : i32 to index
          %get3A_388 = arith.constant 96 : index
          %get3A_389 = tpu.vector_load %arg14[%get3A_387, %get3A_388] {strides = array<i32>} : memref<128x128xf32, #tpu.memory_space<vmem>>, vector<16xf32>,
          %get3A_390 = arith.index_cast %add3A_339 : i32 to index
          %get3A_391 = arith.constant 96 : index
          %get3A_392 = tpu.vector_load %arg17[%get3A_390, %get3A_391] {strides = array<i32>} : memref<128x128xf32, #tpu.memory_space<vmem>>, vector<16xf32>,
          %mul3A_393 = arith.mulf %get3A_389, %get3A_392 : vector<16xf32>
          %add3A_394 = arith.addf %add3A_386, %mul3A_393 : vector<16xf32>
          %get3A_395 = arith.index_cast %add3A_339 : i32 to index
          %get3A_396 = arith.constant 112 : index
          %get3A_397 = tpu.vector_load %arg14[%get3A_395, %get3A_396] {strides = array<i32>} : memref<128x128xf32, #tpu.memory_space<vmem>>, vector<16xf32>,
          %get3A_398 = arith.index_cast %add3A_339 : i32 to index
          %get3A_399 = arith.constant 112 : index
          %get3A_400 = tpu.vector_load %arg17[%get3A_398, %get3A_399] {strides = array<i32>} : memref<128x128xf32, #tpu.memory_space<vmem>>, vector<16xf32>,
          %mul3A_401 = arith.mulf %get3A_397, %get3A_400 : vector<16xf32>
          %add3A_402 = arith.addf %add3A_394, %mul3A_401 : vector<16xf32>
          %mul3A_403 = arith.constant 4 : i32
          %mul3A_404 = arith.muli %scan3A_169, %mul3A_403 : i32
          %add3A_405 = arith.constant 2 : i32
          %add3A_406 = arith.addi %mul3A_404, %add3A_405 : i32
          %eq3A_407 = vector.broadcast %add3A_406 : i32 to vector<16xi32>
          %eq3A_408 = arith.cmpi eq, %iota3A, %eq3A_407 : vector<16xi32>
          %reduce_sum3A_409 = arith.constant true
          %reduce_sum3A_410 = vector.broadcast %reduce_sum3A_409 : i1 to vector<16xi1>
          %reduce_sum3A_411 = tpu.scan <sum>, %add3A_402 masked %reduce_sum3A_410 : vector<16xf32>, vector<16xi1> -> vector<16xf32>
          %reduce_sum3A_412 = vector.extract %reduce_sum3A_411[15] : f32 from vector<16xf32>
          %broadcast_in_dim3A_413 = vector.broadcast %reduce_sum3A_412 : f32 to vector<16xf32>
          %select_n3A_414 = arith.select %eq3A_408, %broadcast_in_dim3A_413, %select_n3A_332 : vector<16xi1>, vector<16xf32>
          %mul3A_415 = arith.constant 16 : i32
          %mul3A_416 = arith.muli %scan3A_158, %mul3A_415 : i32
          %mul3A_417 = arith.constant 4 : i32
          %mul3A_418 = arith.muli %scan3A_169, %mul3A_417 : i32
          %add3A_419 = arith.addi %mul3A_416, %mul3A_418 : i32
          %add3A_420 = arith.constant 3 : i32
          %add3A_421 = arith.addi %add3A_419, %add3A_420 : i32
          %get3A_422 = arith.index_cast %add3A_421 : i32 to index
          %get3A_423 = arith.constant 0 : index
          %get3A_424 = tpu.vector_load %arg14[%get3A_422, %get3A_423] {strides = array<i32>} : memref<128x128xf32, #tpu.memory_space<vmem>>, vector<16xf32>,
          %get3A_425 = arith.index_cast %add3A_421 : i32 to index
          %get3A_426 = arith.constant 0 : index
          %get3A_427 = tpu.vector_load %arg17[%get3A_425, %get3A_426] {strides = array<i32>} : memref<128x128xf32, #tpu.memory_space<vmem>>, vector<16xf32>,
          %mul3A_428 = arith.mulf %get3A_424, %get3A_427 : vector<16xf32>
          %get3A_429 = arith.index_cast %add3A_421 : i32 to index
          %get3A_430 = arith.constant 16 : index
          %get3A_431 = tpu.vector_load %arg14[%get3A_429, %get3A_430] {strides = array<i32>} : memref<128x128xf32, #tpu.memory_space<vmem>>, vector<16xf32>,
          %get3A_432 = arith.index_cast %add3A_421 : i32 to index
          %get3A_433 = arith.constant 16 : index
          %get3A_434 = tpu.vector_load %arg17[%get3A_432, %get3A_433] {strides = array<i32>} : memref<128x128xf32, #tpu.memory_space<vmem>>, vector<16xf32>,
          %mul3A_435 = arith.mulf %get3A_431, %get3A_434 : vector<16xf32>
          %add3A_436 = arith.addf %mul3A_428, %mul3A_435 : vector<16xf32>
          %get3A_437 = arith.index_cast %add3A_421 : i32 to index
          %get3A_438 = arith.constant 32 : index
          %get3A_439 = tpu.vector_load %arg14[%get3A_437, %get3A_438] {strides = array<i32>} : memref<128x128xf32, #tpu.memory_space<vmem>>, vector<16xf32>,
          %get3A_440 = arith.index_cast %add3A_421 : i32 to index
          %get3A_441 = arith.constant 32 : index
          %get3A_442 = tpu.vector_load %arg17[%get3A_440, %get3A_441] {strides = array<i32>} : memref<128x128xf32, #tpu.memory_space<vmem>>, vector<16xf32>,
          %mul3A_443 = arith.mulf %get3A_439, %get3A_442 : vector<16xf32>
          %add3A_444 = arith.addf %add3A_436, %mul3A_443 : vector<16xf32>
          %get3A_445 = arith.index_cast %add3A_421 : i32 to index
          %get3A_446 = arith.constant 48 : index
          %get3A_447 = tpu.vector_load %arg14[%get3A_445, %get3A_446] {strides = array<i32>} : memref<128x128xf32, #tpu.memory_space<vmem>>, vector<16xf32>,
          %get3A_448 = arith.index_cast %add3A_421 : i32 to index
          %get3A_449 = arith.constant 48 : index
          %get3A_450 = tpu.vector_load %arg17[%get3A_448, %get3A_449] {strides = array<i32>} : memref<128x128xf32, #tpu.memory_space<vmem>>, vector<16xf32>,
          %mul3A_451 = arith.mulf %get3A_447, %get3A_450 : vector<16xf32>
          %add3A_452 = arith.addf %add3A_444, %mul3A_451 : vector<16xf32>
          %get3A_453 = arith.index_cast %add3A_421 : i32 to index
          %get3A_454 = arith.constant 64 : index
          %get3A_455 = tpu.vector_load %arg14[%get3A_453, %get3A_454] {strides = array<i32>} : memref<128x128xf32, #tpu.memory_space<vmem>>, vector<16xf32>,
          %get3A_456 = arith.index_cast %add3A_421 : i32 to index
          %get3A_457 = arith.constant 64 : index
          %get3A_458 = tpu.vector_load %arg17[%get3A_456, %get3A_457] {strides = array<i32>} : memref<128x128xf32, #tpu.memory_space<vmem>>, vector<16xf32>,
          %mul3A_459 = arith.mulf %get3A_455, %get3A_458 : vector<16xf32>
          %add3A_460 = arith.addf %add3A_452, %mul3A_459 : vector<16xf32>
          %get3A_461 = arith.index_cast %add3A_421 : i32 to index
          %get3A_462 = arith.constant 80 : index
          %get3A_463 = tpu.vector_load %arg14[%get3A_461, %get3A_462] {strides = array<i32>} : memref<128x128xf32, #tpu.memory_space<vmem>>, vector<16xf32>,
          %get3A_464 = arith.index_cast %add3A_421 : i32 to index
          %get3A_465 = arith.constant 80 : index
          %get3A_466 = tpu.vector_load %arg17[%get3A_464, %get3A_465] {strides = array<i32>} : memref<128x128xf32, #tpu.memory_space<vmem>>, vector<16xf32>,
          %mul3A_467 = arith.mulf %get3A_463, %get3A_466 : vector<16xf32>
          %add3A_468 = arith.addf %add3A_460, %mul3A_467 : vector<16xf32>
          %get3A_469 = arith.index_cast %add3A_421 : i32 to index
          %get3A_470 = arith.constant 96 : index
          %get3A_471 = tpu.vector_load %arg14[%get3A_469, %get3A_470] {strides = array<i32>} : memref<128x128xf32, #tpu.memory_space<vmem>>, vector<16xf32>,
          %get3A_472 = arith.index_cast %add3A_421 : i32 to index
          %get3A_473 = arith.constant 96 : index
          %get3A_474 = tpu.vector_load %arg17[%get3A_472, %get3A_473] {strides = array<i32>} : memref<128x128xf32, #tpu.memory_space<vmem>>, vector<16xf32>,
          %mul3A_475 = arith.mulf %get3A_471, %get3A_474 : vector<16xf32>
          %add3A_476 = arith.addf %add3A_468, %mul3A_475 : vector<16xf32>
          %get3A_477 = arith.index_cast %add3A_421 : i32 to index
          %get3A_478 = arith.constant 112 : index
          %get3A_479 = tpu.vector_load %arg14[%get3A_477, %get3A_478] {strides = array<i32>} : memref<128x128xf32, #tpu.memory_space<vmem>>, vector<16xf32>,
          %get3A_480 = arith.index_cast %add3A_421 : i32 to index
          %get3A_481 = arith.constant 112 : index
          %get3A_482 = tpu.vector_load %arg17[%get3A_480, %get3A_481] {strides = array<i32>} : memref<128x128xf32, #tpu.memory_space<vmem>>, vector<16xf32>,
          %mul3A_483 = arith.mulf %get3A_479, %get3A_482 : vector<16xf32>
          %add3A_484 = arith.addf %add3A_476, %mul3A_483 : vector<16xf32>
          %mul3A_485 = arith.constant 4 : i32
          %mul3A_486 = arith.muli %scan3A_169, %mul3A_485 : i32
          %add3A_487 = arith.constant 3 : i32
          %add3A_488 = arith.addi %mul3A_486, %add3A_487 : i32
          %eq3A_489 = vector.broadcast %add3A_488 : i32 to vector<16xi32>
          %eq3A_490 = arith.cmpi eq, %iota3A, %eq3A_489 : vector<16xi32>
          %reduce_sum3A_491 = arith.constant true
          %reduce_sum3A_492 = vector.broadcast %reduce_sum3A_491 : i1 to vector<16xi1>
          %reduce_sum3A_493 = tpu.scan <sum>, %add3A_484 masked %reduce_sum3A_492 : vector<16xf32>, vector<16xi1> -> vector<16xf32>
          %reduce_sum3A_494 = vector.extract %reduce_sum3A_493[15] : f32 from vector<16xf32>
          %broadcast_in_dim3A_495 = vector.broadcast %reduce_sum3A_494 : f32 to vector<16xf32>
          %select_n3A_496 = arith.select %eq3A_490, %broadcast_in_dim3A_495, %select_n3A_414 : vector<16xi1>, vector<16xf32>
          scf.yield %select_n3A_496 : vector<16xf32>
        }
        %scan3A_165 = arith.constant 4 : i32
        %mul3A_166 = arith.constant 16 : i32
        %mul3A_167 = arith.muli %scan3A_158, %mul3A_166 : i32
        %swap3A = arith.index_cast %mul3A_167 : i32 to index
        %swap3A_168 = tpu.vector_load %arg20[%swap3A] {strides = array<i32>} : memref<128xf32, #tpu.memory_space<vmem>>, vector<16xf32>,
        tpu.vector_store %arg20[%swap3A], %scan3A_164 {strides = array<i32>} : memref<128xf32, #tpu.memory_space<vmem>>, vector<16xf32>,
      }
      %scan3A_146 = arith.constant 8 : i32
      %mul3A_147 = arith.constant 128 : i32
      %mul3A_148 = arith.muli %add3A_129, %mul3A_147 : i32
      %add3A_149 = arith.addi %mul3A_10, %mul3A_148 : i32
      %dma_start3A_150 = tpu.memref_slice %arg5[%add3A_149] : memref<602112xf32, #tpu.memory_space<hbm>> -> memref<128xf32, #tpu.memory_space<hbm>>
      %dma_start3A_151 = tpu.memref_slice %arg5[%add3A_149] : memref<602112xf32, #tpu.memory_space<hbm>> -> memref<128xf32, #tpu.memory_space<hbm>>
      tpu.enqueue_dma source(%arg20 : memref<128xf32, #tpu.memory_space<vmem>>) target(%dma_start3A_151 : memref<128xf32, #tpu.memory_space<hbm>>) target_semaphore(%arg29 : memref<!tpu.dma_semaphore, #tpu.memory_space<semaphore_mem>>)
      %add3A_152 = arith.constant 3 : i32
      %add3A_153 = arith.addi %add3A_129, %add3A_152 : i32
      %lt3A_154 = arith.cmpi slt, %add3A_153, %select_n3A : i32
      %convert_element_type3A_155 = arith.extui %lt3A_154 : i1 to i32
      %cond3A_156 = arith.constant 0 : i32
      %cond3A_157 = arith.cmpi ne, %convert_element_type3A_155, %cond3A_156 : i32
      scf.if %cond3A_157 {
        %mul3A_158 = arith.constant 128 : i32
        %mul3A_159 = arith.muli %add3A_153, %mul3A_158 : i32
        %add3A_160 = arith.addi %mul3A_10, %mul3A_159 : i32
        "tpu.region"() ({
          %run_scoped3A = tpu.sem_alloc : memref<!tpu.dma_semaphore, #tpu.memory_space<semaphore_mem>>
          %dma_start3A_167 = tpu.memref_slice %arg3[%add3A_160] : memref<602112xi32, #tpu.memory_space<hbm>> -> memref<128xi32, #tpu.memory_space<hbm>>
          %dma_start3A_168 = tpu.memref_slice %arg3[%add3A_160] : memref<602112xi32, #tpu.memory_space<hbm>> -> memref<128xi32, #tpu.memory_space<hbm>>
          tpu.enqueue_dma source(%dma_start3A_168 : memref<128xi32, #tpu.memory_space<hbm>>) target(%arg8 : memref<128xi32, #tpu.memory_space<vmem>>) target_semaphore(%run_scoped3A : memref<!tpu.dma_semaphore, #tpu.memory_space<semaphore_mem>>)
          %dma_wait3A_169 = tpu.memref_slice %arg3[%add3A_160] : memref<602112xi32, #tpu.memory_space<hbm>> -> memref<128xi32, #tpu.memory_space<hbm>>
          %dma_wait3A_170 = tpu.memref_slice %arg3[%add3A_160] : memref<602112xi32, #tpu.memory_space<hbm>> -> memref<128xi32, #tpu.memory_space<hbm>>
          tpu.wait_dma2 semaphore(%run_scoped3A : memref<!tpu.dma_semaphore, #tpu.memory_space<semaphore_mem>>) src(%dma_wait3A_170 : memref<128xi32, #tpu.memory_space<hbm>>) dst(%arg8 : memref<128xi32, #tpu.memory_space<vmem>>)
          tpu.yield
        }) : () -> ()
        "tpu.region"() ({
          %run_scoped3A = tpu.sem_alloc : memref<!tpu.dma_semaphore, #tpu.memory_space<semaphore_mem>>
          %dma_start3A_167 = tpu.memref_slice %arg4[%add3A_160] : memref<602112xi32, #tpu.memory_space<hbm>> -> memref<128xi32, #tpu.memory_space<hbm>>
          %dma_start3A_168 = tpu.memref_slice %arg4[%add3A_160] : memref<602112xi32, #tpu.memory_space<hbm>> -> memref<128xi32, #tpu.memory_space<hbm>>
          tpu.enqueue_dma source(%dma_start3A_168 : memref<128xi32, #tpu.memory_space<hbm>>) target(%arg11 : memref<128xi32, #tpu.memory_space<vmem>>) target_semaphore(%run_scoped3A : memref<!tpu.dma_semaphore, #tpu.memory_space<semaphore_mem>>)
          %dma_wait3A_169 = tpu.memref_slice %arg4[%add3A_160] : memref<602112xi32, #tpu.memory_space<hbm>> -> memref<128xi32, #tpu.memory_space<hbm>>
          %dma_wait3A_170 = tpu.memref_slice %arg4[%add3A_160] : memref<602112xi32, #tpu.memory_space<hbm>> -> memref<128xi32, #tpu.memory_space<hbm>>
          tpu.wait_dma2 semaphore(%run_scoped3A : memref<!tpu.dma_semaphore, #tpu.memory_space<semaphore_mem>>) src(%dma_wait3A_170 : memref<128xi32, #tpu.memory_space<hbm>>) dst(%arg11 : memref<128xi32, #tpu.memory_space<vmem>>)
          tpu.yield
        }) : () -> ()
        %dma_start3A_161 = arith.constant 0 : i32
        %dma_start3A_162 = arith.constant 0 : i32
        %dma_start3A_163 = tpu.memref_slice %arg2[%dma_start3A_161, %dma_start3A_162] : memref<100000x128xf32, #tpu.memory_space<hbm>> -> memref<100000x128xf32, #tpu.memory_space<hbm>>
        tpu.enqueue_indirect_dma source(%dma_start3A_163 : memref<100000x128xf32, #tpu.memory_space<hbm>>) target(%arg14 : memref<128x128xf32, #tpu.memory_space<vmem>>) offsets(%arg8 : memref<128xi32, #tpu.memory_space<vmem>>) semaphore(%arg23 : memref<!tpu.dma_semaphore, #tpu.memory_space<semaphore_mem>>)
        %dma_start3A_164 = arith.constant 0 : i32
        %dma_start3A_165 = arith.constant 0 : i32
        %dma_start3A_166 = tpu.memref_slice %arg2[%dma_start3A_164, %dma_start3A_165] : memref<100000x128xf32, #tpu.memory_space<hbm>> -> memref<100000x128xf32, #tpu.memory_space<hbm>>
        tpu.enqueue_indirect_dma source(%dma_start3A_166 : memref<100000x128xf32, #tpu.memory_space<hbm>>) target(%arg17 : memref<128x128xf32, #tpu.memory_space<vmem>>) offsets(%arg11 : memref<128xi32, #tpu.memory_space<vmem>>) semaphore(%arg26 : memref<!tpu.dma_semaphore, #tpu.memory_space<semaphore_mem>>)
      } else {
      }
    }
    %dma_wait3A = tpu.memref_slice %arg5[%mul3A_10] : memref<602112xf32, #tpu.memory_space<hbm>> -> memref<128xf32, #tpu.memory_space<hbm>>
    %dma_wait3A_61 = tpu.memref_slice %arg5[%mul3A_10] : memref<602112xf32, #tpu.memory_space<hbm>> -> memref<128xf32, #tpu.memory_space<hbm>>
    tpu.wait_dma2 semaphore(%arg27 : memref<!tpu.dma_semaphore, #tpu.memory_space<semaphore_mem>>) src(%arg18 : memref<128xf32, #tpu.memory_space<vmem>>) dst(%dma_wait3A_61 : memref<128xf32, #tpu.memory_space<hbm>>)
    %dma_wait3A_62 = tpu.memref_slice %arg5[%mul3A_10] : memref<602112xf32, #tpu.memory_space<hbm>> -> memref<128xf32, #tpu.memory_space<hbm>>
    %dma_wait3A_63 = tpu.memref_slice %arg5[%mul3A_10] : memref<602112xf32, #tpu.memory_space<hbm>> -> memref<128xf32, #tpu.memory_space<hbm>>
    tpu.wait_dma2 semaphore(%arg28 : memref<!tpu.dma_semaphore, #tpu.memory_space<semaphore_mem>>) src(%arg19 : memref<128xf32, #tpu.memory_space<vmem>>) dst(%dma_wait3A_63 : memref<128xf32, #tpu.memory_space<hbm>>)
    %dma_wait3A_64 = tpu.memref_slice %arg5[%mul3A_10] : memref<602112xf32, #tpu.memory_space<hbm>> -> memref<128xf32, #tpu.memory_space<hbm>>
    %dma_wait3A_65 = tpu.memref_slice %arg5[%mul3A_10] : memref<602112xf32, #tpu.memory_space<hbm>> -> memref<128xf32, #tpu.memory_space<hbm>>
    tpu.wait_dma2 semaphore(%arg29 : memref<!tpu.dma_semaphore, #tpu.memory_space<semaphore_mem>>) src(%arg20 : memref<128xf32, #tpu.memory_space<vmem>>) dst(%dma_wait3A_65 : memref<128xf32, #tpu.memory_space<hbm>>)
    return
  }
}

</mosaic_0001>

<sc_bundles>
// kernel: kernel.3.cloned.1.call-start
scs
__scs_entry_jumppad:
0x0: {  	(pc) =	sbr.rel $0x88, $3  }
0x1: {  	(tag) =	ssettag $0x0;
	lr =	simm.s32 $0x1  }
0x2: {  	[smem:$0x3F9E] =	sst lr;
	_ =	strace $0xD0000000  }
0x3: {  	_ = 	snop  }
0x4: {  	_ = 	snop  }
0x5: {  	_ = 	snop  }
0x6: {  	_ = 	snop  }
0x7: {  	_ = 	snop  }
__scs_overlays_trampoline_lowered:
0x8: {  	[smem:$0x3FAD] =	sst s0  }
0x9: {  	[smem:$0x3FAE] =	sst s1  }
0xa: {  	[smem:$0x3FAF] =	sst s2  }
0xb: {  	[smem:$0x3FB0] =	sst s3  }
0xc: {  	[smem:$0x3FB1] =	sst s4  }
0xd: {  	[smem:$0x3FB2] =	sst s5  }
0xe: {  	[smem:$0x3FB3] =	sst s6  }
0xf: {  	[smem:$0x3FB4] =	sst s7  }
0x10: {  	[smem:$0x3FB5] =	sst s8  }
0x11: {  	[smem:$0x3FB6] =	sst s9;
	s0 =	simm.s32 @!p0 $0x0  }
0x12: {  	s1 =	sld [smem:$0x3F9C];
	s0 =	simm.s32 @p0 $0x1  }
0x13: {  	[smem:$0x3FB7] =	sst s0;
	s0 =	simm.s32 @!p1 $0x0  }
0x14: {  	s2 =	sld [smem:$0x3F9B];
	s0 =	simm.s32 @p1 $0x1  }
0x15: {  	[smem:$0x3FB8] =	sst s0;
	s0 =	simm.s32 @!p2 $0x0  }
0x16: {  	s3 =	sld [smem:$0x3FDB];
	s0 =	simm.s32 @p2 $0x1  }
0x17: {  	s4 =	simm.s32 $0x1BF5;
	[smem:$0x3FBA] =	sst s0  }
0x18: {  	s0 =	sld [smem:$0x3F9D];
	_ =	swait.ge [sflag:s4], $0x0  }
0x19: {  	s7 =	sld [smem:$0x3F9E]  }
0x1a: {  	s8 =	sadd.s32 $0xFFFFE003, lr  }
0x1b: {  	s9 =	sadd.s32 $0xFFFFFEF7, lr;
	s5 =	simm.s32 $0xFFFFFFFF;
	p2 =	slt.u32 s8, $0xFFFFF086  }
0x1c: {  	p1 =	slt.u32 s9, $0xF7A;
	s5 =	simm.s32 @!p2 $0x0  }
0x1d: {  	s5 =	simm.s32 @p1 $0x1;
	p0 =	seq.s32 s7, s2  }
0x1e: {  	s7 =	smul.u32 @!p0 $0xF7A, s2;
	p2 =	seq.s32 @!p0 s5, $0x0  }
0x1f: {  	s9 =	smul.u32 $0xF7A, s1;
	s8 =	simm.s32 @!p0 $0x1BF5;
	p2 =	por !p2, p0  }
0x20: {  	[sflag:s8] =	ssyncset.s32 @!p0 $0xFFFFF086;
	s6 =	sadd.s32 @!p0 s3, s7;
	s7 =	simm.s32 @!p0 $0x108  }
0x21: {  	s3 =	sadd.s32 s3, s9;
	s6 =	sadd.s32 @!p0 $0x88, s6;
	s7 =	simm.s32 @p2 $0x1082  }
0x22: {  	[simem:s7], [sflag:s8] =	dma.local @!p0 [hbm:s6], $0xF7A  }
0x23: {  	s9 =	sor.u32 $0xD0000000, s2;
	s6 =	simm.s32 $0x108;
	_ =	swait.ge @!p0 [sflag:s8], $0x0  }
0x24: {  	s3 =	sadd.s32 $0x88, s3;
	s6 =	simm.s32 @!p1 $0x1082;
	[sflag:s4] =	ssyncset.s32 $0xFFFFF086  }
0x25: {  	[simem:s6], [sflag:s4] =	dma.local [hbm:s3], $0xF7A  }
0x26: {  	[smem:$0x3F9E] =	sst s1;
	(tag) =	ssettag s2;
	_ =	strace s9  }
0x27: {  	s1 =	sld [smem:$0x3FAE]  }
0x28: {  	s2 =	sld [smem:$0x3FAF]  }
0x29: {  	s4 =	sld [smem:$0x3FB1]  }
0x2a: {  	p0 =	seq.s32 s5, $0x0;
	s5 =	sld [smem:$0x3FB2]  }
0x2b: {  	s6 =	sld [smem:$0x3FB3]  }
0x2c: {  	s7 =	sld [smem:$0x3FB4]  }
0x2d: {  	s3 =	simm.s32 $0x108;
	s8 =	sld [smem:$0x3FB5]  }
0x2e: {  	s3 =	simm.s32 @!p0 $0x1082;
	s9 =	sld [smem:$0x3FB6]  }
0x2f: {  	lr =	sadd.s32 s0, s3;
	s0 =	sld [smem:$0x3FAD]  }
0x30: {  	s3 =	sld [smem:$0x3FB0]  }
0x31: {  	[smem:$0x3FB9] =	sst s10  }
0x32: {  	s10 =	sld [smem:$0x3FB7];
	_ =	sdelay $0x3  }
0x33: {  	p0 =	seq.s32 s10, $0x1;
	s10 =	sld [smem:$0x3FB9];
	_ =	sdelay $0x3  }
0x34: {  	[smem:$0x3FB9] =	sst s10  }
0x35: {  	s10 =	sld [smem:$0x3FB8];
	_ =	sdelay $0x3  }
0x36: {  	p1 =	seq.s32 s10, $0x1;
	s10 =	sld [smem:$0x3FB9];
	_ =	sdelay $0x3  }
0x37: {  	[smem:$0x3FB9] =	sst s10  }
0x38: {  	s10 =	sld [smem:$0x3FBA]  }
0x39: {  	_ = 	snop;
	(pc) =	sbr.ind lr, $3  }
0x3a: {  	_ = 	snop  }
0x3b: {  	_ = 	snop  }
0x3c: {  	p2 =	seq.s32 s10, $0x1;
	s10 =	sld [smem:$0x3FB9]  }
0x3d: {  	_ =	shalt  }
0x3e: {  	_ =	shalt  }
0x3f: {  	_ =	shalt  }
0x40: {  	_ =	shalt  }
0x41: {  	_ =	shalt  }
0x42: {  	_ =	shalt  }
0x43: {  	_ =	shalt  }
0x44: {  	_ =	shalt  }
0x45: {  	_ =	shalt  }
0x46: {  	_ =	shalt  }
0x47: {  	_ =	shalt  }
0x48: {  	_ =	shalt  }
0x49: {  	_ =	shalt  }
0x4a: {  	_ =	shalt  }
0x4b: {  	_ =	shalt  }
0x4c: {  	_ =	shalt  }
0x4d: {  	_ =	shalt  }
0x4e: {  	_ =	shalt  }
0x4f: {  	_ =	shalt  }
0x50: {  	_ =	shalt  }
0x51: {  	_ =	shalt  }
0x52: {  	_ =	shalt  }
0x53: {  	_ =	shalt  }
0x54: {  	_ =	shalt  }
0x55: {  	_ =	shalt  }
0x56: {  	_ =	shalt  }
0x57: {  	_ =	shalt  }
0x58: {  	_ =	shalt  }
0x59: {  	_ =	shalt  }
0x5a: {  	_ =	shalt  }
0x5b: {  	_ =	shalt  }
0x5c: {  	_ =	shalt  }
0x5d: {  	_ =	shalt  }
0x5e: {  	_ =	shalt  }
0x5f: {  	_ =	shalt  }
0x60: {  	_ =	shalt  }
0x61: {  	_ =	shalt  }
0x62: {  	_ =	shalt  }
0x63: {  	_ =	shalt  }
0x64: {  	_ =	shalt  }
0x65: {  	_ =	shalt  }
0x66: {  	_ =	shalt  }
0x67: {  	_ =	shalt  }
0x68: {  	_ =	shalt  }
0x69: {  	_ =	shalt  }
0x6a: {  	_ =	shalt  }
0x6b: {  	_ =	shalt  }
0x6c: {  	_ =	shalt  }
0x6d: {  	_ =	shalt  }
0x6e: {  	_ =	shalt  }
0x6f: {  	_ =	shalt  }
0x70: {  	_ =	shalt  }
0x71: {  	_ =	shalt  }
0x72: {  	_ =	shalt  }
0x73: {  	_ =	shalt  }
0x74: {  	_ =	shalt  }
0x75: {  	_ =	shalt  }
0x76: {  	_ =	shalt  }
0x77: {  	_ =	shalt  }
0x78: {  	_ =	shalt  }
0x79: {  	_ =	shalt  }
0x7a: {  	_ =	shalt  }
0x7b: {  	_ =	shalt  }
0x7c: {  	_ =	shalt  }
0x7d: {  	_ =	shalt  }
0x7e: {  	_ =	shalt  }
0x7f: {  	_ =	shalt  }
0x80: {  	_ =	shalt  }
0x81: {  	_ =	shalt  }
0x82: {  	_ =	shalt  }
0x83: {  	_ =	shalt  }
0x84: {  	_ =	shalt  }
0x85: {  	_ =	shalt  }
0x86: {  	_ =	shalt  }
0x87: {  	_ =	shalt  }
.Lfunc_end0:
.L_simem_size_0:
called_computation_lowered:
.L_overlay_start_0:
0x88: {  	s2 =	sld [smem:$0x3FD9]  }
0x89: {  	s3 =	sld [smem:$0x3FFE];
	_ =	sdelay $0x1  }
0x8a: {  	s1 =	srdreg.scid  }
0x8b: {  	s0 =	sand.u32 $0x1, s1  }
0x8c: {  	s17 =	sshll.u32 s0, $0xA;
	s2 =	sadd.s32 s3, s2  }
0x8d: {  	s2 =	sadd.s32 s2, s17  }
0x8e: {  	[smem:$0x3FC5] =	sst s2  }
0x8f: {  	_ = 	snop  }
0x90: {  	s2 =	sld [smem:$0x3FC9];
	(tm) =	ssettm $0x1  }
0x91: {  	s18 =	sld [smem:$0x3FFB];
	_ =	sdelay $0x3  }
0x92: {  	_ =	strace s18  }
0x93: {  	s3 =	sld [smem:$0x3FFC];
	_ =	sdelay $0x3  }
0x94: {  	_ =	strace s3  }
0x95: {  	s3 =	sld [smem:$0x3FFD];
	_ =	sdelay $0x3  }
0x96: {  	_ =	strace s3  }
0x97: {  	_ =	strace $0x8FFFFFFF  }
0x98: {  	s19 =	sld [smem:$0x3FDB];
	_ =	sdelay $0x1  }
0x99: {  	s4 =	simm.s32 $_scs_section_size  }
0x9a: {  	s5 =	simm.s32 $_size__tile_overlayer_lowered;
	s6 =	simm.s32 $_tile_overlayer_lowered  }
0x9b: {  	s22 =	simm.s32 $0x1BFF;
	s21 =	sshll.u32 s6, $0x1;
	s3 =	sadd.s32 s4, s19  }
0x9c: {  	s7 =	simm.s32 $0x0;
	s20 =	sshll.u32 s5, $0x1;
	s5 =	sadd.s32 s21, s3  }
0x9d: {  	[timem:s7], [sflag:s22] =	dma.local [hbm:s5], s20  }
0x9e: {  	_ =	swait.ge [sflag:s22], s20  }
0x9f: {  	s4 =	ssub.s32 $0x0, s20;
	[sflag:s22] =	ssyncset.done $0x0  }
0xa0: {  	[sflag:s22] =	ssyncadd.s32 s4;
	_ =	sdelay $0x1  }
0xa1: {  	s23 =	simm.s32 $0x1B8B  }
0xa2: {  	_ =	swait.ge [sflag:s23], $0x1  }
0xa3: {  	[sflag:s23] =	ssyncset.done $0x0  }
0xa4: {  	s25 =	simm.s32 $0x1B8E;
	s24 =	sld [smem:$0x3FFE];
	[sflag:s23] =	ssyncadd.s32 $0xFFFFFFFF  }
0xa5: {  	s26 =	simm.s32 $execute0_lowered;
	[smem:$0x3FD2] =	sst s25  }
0xa6: {  	s5 =	sshll.u32 s26, $0x1;
	_ =	strace $0x80000046;
	[dreg:$0x1] =	wrdreg $0xFFFFFFFF  }
0xa7: {  	s28 =	simm.s32 $_size_execute0_lowered;
	s3 =	sadd.s32 s3, s5;
	[dreg:$0x0] =	wrdreg $0x0  }
0xa8: {  	s5 =	sshll.u32 s28, $0x1;
	[dreg:$0x2] =	wrdreg s3  }
0xa9: {  	[dreg:$0x3] =	wrdreg s5  }
0xaa: {  	[dreg:$0x4] =	wrdreg $0xC0  }
0xab: {  	_ =	task [dreg:s7], $0x5FFFF  }
0xac: {  	[dreg:$0x1] =	wrdreg $0xFFFFFFFF  }
0xad: {  	[dreg:$0x0] =	wrdreg $0x60  }
0xae: {  	[dreg:$0x2] =	wrdreg s2  }
0xaf: {  	[dreg:$0x3] =	wrdreg s24  }
0xb0: {  	[dreg:$0x4] =	wrdreg $0x9  }
0xb1: {  	_ =	task.clear_ibuf [dreg:s7], $0x5FFFF;
	_ =	strace $0x90000046  }
0xb2: {  	s29 =	simm.s32 $0x9;
	_ =	strace $0x80000048  }
0xb3: {  	_ =	swait.ge [sflag:s29], $0x1  }
0xb4: {  	[sflag:s29] =	ssyncadd.s32 $0xFFFFFFFF  }
0xb5: {  	_ =	strace $0x90000048  }
0xb6: {  	_ =	sfence  }
0xb7: {  	s30 =	sld [smem:$0x0];
	_ =	sdelay $0x2  }
0xb8: {  	s31 =	sshll.u32 s1, $0xD;
	s1 =	sshrl.u32 s1, $0x2  }
0xb9: {  	s3 =	sand.u32 $0x4000, s31;
	s1 =	sadd.s32 s1, s30  }
0xba: {  	s0 =	sor.u32 s3, s0;
	s1 =	sshll.u32 s1, $0x11  }
0xbb: {  	s0 =	sor.u32 s1, s0  }
0xbc: {  	s0 =	sadd.s32 $0x8F2B, s0  }
0xbd: {  	[sflag:s0] =	ssyncadd.remote.s32 $0x1  }
0xbe: {  	_ =	sfence.sel $0xFFFF  }
0xbf: {  	[dreg:$0x0] =	wrdreg $0xFFFFFFFF;
	(pc) =	sbr.abs _section_cstart, $3  }
0xc0: {  	[dreg:$0x1] =	wrdreg $0xFFFFFFFF  }
0xc1: {  	_ =	task.clear_ibuf [dreg:s7], $0x2FFFF;
	_ =	strace $0x9FFFFFFF  }
0xc2: {  	(tm) =	ssettm $0x7FFFFFFF  }
0xc3: {  	_ =	shalt  }
tec
execute0_lowered:
.L_overlay_start_1:
0x0: {  	(tag) =	ssettag $0x1  }
0x1: {  	s1 =	rddreg [dreg:$0x0]  }
0x2: {  	s0 =	rddreg [dreg:$0x1]  }
0x3: {  	s2 =	simm.s32 $0x0;
	s3 =	srdreg.scid;
	s8 =	stileid.u32  }
0x4: {  	s28 =	simm.s32 $0x5;
	s31 =	simm.s32 $0x18380;
	s21 =	simm.s32 $0x6  }
0x5: {  	[smem:$0x7FF] =	sst s2;
	s4 =	sadd.s32 $0x600, s0;
	s5 =	sadd.s32 $0x12C00, s0  }
0x6: {  	s3 =	sand.u32 $0x1, s3;
	s7 =	smul.u32 $0x60, s8;
	s6 =	sadd.s32 $0x25200, s0  }
0x7: {  	s9 =	smul.u32 $0xC6, s8;
	s8 =	simm.s32 $0xC6;
	s22 =	ssub.s32 $0x2, s3  }
0x8: {  	_ =	strace $0x80000047;
	p0 =	seq.s32 s3, $0x0;
	s23 =	sshrl.u32 s22, $0x1  }
0x9: {  	s7 =	sadd.s32 $0xC60, s7;
	s8 =	simm.s32 @!p0 $0x60;
	s0 =	ssub.s32 s22, s23  }
0xa: {  	s7 =	smov.u32 @p0 s9;
	s11 =	smul.u32 $0xAB, s8;
	s23 =	simm.s32 $0x4  }
0xb: {  	s9 =	sshll.u32 s7, $0x7;
	s24 =	sshll.u32 s7, $0x4;
	s0 =	smax.u32 s0, $0x1  }
0xc: {  	s18 =	sor.u32 $0x1, s7;
	s19 =	sadd.s32 $0x2, s7;
	s10 =	sadd.s32 s4, s24  }
0xd: {  	s25 =	sadd.s32 s5, s24;
	s26 =	sshrl.u32 s9, $0x3;
	[dreg:$0x9] =	wrdreg s0  }
0xe: {  	s3 =	sor.u32 $0x10, s24;
	s16 =	sshrl.u32 s11, $0x9;
	[dreg:$0x3] =	wrdreg s10  }
0xf: {  	s0 =	simm.s32 $0x3;
	[dreg:$0x4] =	wrdreg s25;
	s12 =	sadd.s32 s4, s3  }
0x10: {  	s10 =	sadd.s32 $0x20, s26;
	s3 =	sadd.s32 s5, s3;
	[dreg:$0x5] =	wrdreg s12  }
0x11: {  	s26 =	simm.s32 $0x2;
	[dreg:$0x6] =	wrdreg s3;
	s29 =	sadd.s32 s4, s10  }
0x12: {  	s25 =	simm.s32 $0x18400;
	s30 =	sadd.s32 s5, s10;
	[dreg:$0x7] =	wrdreg s29  }
0x13: {  	v0 =	vlaneseq.u32;
	s3 =	simm.s32 $0x1;
	s12 =	simm.s32 $0x0;
	[dreg:$0x8] =	wrdreg s30  }
.LBB2_1:
0x14: {  	[dreg:$0xa] =	wrdreg s12  }
0x15: {  	s10 =	rddreg [dreg:$0x3];
	s11 =	simm.s32 $0xA  }
0x16: {  	[tilespmem:s2], [sflag:$0xA] =	stream.linear.gather [hbm4b:s10+s2], $0x80, $0x38;
	[tilespmem:$0x18480] =	vst v63  }
0x17: {  	_ =	swait.ge [sflag:s11], $0x80  }
0x18: {  	[sflag:s11] =	ssyncset.done $0x0  }
0x19: {  	s22 =	simm.s32 $0x180;
	s20 =	rddreg [dreg:$0x4];
	[sflag:s11] =	ssyncadd.s32 $0xFFFFFF80  }
0x1a: {  	[tilespmem:s22], [sflag:$0xA] =	stream.linear.gather [hbm4b:s20+s2], $0x80, $0x38;
	[tilespmem:$0x18480] =	vst v63  }
0x1b: {  	_ =	swait.ge [sflag:s11], $0x80  }
0x1c: {  	[sflag:s11] =	ssyncset.done $0x0  }
0x1d: {  	s13 =	simm.s32 $0x80;
	s24 =	simm.s32 $0x300;
	[sflag:s11] =	ssyncadd.s32 $0xFFFFFF80  }
0x1e: {  	[tilespmem:s24], [sflag:$0x1] =	stream.indirect.gather [hbm4b:s1+s13], $0x80, s2, s13, $0xb8;
	[tilespmem:$0x18480] =	vst v63  }
0x1f: {  	s29 =	simm.s32 $0xC300  }
0x20: {  	[tilespmem:s29], [sflag:$0x4] =	stream.indirect.gather [hbm4b:s1+s13], $0x80, s22, s13, $0xb8;
	[tilespmem:$0x18480] =	vst v63  }
0x21: {  	s30 =	rddreg [dreg:$0x5]  }
0x22: {  	[tilespmem:s13], [sflag:$0xA] =	stream.linear.gather [hbm4b:s30+s2], $0x80, $0x38;
	[tilespmem:$0x18480] =	vst v63  }
0x23: {  	_ =	swait.ge [sflag:s11], $0x80  }
0x24: {  	[sflag:s11] =	ssyncset.done $0x0  }
0x25: {  	s14 =	simm.s32 $0x200;
	s12 =	rddreg [dreg:$0x6];
	[sflag:s11] =	ssyncadd.s32 $0xFFFFFF80  }
0x26: {  	[tilespmem:s14], [sflag:$0xA] =	stream.linear.gather [hbm4b:s12+s2], $0x80, $0x38;
	[tilespmem:$0x18480] =	vst v63  }
0x27: {  	_ =	swait.ge [sflag:s11], $0x80  }
0x28: {  	[sflag:s11] =	ssyncset.done $0x0  }
0x29: {  	s15 =	simm.s32 $0x4300;
	[sflag:s11] =	ssyncadd.s32 $0xFFFFFF80  }
0x2a: {  	[tilespmem:s15], [sflag:$0x2] =	stream.indirect.gather [hbm4b:s1+s13], $0x80, s13, s13, $0xb8;
	[tilespmem:$0x18480] =	vst v63  }
0x2b: {  	s17 =	simm.s32 $0x10300  }
0x2c: {  	[tilespmem:s17], [sflag:$0x5] =	stream.indirect.gather [hbm4b:s1+s13], $0x80, s14, s13, $0xb8;
	[tilespmem:$0x18480] =	vst v63  }
0x2d: {  	s22 =	simm.s32 $0x100;
	s20 =	rddreg [dreg:$0x7]  }
0x2e: {  	[tilespmem:s22], [sflag:$0xA] =	stream.linear.gather [hbm4b:s20+s2], $0x80, $0x38;
	[tilespmem:$0x18480] =	vst v63  }
0x2f: {  	_ =	swait.ge [sflag:s11], $0x80  }
0x30: {  	[sflag:s11] =	ssyncset.done $0x0  }
0x31: {  	s14 =	simm.s32 $0x280;
	s24 =	rddreg [dreg:$0x8];
	[sflag:s11] =	ssyncadd.s32 $0xFFFFFF80  }
0x32: {  	[tilespmem:s14], [sflag:$0xA] =	stream.linear.gather [hbm4b:s24+s2], $0x80, $0x38;
	[tilespmem:$0x18480] =	vst v63  }
0x33: {  	_ =	swait.ge [sflag:s11], $0x80  }
0x34: {  	[sflag:s11] =	ssyncset.done $0x0  }
0x35: {  	s29 =	simm.s32 $0x8300;
	[sflag:s11] =	ssyncadd.s32 $0xFFFFFF80  }
0x36: {  	[tilespmem:s29], [sflag:$0x3] =	stream.indirect.gather [hbm4b:s1+s13], $0x80, s22, s13, $0xb8;
	[tilespmem:$0x18480] =	vst v63  }
0x37: {  	s30 =	simm.s32 $0x14300;
	s12 =	simm.s32 $0x0  }
0x38: {  	[tilespmem:s30], [sflag:$0x6] =	stream.indirect.gather [hbm4b:s1+s13], $0x80, s14, s13, $0xb8;
	[tilespmem:$0x18480] =	vst v63  }
.LBB2_2:
0x39: {  	_ =	swait.ge [sflag:s3], $0x4000  }
0x3a: {  	[sflag:s3] =	ssyncset.done $0x0  }
0x3b: {  	[sflag:s3] =	ssyncadd.s32 $0xFFFFC000  }
0x3c: {  	_ =	swait.ge [sflag:s23], $0x4000  }
0x3d: {  	p0 =	seq.s32 s12, $0x0;
	[sflag:s23] =	ssyncset.done $0x0  }
0x3e: {  	s10 =	simm.s32 @!p0 $0x7;
	[sflag:s23] =	ssyncadd.s32 $0xFFFFC000  }
0x3f: {  	_ =	swait.ge @!p0 [sflag:s10], $0x80  }
0x40: {  	s13 =	smul.u32 $0x3, s12;
	s14 =	simm.s32 $0x0;
	[sflag:s10] =	ssyncset.done @!p0 $0x0  }
0x41: {  	s11 =	simm.s32 $0x400;
	s29 =	simm.s32 $0xC400;
	[sflag:s10] =	ssyncadd.s32 @!p0 $0xFFFFFF80  }
.LBB2_3:
0x42: {  	v3 =	vld [tilespmem:s11+$0x70]  }
0x43: {  	v21 =	vld [tilespmem:s29+$0x70]  }
0x44: {  	v12 =	vld [tilespmem:s11+$0xFFFFFFF0]  }
0x45: {  	v24 =	vld [tilespmem:s29+$0xFFFFFFF0]  }
0x46: {  	v1 =	vld [tilespmem:s11+$0xE0]  }
0x47: {  	v2 =	vld [tilespmem:s11+$0xFFFFFF70]  }
0x48: {  	v30 =	vld [tilespmem:s11+$0x60]  }
0x49: {  	v45 =	vld [tilespmem:s29+$0x60]  }
0x4a: {  	v46 =	vld [tilespmem:s11+$0xFFFFFFE0]  }
0x4b: {  	v47 =	vld [tilespmem:s29+$0xFFFFFFE0]  }
0x4c: {  	v4 =	vld [tilespmem:s11+$0xD0]  }
0x4d: {  	v5 =	vld [tilespmem:s11+$0xFFFFFF60]  }
0x4e: {  	v15 =	vld [tilespmem:s11+$0x50]  }
0x4f: {  	v18 =	vld [tilespmem:s29+$0x50]  }
0x50: {  	v13 =	vld [tilespmem:s11+$0xFFFFFFD0]  }
0x51: {  	v14 =	vld [tilespmem:s29+$0xFFFFFFD0]  }
0x52: {  	v6 =	vld [tilespmem:s11+$0xC0]  }
0x53: {  	v7 =	vld [tilespmem:s11+$0xFFFFFF50]  }
0x54: {  	v17 =	vld [tilespmem:s11+$0x40]  }
0x55: {  	v19 =	vld [tilespmem:s29+$0x40]  }
0x56: {  	v10 =	vld [tilespmem:s11+$0xFFFFFFC0]  }
0x57: {  	v16 =	vld [tilespmem:s29+$0xFFFFFFC0]  }
0x58: {  	v8 =	vld [tilespmem:s11+$0xB0]  }
0x59: {  	v9 =	vld [tilespmem:s11+$0xFFFFFF40]  }
0x5a: {  	v28 =	vld [tilespmem:s11+$0x30]  }
0x5b: {  	v29 =	vld [tilespmem:s29+$0x30]  }
0x5c: {  	v22 =	vld [tilespmem:s11+$0xFFFFFFB0]  }
0x5d: {  	v23 =	vld [tilespmem:s29+$0xFFFFFFB0]  }
0x5e: {  	v11 =	vld [tilespmem:s11+$0xA0]  }
0x5f: {  	v20 =	vld [tilespmem:s11+$0xFFFFFF30]  }
0x60: {  	v33 =	vld [tilespmem:s11+$0x20]  }
0x61: {  	v34 =	vld [tilespmem:s29+$0x20]  }
0x62: {  	v31 =	vld [tilespmem:s11+$0xFFFFFFA0]  }
0x63: {  	v32 =	vld [tilespmem:s29+$0xFFFFFFA0]  }
0x64: {  	v25 =	vld [tilespmem:s11+$0x80]  }
0x65: {  	v26 =	vld [tilespmem:s29+$0x80]  }
0x66: {  	v27 =	vld [tilespmem:s11+$0x90]  }
0x67: {  	v42 =	vld [tilespmem:s11+$0x0]  }
0x68: {  	v43 =	vld [tilespmem:s29+$0x0]  }
0x69: {  	v44 =	vld [tilespmem:s11+$0x10]  }
0x6a: {  	v48 =	vld [tilespmem:s29+$0x10]  }
0x6b: {  	v38 =	vld [tilespmem:s11+$0xFFFFFF80]  }
0x6c: {  	v39 =	vld [tilespmem:s29+$0xFFFFFF80]  }
0x6d: {  	v40 =	vld [tilespmem:s11+$0xFFFFFF90]  }
0x6e: {  	v41 =	vld [tilespmem:s29+$0xFFFFFF90]  }
0x6f: {  	v35 =	vld [tilespmem:s11+$0xFFFFFF00]  }
0x70: {  	v36 =	vld [tilespmem:s29+$0xFFFFFF00];
	v12 =	vmul.f32 v24, v12;
	v21 =	vmul.f32 v21, v3  }
0x71: {  	v37 =	vld [tilespmem:s11+$0xFFFFFF10];
	s22 =	simm.s32 $0x4;
	v43 =	vmul.f32 v43, v42;
	v44 =	vmul.f32 v48, v44  }
0x72: {  	s15 =	smov.u32 s11;
	s17 =	smov.u32 s29;
	s10 =	simm.s32 $0x0;
	v3 =	vimm.f32 $0.0e+00;
	v42 =	vld [tilespmem:s29+$0xFFFFFF10];
	v24 =	vmul.f32 v47, v46;
	v30 =	vmul.f32 v45, v30  }
.LBB2_4:
0x73: {  	p1 =	sne.s32 s22, $0xC;
	v45 =	vld [tilespmem:s15+$0xFFFFFF20];
	v43 =	vadd.f32 v44, v43;
	v33 =	vmul.f32 v34, v33;
	v15 =	vmul.f32 v18, v15  }
0x74: {  	v34 =	vmul.f32 v39, v38;
	v38 =	vmul.f32 v41, v40;
	v18 =	vld [tilespmem:s17+$0xFFFFFF20]  }
0x75: {  	v13 =	vmul.f32 v14, v13;
	v28 =	vmul.f32 v29, v28;
	v14 =	vadd.f32 v33, v43;
	v29 =	vld [tilespmem:s17+$0x90]  }
0x76: {  	v31 =	vmul.f32 v32, v31;
	v17 =	vmul.f32 v19, v17;
	v34 =	vadd.f32 v38, v34;
	v33 =	vld [tilespmem:s17+$0xFFFFFF30]  }
0x77: {  	v19 =	vmul.f32 v36, v35;
	v32 =	vmul.f32 v42, v37;
	v14 =	vadd.f32 v28, v14;
	v28 =	vld [tilespmem:s17+$0xA0]  }
0x78: {  	v22 =	vmul.f32 v23, v22;
	v10 =	vmul.f32 v16, v10;
	v31 =	vadd.f32 v31, v34;
	v35 =	vld [tilespmem:s17+$0xFFFFFF40]  }
0x79: {  	v16 =	vadd.f32 v32, v19;
	v18 =	vmul.f32 v18, v45;
	v14 =	vadd.f32 v17, v14;
	v17 =	vld [tilespmem:s17+$0xB0]  }
0x7a: {  	v23 =	vmul.f32 v26, v25;
	v22 =	vadd.f32 v22, v31;
	v19 =	vld [tilespmem:s17+$0xFFFFFF50];
	v25 =	vmul.f32 v29, v27  }
0x7b: {  	v16 =	vadd.f32 v18, v16;
	v18 =	vmul.f32 v33, v20;
	v14 =	vadd.f32 v15, v14;
	v15 =	vld [tilespmem:s17+$0xC0]  }
0x7c: {  	v10 =	vadd.f32 v10, v22;
	v20 =	vld [tilespmem:s17+$0xFFFFFF60];
	v22 =	vadd.f32 v25, v23;
	v11 =	vmul.f32 v28, v11  }
0x7d: {  	v16 =	vadd.f32 v18, v16;
	v9 =	vmul.f32 v35, v9;
	v14 =	vadd.f32 v30, v14;
	v18 =	vld [tilespmem:s17+$0xD0]  }
0x7e: {  	v10 =	vadd.f32 v13, v10;
	v23 =	vld [tilespmem:s17+$0xFFFFFF70];
	v11 =	vadd.f32 v11, v22;
	v8 =	vmul.f32 v17, v8  }
0x7f: {  	v9 =	vadd.f32 v9, v16;
	v7 =	vmul.f32 v19, v7;
	v13 =	vadd.f32 v21, v14;
	v14 =	vld [tilespmem:s17+$0xE0]  }
0x80: {  	v10 =	vadd.f32 v24, v10;
	v8 =	vadd.f32 v8, v11;
	v6 =	vmul.f32 v15, v6;
	v11 =	vld [tilespmem:s15+$0xF0]  }
0x81: {  	s15 =	sadd.s32 $0x200, s15;
	v7 =	vadd.f32 v7, v9;
	v5 =	vmul.f32 v20, v5;
	v9 =	vld [tilespmem:s17+$0xF0];
	(xrf2) =	vadd.scan.msk.f32 $0xffff, v13  }
0x82: {  	v10 =	vadd.f32 v12, v10;
	s17 =	sadd.s32 $0x200, s17;
	v21 =	vld [tilespmem:s15+$0x70];
	v6 =	vadd.f32 v6, v8;
	v4 =	vmul.f32 v18, v4  }
0x83: {  	v24 =	vld [tilespmem:s17+$0x70];
	v5 =	vadd.f32 v5, v7;
	v2 =	vmul.f32 v23, v2  }
0x84: {  	v12 =	vld [tilespmem:s15+$0xFFFFFFF0];
	v4 =	vadd.f32 v4, v6;
	v6 =	vmul.f32 v14, v1;
	(xrf2) =	vadd.scan.msk.f32 $0xffff, v10  }
0x85: {  	v30 =	vld [tilespmem:s17+$0xFFFFFFF0];
	v5 =	vadd.f32 v2, v5  }
0x86: {  	v1 =	vld [tilespmem:s15+$0xE0];
	v4 =	vadd.f32 v6, v4;
	v6 =	vmul.f32 v9, v11  }
0x87: {  	v2 =	vld [tilespmem:s15+$0xFFFFFF70];
	(xrf2) =	vadd.scan.msk.f32 $0xffff, v5  }
0x88: {  	v45 =	vld [tilespmem:s15+$0x60];
	v4 =	vadd.f32 v6, v4  }
0x89: {  	v46 =	vld [tilespmem:s17+$0x60]  }
0x8a: {  	v47 =	vld [tilespmem:s15+$0xFFFFFFE0];
	(xrf2) =	vadd.scan.msk.f32 $0xffff, v4  }
0x8b: {  	v48 =	vld [tilespmem:s17+$0xFFFFFFE0];
	v8, _, _ =	vpop (xrf2)  }
0x8c: {  	v4 =	vld [tilespmem:s15+$0xD0]  }
0x8d: {  	v5 =	vld [tilespmem:s15+$0xFFFFFF60]  }
0x8e: {  	v15 =	vld [tilespmem:s15+$0x50];
	v9, _, _ =	vpop (xrf2)  }
0x8f: {  	v18 =	vld [tilespmem:s17+$0x50]  }
0x90: {  	v13 =	vld [tilespmem:s15+$0xFFFFFFD0]  }
0x91: {  	s30 =	sadd.s32 $0x2, s10;
	s20 =	sadd.s32 $0x3, s10;
	v10 =	vmov s10;
	v14 =	vld [tilespmem:s17+$0xFFFFFFD0];
	v7, _, _ =	vpop (xrf2)  }
0x92: {  	s24 =	sadd.s32 $0x1, s10;
	v16 =	vmov s30;
	v20 =	vmov s20;
	s10 =	smov.u32 s22;
	v6 =	vld [tilespmem:s15+$0xC0];
	v11 =	vbroadcast v7, $0xF  }
0x93: {  	v19 =	vmov s24;
	vm0 =	veq.s32 v10, v0;
	v9 =	vbroadcast v9, $0xF;
	v7 =	vld [tilespmem:s15+$0xFFFFFF50]  }
0x94: {  	v8 =	vbroadcast v8, $0xF;
	v17 =	vld [tilespmem:s15+$0x40];
	v3 =	vsel vm0, v11, v3;
	vm0 =	veq.s32 v19, v0;
	v10, _, _ =	vpop (xrf2)  }
0x95: {  	v19 =	vld [tilespmem:s17+$0x40];
	v3 =	vsel vm0, v9, v3;
	vm0 =	veq.s32 v16, v0;
	v9 =	vbroadcast v10, $0xF  }
0x96: {  	v10 =	vld [tilespmem:s15+$0xFFFFFFC0];
	v3 =	vsel vm0, v8, v3;
	vm0 =	veq.s32 v20, v0  }
0x97: {  	v16 =	vld [tilespmem:s17+$0xFFFFFFC0];
	v3 =	vsel vm0, v9, v3  }
0x98: {  	v8 =	vld [tilespmem:s15+$0xB0]  }
0x99: {  	v9 =	vld [tilespmem:s15+$0xFFFFFF40]  }
0x9a: {  	v28 =	vld [tilespmem:s15+$0x30]  }
0x9b: {  	v29 =	vld [tilespmem:s17+$0x30]  }
0x9c: {  	v22 =	vld [tilespmem:s15+$0xFFFFFFB0]  }
0x9d: {  	v23 =	vld [tilespmem:s17+$0xFFFFFFB0]  }
0x9e: {  	v11 =	vld [tilespmem:s15+$0xA0]  }
0x9f: {  	v20 =	vld [tilespmem:s15+$0xFFFFFF30]  }
0xa0: {  	v33 =	vld [tilespmem:s15+$0x20]  }
0xa1: {  	v34 =	vld [tilespmem:s17+$0x20]  }
0xa2: {  	v31 =	vld [tilespmem:s15+$0xFFFFFFA0]  }
0xa3: {  	v32 =	vld [tilespmem:s17+$0xFFFFFFA0]  }
0xa4: {  	v25 =	vld [tilespmem:s15+$0x80]  }
0xa5: {  	v26 =	vld [tilespmem:s17+$0x80]  }
0xa6: {  	v27 =	vld [tilespmem:s15+$0x90]  }
0xa7: {  	v42 =	vld [tilespmem:s15+$0x0]  }
0xa8: {  	v43 =	vld [tilespmem:s17+$0x0]  }
0xa9: {  	v44 =	vld [tilespmem:s15+$0x10]  }
0xaa: {  	v49 =	vld [tilespmem:s17+$0x10]  }
0xab: {  	v38 =	vld [tilespmem:s15+$0xFFFFFF80]  }
0xac: {  	v39 =	vld [tilespmem:s17+$0xFFFFFF80]  }
0xad: {  	v40 =	vld [tilespmem:s15+$0xFFFFFF90]  }
.Ltmp0:
0xae: {  	v41 =	vld [tilespmem:s17+$0xFFFFFF90];
	(pc) =	sbr.rel @p1 .LBB2_4-.Ltmp0, $4  }
0xaf: {  	v35 =	vld [tilespmem:s15+$0xFFFFFF00]  }
0xb0: {  	v21 =	vmul.f32 v24, v21;
	v12 =	vmul.f32 v30, v12;
	v36 =	vld [tilespmem:s17+$0xFFFFFF00]  }
0xb1: {  	v43 =	vmul.f32 v43, v42;
	v44 =	vmul.f32 v49, v44;
	v37 =	vld [tilespmem:s15+$0xFFFFFF10]  }
0xb2: {  	s22 =	sadd.s32 $0x4, s22;
	v30 =	vmul.f32 v46, v45;
	v24 =	vmul.f32 v48, v47;
	v42 =	vld [tilespmem:s17+$0xFFFFFF10]  }
0xb3: {  	v45 =	vld [tilespmem:s15+$0xFFFFFF20];
	v33 =	vmul.f32 v34, v33;
	v15 =	vmul.f32 v18, v15  }
0xb4: {  	v54 =	vld [tilespmem:s17+$0xFFFFFF20];
	v55 =	vmul.f32 v39, v38;
	v56 =	vmul.f32 v41, v40  }
0xb5: {  	v57 =	vld [tilespmem:s17+$0x90];
	v13 =	vmul.f32 v14, v13;
	v28 =	vmul.f32 v29, v28  }
0xb6: {  	v59 =	vld [tilespmem:s17+$0xFFFFFF30];
	v31 =	vmul.f32 v32, v31;
	v17 =	vmul.f32 v19, v17  }
0xb7: {  	v43 =	vadd.f32 v44, v43;
	v63 =	vld [tilespmem:s17+$0xA0];
	v61 =	vmul.f32 v36, v35;
	v62 =	vmul.f32 v42, v37  }
0xb8: {  	v40 =	vld [tilespmem:s17+$0xFFFFFF40];
	v22 =	vmul.f32 v23, v22;
	v25 =	vmul.f32 v26, v25;
	v60 =	vadd.f32 v56, v55  }
0xb9: {  	v58 =	vadd.f32 v33, v43;
	v42 =	vld [tilespmem:s17+$0xB0];
	v18 =	vmul.f32 v54, v45;
	v41 =	vadd.f32 v62, v61  }
0xba: {  	v10 =	vmul.f32 v16, v10;
	v43 =	vld [tilespmem:s17+$0xFFFFFF50];
	v31 =	vadd.f32 v31, v60;
	v44 =	vmul.f32 v57, v27  }
0xbb: {  	v47 =	vld [tilespmem:s17+$0xC0];
	v14 =	vadd.f32 v28, v58;
	v46 =	vmul.f32 v59, v20;
	v45 =	vadd.f32 v18, v41  }
0xbc: {  	v48 =	vld [tilespmem:s17+$0xFFFFFF60];
	v11 =	vmul.f32 v63, v11;
	v22 =	vadd.f32 v22, v31;
	v25 =	vadd.f32 v44, v25  }
0xbd: {  	v49 =	vld [tilespmem:s17+$0xD0];
	v9 =	vmul.f32 v40, v9;
	v14 =	vadd.f32 v17, v14;
	v16 =	vadd.f32 v46, v45  }
0xbe: {  	v50 =	vld [tilespmem:s17+$0xFFFFFF70];
	v10 =	vadd.f32 v10, v22;
	v11 =	vadd.f32 v11, v25;
	v8 =	vmul.f32 v42, v8  }
0xbf: {  	v51 =	vld [tilespmem:s17+$0xE0];
	v7 =	vmul.f32 v43, v7;
	v14 =	vadd.f32 v15, v14;
	v9 =	vadd.f32 v9, v16  }
0xc0: {  	v52 =	vld [tilespmem:s15+$0xF0];
	v6 =	vmul.f32 v47, v6;
	v10 =	vadd.f32 v13, v10;
	v8 =	vadd.f32 v8, v11  }
0xc1: {  	v5 =	vmul.f32 v48, v5;
	v54 =	vld [tilespmem:s17+$0xF0];
	v53 =	vadd.f32 v30, v14;
	v7 =	vadd.f32 v7, v9  }
0xc2: {  	v4 =	vmul.f32 v49, v4;
	v10 =	vadd.f32 v24, v10;
	v6 =	vadd.f32 v6, v8  }
0xc3: {  	v2 =	vmul.f32 v50, v2;
	v55 =	vadd.f32 v21, v53;
	v5 =	vadd.f32 v5, v7  }
0xc4: {  	v1 =	vmul.f32 v51, v1;
	v56 =	vadd.f32 v12, v10;
	v4 =	vadd.f32 v4, v6  }
0xc5: {  	(xrf2) =	vadd.scan.msk.f32 $0xffff, v55;
	v2 =	vadd.f32 v2, v5  }
0xc6: {  	v57 =	vmul.f32 v54, v52;
	(xrf2) =	vadd.scan.msk.f32 $0xffff, v56;
	v1 =	vadd.f32 v1, v4  }
0xc7: {  	(xrf2) =	vadd.scan.msk.f32 $0xffff, v2  }
0xc8: {  	v1 =	vadd.f32 v57, v1;
	_ =	sdelay $0x1  }
0xc9: {  	(xrf2) =	vadd.scan.msk.f32 $0xffff, v1;
	_ =	sdelay $0x4  }
0xca: {  	v1, _, _ =	vpop (xrf2)  }
0xcb: {  	v2, _, _ =	vpop (xrf2)  }
0xcc: {  	s20 =	sadd.s32 $0x2, s10;
	v58 =	vmov s10;
	v59, _, _ =	vpop (xrf2)  }
0xcd: {  	s24 =	sadd.s32 $0x1, s10;
	s30 =	sshll.u32 s14, $0x4;
	s14 =	sadd.s32 $0x1, s14;
	v60 =	vmov s20;
	vm0 =	veq.s32 v58, v0;
	v5 =	vbroadcast v59, $0xF  }
0xce: {  	p1 =	sne.s32 s14, $0x8;
	vm14 =	veq.s32 v60, v0;
	v62 =	vmov s24;
	v2 =	vbroadcast v2, $0xF  }
.Ltmp1:
0xcf: {  	s22 =	sadd.s32 $0x3, s10;
	vm13 =	veq.s32 v62, v0;
	v1 =	vbroadcast v1, $0xF;
	v63, _, _ =	vpop (xrf2);
	v3 =	vsel vm0, v5, v3;
	(pc) =	sbr.rel @p1 .LBB2_3-.Ltmp1, $4  }
0xd0: {  	v61 =	vmov s22;
	v2 =	vsel vm13, v2, v3;
	v3 =	vbroadcast v63, $0xF  }
0xd1: {  	vm15 =	veq.s32 v61, v0;
	v1 =	vsel vm14, v1, v2  }
0xd2: {  	s10 =	sand.u32 $0x3FFFFFF0, s30;
	v1 =	vsel vm15, v3, v1  }
0xd3: {  	s11 =	sadd.s32 $0x800, s11;
	s29 =	sadd.s32 $0x800, s29;
	[tilespmem:s10+$0x18300] =	vst v1  }
0xd4: {  	s10 =	smul.u32 $0x180, s12;
	_ =	sdelay $0x1  }
0xd5: {  	s10 =	sadd.s32 s9, s10  }
0xd6: {  	s10 =	sshrl.u32 s10, $0x3  }
0xd7: {  	s11 =	simm.s32 $0x18300;
	s10 =	sadd.s32 s6, s10  }
0xd8: {  	[hbm4b:s10+s2] =	stream.linear.scatter [tilespmem:s11], [sflag:$0x7], $0x80, $0x38;
	[tilespmem:$0x18480] =	vst v63  }
0xd9: {  	s10 =	sadd.s32 $0x3, s13  }
0xda: {  	p1 =	sge.u32 s10, s8  }
0xdb: {  	s10 =	sadd.s32 @!p1 s7, s10  }
0xdc: {  	s10 =	sshll.u32 @!p1 s10, $0x4  }
0xdd: {  	s14 =	simm.s32 @!p1 $0x0;
	s11 =	sadd.s32 @!p1 s4, s10  }
0xde: {  	[tilespmem:s14], [sflag:$0xA] =	stream.linear.gather @!p1 [hbm4b:s11+s14], $0x80, $0x38;
	[tilespmem:$0x18480] =	vst v63  }
0xdf: {  	s11 =	simm.s32 @!p1 $0xA  }
0xe0: {  	_ =	swait.ge @!p1 [sflag:s11], $0x80  }
0xe1: {  	[sflag:s11] =	ssyncset.done @!p1 $0x0  }
0xe2: {  	s15 =	simm.s32 @!p1 $0x180;
	s10 =	sadd.s32 @!p1 s5, s10;
	[sflag:s11] =	ssyncadd.s32 @!p1 $0xFFFFFF80  }
0xe3: {  	[tilespmem:s15], [sflag:$0xA] =	stream.linear.gather @!p1 [hbm4b:s10+s14], $0x80, $0x38;
	[tilespmem:$0x18480] =	vst v63  }
0xe4: {  	_ =	swait.ge @!p1 [sflag:s11], $0x80  }
0xe5: {  	[sflag:s11] =	ssyncset.done @!p1 $0x0  }
0xe6: {  	s10 =	simm.s32 @!p1 $0x80;
	[sflag:s11] =	ssyncadd.s32 @!p1 $0xFFFFFF80;
	s11 =	simm.s32 @!p1 $0x300  }
0xe7: {  	[tilespmem:s11], [sflag:$0x1] =	stream.indirect.gather @!p1 [hbm4b:s1+s10], $0x80, s14, s10, $0xb8;
	[tilespmem:$0x18480] =	vst v63  }
0xe8: {  	s11 =	simm.s32 @!p1 $0xC300  }
0xe9: {  	[tilespmem:s11], [sflag:$0x4] =	stream.indirect.gather @!p1 [hbm4b:s1+s10], $0x80, s15, s10, $0xb8;
	[tilespmem:$0x18480] =	vst v63  }
0xea: {  	_ =	swait.ge [sflag:s26], $0x4000  }
0xeb: {  	[sflag:s26] =	ssyncset.done $0x0  }
0xec: {  	[sflag:s26] =	ssyncadd.s32 $0xFFFFC000  }
0xed: {  	_ =	swait.ge [sflag:s28], $0x4000  }
0xee: {  	[sflag:s28] =	ssyncset.done $0x0  }
0xef: {  	s10 =	simm.s32 @!p0 $0x8;
	[sflag:s28] =	ssyncadd.s32 $0xFFFFC000  }
0xf0: {  	_ =	swait.ge @!p0 [sflag:s10], $0x80  }
0xf1: {  	s17 =	simm.s32 $0x10400;
	[sflag:s10] =	ssyncset.done @!p0 $0x0  }
0xf2: {  	s14 =	simm.s32 $0x0;
	s15 =	simm.s32 $0x4400;
	[sflag:s10] =	ssyncadd.s32 @!p0 $0xFFFFFF80  }
.LBB2_7:
0xf3: {  	v3 =	vld [tilespmem:s15+$0x70]  }
0xf4: {  	v21 =	vld [tilespmem:s17+$0x70]  }
0xf5: {  	v12 =	vld [tilespmem:s15+$0xFFFFFFF0]  }
0xf6: {  	v24 =	vld [tilespmem:s17+$0xFFFFFFF0]  }
0xf7: {  	v1 =	vld [tilespmem:s15+$0xE0]  }
0xf8: {  	v2 =	vld [tilespmem:s15+$0xFFFFFF70]  }
0xf9: {  	v30 =	vld [tilespmem:s15+$0x60]  }
0xfa: {  	v45 =	vld [tilespmem:s17+$0x60]  }
0xfb: {  	v46 =	vld [tilespmem:s15+$0xFFFFFFE0]  }
0xfc: {  	v47 =	vld [tilespmem:s17+$0xFFFFFFE0]  }
0xfd: {  	v4 =	vld [tilespmem:s15+$0xD0]  }
0xfe: {  	v5 =	vld [tilespmem:s15+$0xFFFFFF60]  }
0xff: {  	v15 =	vld [tilespmem:s15+$0x50]  }
0x100: {  	v18 =	vld [tilespmem:s17+$0x50]  }
0x101: {  	v13 =	vld [tilespmem:s15+$0xFFFFFFD0]  }
0x102: {  	v14 =	vld [tilespmem:s17+$0xFFFFFFD0]  }
0x103: {  	v6 =	vld [tilespmem:s15+$0xC0]  }
0x104: {  	v7 =	vld [tilespmem:s15+$0xFFFFFF50]  }
0x105: {  	v17 =	vld [tilespmem:s15+$0x40]  }
0x106: {  	v19 =	vld [tilespmem:s17+$0x40]  }
0x107: {  	v10 =	vld [tilespmem:s15+$0xFFFFFFC0]  }
0x108: {  	v16 =	vld [tilespmem:s17+$0xFFFFFFC0]  }
0x109: {  	v8 =	vld [tilespmem:s15+$0xB0]  }
0x10a: {  	v9 =	vld [tilespmem:s15+$0xFFFFFF40]  }
0x10b: {  	v28 =	vld [tilespmem:s15+$0x30]  }
0x10c: {  	v29 =	vld [tilespmem:s17+$0x30]  }
0x10d: {  	v22 =	vld [tilespmem:s15+$0xFFFFFFB0]  }
0x10e: {  	v23 =	vld [tilespmem:s17+$0xFFFFFFB0]  }
0x10f: {  	v11 =	vld [tilespmem:s15+$0xA0]  }
0x110: {  	v20 =	vld [tilespmem:s15+$0xFFFFFF30]  }
0x111: {  	v33 =	vld [tilespmem:s15+$0x20]  }
0x112: {  	v34 =	vld [tilespmem:s17+$0x20]  }
0x113: {  	v31 =	vld [tilespmem:s15+$0xFFFFFFA0]  }
0x114: {  	v32 =	vld [tilespmem:s17+$0xFFFFFFA0]  }
0x115: {  	v25 =	vld [tilespmem:s15+$0x80]  }
0x116: {  	v26 =	vld [tilespmem:s17+$0x80]  }
0x117: {  	v27 =	vld [tilespmem:s15+$0x90]  }
0x118: {  	v42 =	vld [tilespmem:s15+$0x0]  }
0x119: {  	v43 =	vld [tilespmem:s17+$0x0]  }
0x11a: {  	v44 =	vld [tilespmem:s15+$0x10]  }
0x11b: {  	v48 =	vld [tilespmem:s17+$0x10]  }
0x11c: {  	v38 =	vld [tilespmem:s15+$0xFFFFFF80]  }
0x11d: {  	v39 =	vld [tilespmem:s17+$0xFFFFFF80]  }
0x11e: {  	v40 =	vld [tilespmem:s15+$0xFFFFFF90]  }
0x11f: {  	v41 =	vld [tilespmem:s17+$0xFFFFFF90]  }
0x120: {  	v35 =	vld [tilespmem:s15+$0xFFFFFF00]  }
0x121: {  	v36 =	vld [tilespmem:s17+$0xFFFFFF00];
	v12 =	vmul.f32 v24, v12;
	v21 =	vmul.f32 v21, v3  }
0x122: {  	v37 =	vld [tilespmem:s15+$0xFFFFFF10];
	s22 =	simm.s32 $0x4;
	v43 =	vmul.f32 v43, v42;
	v44 =	vmul.f32 v48, v44  }
0x123: {  	s11 =	smov.u32 s15;
	s29 =	smov.u32 s17;
	s10 =	simm.s32 $0x0;
	v3 =	vimm.f32 $0.0e+00;
	v42 =	vld [tilespmem:s17+$0xFFFFFF10];
	v24 =	vmul.f32 v47, v46;
	v30 =	vmul.f32 v45, v30  }
.LBB2_8:
0x124: {  	p1 =	sne.s32 s22, $0xC;
	v45 =	vld [tilespmem:s11+$0xFFFFFF20];
	v43 =	vadd.f32 v44, v43;
	v33 =	vmul.f32 v34, v33;
	v15 =	vmul.f32 v18, v15  }
0x125: {  	v34 =	vmul.f32 v39, v38;
	v38 =	vmul.f32 v41, v40;
	v18 =	vld [tilespmem:s29+$0xFFFFFF20]  }
0x126: {  	v13 =	vmul.f32 v14, v13;
	v28 =	vmul.f32 v29, v28;
	v14 =	vadd.f32 v33, v43;
	v29 =	vld [tilespmem:s29+$0x90]  }
0x127: {  	v31 =	vmul.f32 v32, v31;
	v17 =	vmul.f32 v19, v17;
	v34 =	vadd.f32 v38, v34;
	v33 =	vld [tilespmem:s29+$0xFFFFFF30]  }
0x128: {  	v19 =	vmul.f32 v36, v35;
	v32 =	vmul.f32 v42, v37;
	v14 =	vadd.f32 v28, v14;
	v28 =	vld [tilespmem:s29+$0xA0]  }
0x129: {  	v22 =	vmul.f32 v23, v22;
	v10 =	vmul.f32 v16, v10;
	v31 =	vadd.f32 v31, v34;
	v35 =	vld [tilespmem:s29+$0xFFFFFF40]  }
0x12a: {  	v16 =	vadd.f32 v32, v19;
	v18 =	vmul.f32 v18, v45;
	v14 =	vadd.f32 v17, v14;
	v17 =	vld [tilespmem:s29+$0xB0]  }
0x12b: {  	v23 =	vmul.f32 v26, v25;
	v22 =	vadd.f32 v22, v31;
	v19 =	vld [tilespmem:s29+$0xFFFFFF50];
	v25 =	vmul.f32 v29, v27  }
0x12c: {  	v16 =	vadd.f32 v18, v16;
	v18 =	vmul.f32 v33, v20;
	v14 =	vadd.f32 v15, v14;
	v15 =	vld [tilespmem:s29+$0xC0]  }
0x12d: {  	v10 =	vadd.f32 v10, v22;
	v20 =	vld [tilespmem:s29+$0xFFFFFF60];
	v22 =	vadd.f32 v25, v23;
	v11 =	vmul.f32 v28, v11  }
0x12e: {  	v16 =	vadd.f32 v18, v16;
	v9 =	vmul.f32 v35, v9;
	v14 =	vadd.f32 v30, v14;
	v18 =	vld [tilespmem:s29+$0xD0]  }
0x12f: {  	v10 =	vadd.f32 v13, v10;
	v23 =	vld [tilespmem:s29+$0xFFFFFF70];
	v11 =	vadd.f32 v11, v22;
	v8 =	vmul.f32 v17, v8  }
0x130: {  	v9 =	vadd.f32 v9, v16;
	v7 =	vmul.f32 v19, v7;
	v13 =	vadd.f32 v21, v14;
	v14 =	vld [tilespmem:s29+$0xE0]  }
0x131: {  	v10 =	vadd.f32 v24, v10;
	v8 =	vadd.f32 v8, v11;
	v6 =	vmul.f32 v15, v6;
	v11 =	vld [tilespmem:s11+$0xF0]  }
0x132: {  	s11 =	sadd.s32 $0x200, s11;
	v7 =	vadd.f32 v7, v9;
	v5 =	vmul.f32 v20, v5;
	v9 =	vld [tilespmem:s29+$0xF0];
	(xrf2) =	vadd.scan.msk.f32 $0xffff, v13  }
0x133: {  	v10 =	vadd.f32 v12, v10;
	s29 =	sadd.s32 $0x200, s29;
	v21 =	vld [tilespmem:s11+$0x70];
	v6 =	vadd.f32 v6, v8;
	v4 =	vmul.f32 v18, v4  }
0x134: {  	v24 =	vld [tilespmem:s29+$0x70];
	v5 =	vadd.f32 v5, v7;
	v2 =	vmul.f32 v23, v2  }
0x135: {  	v12 =	vld [tilespmem:s11+$0xFFFFFFF0];
	v4 =	vadd.f32 v4, v6;
	v6 =	vmul.f32 v14, v1;
	(xrf2) =	vadd.scan.msk.f32 $0xffff, v10  }
0x136: {  	v30 =	vld [tilespmem:s29+$0xFFFFFFF0];
	v5 =	vadd.f32 v2, v5  }
0x137: {  	v1 =	vld [tilespmem:s11+$0xE0];
	v4 =	vadd.f32 v6, v4;
	v6 =	vmul.f32 v9, v11  }
0x138: {  	v2 =	vld [tilespmem:s11+$0xFFFFFF70];
	(xrf2) =	vadd.scan.msk.f32 $0xffff, v5  }
0x139: {  	v45 =	vld [tilespmem:s11+$0x60];
	v4 =	vadd.f32 v6, v4  }
0x13a: {  	v46 =	vld [tilespmem:s29+$0x60]  }
0x13b: {  	v47 =	vld [tilespmem:s11+$0xFFFFFFE0];
	(xrf2) =	vadd.scan.msk.f32 $0xffff, v4  }
0x13c: {  	v48 =	vld [tilespmem:s29+$0xFFFFFFE0];
	v8, _, _ =	vpop (xrf2)  }
0x13d: {  	v4 =	vld [tilespmem:s11+$0xD0]  }
0x13e: {  	v5 =	vld [tilespmem:s11+$0xFFFFFF60]  }
0x13f: {  	v15 =	vld [tilespmem:s11+$0x50];
	v9, _, _ =	vpop (xrf2)  }
0x140: {  	v18 =	vld [tilespmem:s29+$0x50]  }
0x141: {  	v13 =	vld [tilespmem:s11+$0xFFFFFFD0]  }
0x142: {  	s20 =	sadd.s32 $0x2, s10;
	s24 =	sadd.s32 $0x3, s10;
	v10 =	vmov s10;
	v14 =	vld [tilespmem:s29+$0xFFFFFFD0];
	v7, _, _ =	vpop (xrf2)  }
0x143: {  	s30 =	sadd.s32 $0x1, s10;
	v16 =	vmov s20;
	v20 =	vmov s24;
	s10 =	smov.u32 s22;
	v6 =	vld [tilespmem:s11+$0xC0];
	v11 =	vbroadcast v7, $0xF  }
0x144: {  	v19 =	vmov s30;
	vm0 =	veq.s32 v10, v0;
	v9 =	vbroadcast v9, $0xF;
	v7 =	vld [tilespmem:s11+$0xFFFFFF50]  }
0x145: {  	v8 =	vbroadcast v8, $0xF;
	v17 =	vld [tilespmem:s11+$0x40];
	v3 =	vsel vm0, v11, v3;
	vm0 =	veq.s32 v19, v0;
	v10, _, _ =	vpop (xrf2)  }
0x146: {  	v19 =	vld [tilespmem:s29+$0x40];
	v3 =	vsel vm0, v9, v3;
	vm0 =	veq.s32 v16, v0;
	v9 =	vbroadcast v10, $0xF  }
0x147: {  	v10 =	vld [tilespmem:s11+$0xFFFFFFC0];
	v3 =	vsel vm0, v8, v3;
	vm0 =	veq.s32 v20, v0  }
0x148: {  	v16 =	vld [tilespmem:s29+$0xFFFFFFC0];
	v3 =	vsel vm0, v9, v3  }
0x149: {  	v8 =	vld [tilespmem:s11+$0xB0]  }
0x14a: {  	v9 =	vld [tilespmem:s11+$0xFFFFFF40]  }
0x14b: {  	v28 =	vld [tilespmem:s11+$0x30]  }
0x14c: {  	v29 =	vld [tilespmem:s29+$0x30]  }
0x14d: {  	v22 =	vld [tilespmem:s11+$0xFFFFFFB0]  }
0x14e: {  	v23 =	vld [tilespmem:s29+$0xFFFFFFB0]  }
0x14f: {  	v11 =	vld [tilespmem:s11+$0xA0]  }
0x150: {  	v20 =	vld [tilespmem:s11+$0xFFFFFF30]  }
0x151: {  	v33 =	vld [tilespmem:s11+$0x20]  }
0x152: {  	v34 =	vld [tilespmem:s29+$0x20]  }
0x153: {  	v31 =	vld [tilespmem:s11+$0xFFFFFFA0]  }
0x154: {  	v32 =	vld [tilespmem:s29+$0xFFFFFFA0]  }
0x155: {  	v25 =	vld [tilespmem:s11+$0x80]  }
0x156: {  	v26 =	vld [tilespmem:s29+$0x80]  }
0x157: {  	v27 =	vld [tilespmem:s11+$0x90]  }
0x158: {  	v42 =	vld [tilespmem:s11+$0x0]  }
0x159: {  	v43 =	vld [tilespmem:s29+$0x0]  }
0x15a: {  	v44 =	vld [tilespmem:s11+$0x10]  }
0x15b: {  	v49 =	vld [tilespmem:s29+$0x10]  }
0x15c: {  	v38 =	vld [tilespmem:s11+$0xFFFFFF80]  }
0x15d: {  	v39 =	vld [tilespmem:s29+$0xFFFFFF80]  }
0x15e: {  	v40 =	vld [tilespmem:s11+$0xFFFFFF90]  }
.Ltmp2:
0x15f: {  	v41 =	vld [tilespmem:s29+$0xFFFFFF90];
	(pc) =	sbr.rel @p1 .LBB2_8-.Ltmp2, $4  }
0x160: {  	v35 =	vld [tilespmem:s11+$0xFFFFFF00]  }
0x161: {  	v21 =	vmul.f32 v24, v21;
	v12 =	vmul.f32 v30, v12;
	v36 =	vld [tilespmem:s29+$0xFFFFFF00]  }
0x162: {  	v43 =	vmul.f32 v43, v42;
	v44 =	vmul.f32 v49, v44;
	v37 =	vld [tilespmem:s11+$0xFFFFFF10]  }
0x163: {  	s22 =	sadd.s32 $0x4, s22;
	v30 =	vmul.f32 v46, v45;
	v24 =	vmul.f32 v48, v47;
	v42 =	vld [tilespmem:s29+$0xFFFFFF10]  }
0x164: {  	v45 =	vld [tilespmem:s11+$0xFFFFFF20];
	v33 =	vmul.f32 v34, v33;
	v15 =	vmul.f32 v18, v15  }
0x165: {  	v54 =	vld [tilespmem:s29+$0xFFFFFF20];
	v55 =	vmul.f32 v39, v38;
	v56 =	vmul.f32 v41, v40  }
0x166: {  	v57 =	vld [tilespmem:s29+$0x90];
	v13 =	vmul.f32 v14, v13;
	v28 =	vmul.f32 v29, v28  }
0x167: {  	v59 =	vld [tilespmem:s29+$0xFFFFFF30];
	v31 =	vmul.f32 v32, v31;
	v17 =	vmul.f32 v19, v17  }
0x168: {  	v43 =	vadd.f32 v44, v43;
	v63 =	vld [tilespmem:s29+$0xA0];
	v61 =	vmul.f32 v36, v35;
	v62 =	vmul.f32 v42, v37  }
0x169: {  	v40 =	vld [tilespmem:s29+$0xFFFFFF40];
	v22 =	vmul.f32 v23, v22;
	v25 =	vmul.f32 v26, v25;
	v60 =	vadd.f32 v56, v55  }
0x16a: {  	v58 =	vadd.f32 v33, v43;
	v42 =	vld [tilespmem:s29+$0xB0];
	v18 =	vmul.f32 v54, v45;
	v41 =	vadd.f32 v62, v61  }
0x16b: {  	v10 =	vmul.f32 v16, v10;
	v43 =	vld [tilespmem:s29+$0xFFFFFF50];
	v31 =	vadd.f32 v31, v60;
	v44 =	vmul.f32 v57, v27  }
0x16c: {  	v47 =	vld [tilespmem:s29+$0xC0];
	v14 =	vadd.f32 v28, v58;
	v46 =	vmul.f32 v59, v20;
	v45 =	vadd.f32 v18, v41  }
0x16d: {  	v48 =	vld [tilespmem:s29+$0xFFFFFF60];
	v11 =	vmul.f32 v63, v11;
	v22 =	vadd.f32 v22, v31;
	v25 =	vadd.f32 v44, v25  }
0x16e: {  	v49 =	vld [tilespmem:s29+$0xD0];
	v9 =	vmul.f32 v40, v9;
	v14 =	vadd.f32 v17, v14;
	v16 =	vadd.f32 v46, v45  }
0x16f: {  	v50 =	vld [tilespmem:s29+$0xFFFFFF70];
	v10 =	vadd.f32 v10, v22;
	v11 =	vadd.f32 v11, v25;
	v8 =	vmul.f32 v42, v8  }
0x170: {  	v51 =	vld [tilespmem:s29+$0xE0];
	v7 =	vmul.f32 v43, v7;
	v14 =	vadd.f32 v15, v14;
	v9 =	vadd.f32 v9, v16  }
0x171: {  	v52 =	vld [tilespmem:s11+$0xF0];
	v6 =	vmul.f32 v47, v6;
	v10 =	vadd.f32 v13, v10;
	v8 =	vadd.f32 v8, v11  }
0x172: {  	v5 =	vmul.f32 v48, v5;
	v54 =	vld [tilespmem:s29+$0xF0];
	v53 =	vadd.f32 v30, v14;
	v7 =	vadd.f32 v7, v9  }
0x173: {  	v4 =	vmul.f32 v49, v4;
	v10 =	vadd.f32 v24, v10;
	v6 =	vadd.f32 v6, v8  }
0x174: {  	v2 =	vmul.f32 v50, v2;
	v55 =	vadd.f32 v21, v53;
	v5 =	vadd.f32 v5, v7  }
0x175: {  	v1 =	vmul.f32 v51, v1;
	v56 =	vadd.f32 v12, v10;
	v4 =	vadd.f32 v4, v6  }
0x176: {  	(xrf2) =	vadd.scan.msk.f32 $0xffff, v55;
	v2 =	vadd.f32 v2, v5  }
0x177: {  	v57 =	vmul.f32 v54, v52;
	(xrf2) =	vadd.scan.msk.f32 $0xffff, v56;
	v1 =	vadd.f32 v1, v4  }
0x178: {  	(xrf2) =	vadd.scan.msk.f32 $0xffff, v2  }
0x179: {  	v1 =	vadd.f32 v57, v1;
	_ =	sdelay $0x1  }
0x17a: {  	(xrf2) =	vadd.scan.msk.f32 $0xffff, v1;
	_ =	sdelay $0x4  }
0x17b: {  	v1, _, _ =	vpop (xrf2)  }
0x17c: {  	v2, _, _ =	vpop (xrf2)  }
0x17d: {  	s24 =	sadd.s32 $0x2, s10;
	v58 =	vmov s10;
	v59, _, _ =	vpop (xrf2)  }
0x17e: {  	s30 =	sshll.u32 s14, $0x4;
	s14 =	sadd.s32 $0x1, s14;
	v60 =	vmov s24;
	s29 =	sadd.s32 $0x1, s10;
	vm0 =	veq.s32 v58, v0;
	v5 =	vbroadcast v59, $0xF  }
0x17f: {  	p1 =	sne.s32 s14, $0x8;
	vm14 =	veq.s32 v60, v0;
	v62 =	vmov s29;
	v2 =	vbroadcast v2, $0xF  }
.Ltmp3:
0x180: {  	s20 =	sadd.s32 $0x3, s10;
	vm13 =	veq.s32 v62, v0;
	v1 =	vbroadcast v1, $0xF;
	v63, _, _ =	vpop (xrf2);
	v3 =	vsel vm0, v5, v3;
	(pc) =	sbr.rel @p1 .LBB2_7-.Ltmp3, $4  }
0x181: {  	v61 =	vmov s20;
	v2 =	vsel vm13, v2, v3;
	v3 =	vbroadcast v63, $0xF  }
0x182: {  	vm15 =	veq.s32 v61, v0;
	v1 =	vsel vm14, v1, v2  }
0x183: {  	s10 =	sand.u32 $0x3FFFFFF0, s30;
	v1 =	vsel vm15, v3, v1  }
0x184: {  	s15 =	sadd.s32 $0x800, s15;
	s17 =	sadd.s32 $0x800, s17;
	[tilespmem:s10+$0x18380] =	vst v1  }
0x185: {  	s10 =	sadd.s32 s18, s13  }
0x186: {  	s10 =	sshll.u32 s10, $0x4  }
0x187: {  	s10 =	sadd.s32 s6, s10  }
0x188: {  	[hbm4b:s10+s2] =	stream.linear.scatter [tilespmem:s31], [sflag:$0x8], $0x80, $0x38;
	[tilespmem:$0x18480] =	vst v63  }
0x189: {  	s10 =	sadd.s32 $0x4, s13  }
0x18a: {  	p1 =	sge.u32 s10, s8  }
0x18b: {  	s10 =	sadd.s32 @!p1 s7, s10  }
0x18c: {  	s10 =	sshll.u32 @!p1 s10, $0x4  }
0x18d: {  	s14 =	simm.s32 @!p1 $0x0;
	s15 =	simm.s32 @!p1 $0x80;
	s11 =	sadd.s32 @!p1 s4, s10  }
0x18e: {  	[tilespmem:s15], [sflag:$0xA] =	stream.linear.gather @!p1 [hbm4b:s11+s14], $0x80, $0x38;
	[tilespmem:$0x18480] =	vst v63  }
0x18f: {  	s11 =	simm.s32 @!p1 $0xA  }
0x190: {  	_ =	swait.ge @!p1 [sflag:s11], $0x80  }
0x191: {  	[sflag:s11] =	ssyncset.done @!p1 $0x0  }
0x192: {  	s17 =	simm.s32 @!p1 $0x200;
	s10 =	sadd.s32 @!p1 s5, s10;
	[sflag:s11] =	ssyncadd.s32 @!p1 $0xFFFFFF80  }
0x193: {  	[tilespmem:s17], [sflag:$0xA] =	stream.linear.gather @!p1 [hbm4b:s10+s14], $0x80, $0x38;
	[tilespmem:$0x18480] =	vst v63  }
0x194: {  	_ =	swait.ge @!p1 [sflag:s11], $0x80  }
0x195: {  	[sflag:s11] =	ssyncset.done @!p1 $0x0  }
0x196: {  	s10 =	simm.s32 @!p1 $0x4300;
	[sflag:s11] =	ssyncadd.s32 @!p1 $0xFFFFFF80  }
0x197: {  	[tilespmem:s10], [sflag:$0x2] =	stream.indirect.gather @!p1 [hbm4b:s1+s15], $0x80, s15, s15, $0xb8;
	[tilespmem:$0x18480] =	vst v63  }
0x198: {  	s10 =	simm.s32 @!p1 $0x10300  }
0x199: {  	[tilespmem:s10], [sflag:$0x5] =	stream.indirect.gather @!p1 [hbm4b:s1+s15], $0x80, s17, s15, $0xb8;
	[tilespmem:$0x18480] =	vst v63  }
0x19a: {  	_ =	swait.ge [sflag:s0], $0x4000  }
0x19b: {  	[sflag:s0] =	ssyncset.done $0x0  }
0x19c: {  	[sflag:s0] =	ssyncadd.s32 $0xFFFFC000  }
0x19d: {  	_ =	swait.ge [sflag:s21], $0x4000  }
0x19e: {  	[sflag:s21] =	ssyncset.done $0x0  }
0x19f: {  	s10 =	simm.s32 @!p0 $0x9;
	[sflag:s21] =	ssyncadd.s32 $0xFFFFC000  }
0x1a0: {  	_ =	swait.ge @!p0 [sflag:s10], $0x80  }
0x1a1: {  	s14 =	simm.s32 $0x0;
	[sflag:s10] =	ssyncset.done @!p0 $0x0  }
0x1a2: {  	s15 =	simm.s32 $0x8400;
	s17 =	simm.s32 $0x14400;
	[sflag:s10] =	ssyncadd.s32 @!p0 $0xFFFFFF80  }
.LBB2_11:
0x1a3: {  	v3 =	vld [tilespmem:s15+$0x70]  }
0x1a4: {  	v21 =	vld [tilespmem:s17+$0x70]  }
0x1a5: {  	v12 =	vld [tilespmem:s15+$0xFFFFFFF0]  }
0x1a6: {  	v24 =	vld [tilespmem:s17+$0xFFFFFFF0]  }
0x1a7: {  	v1 =	vld [tilespmem:s15+$0xE0]  }
0x1a8: {  	v2 =	vld [tilespmem:s15+$0xFFFFFF70]  }
0x1a9: {  	v30 =	vld [tilespmem:s15+$0x60]  }
0x1aa: {  	v45 =	vld [tilespmem:s17+$0x60]  }
0x1ab: {  	v46 =	vld [tilespmem:s15+$0xFFFFFFE0]  }
0x1ac: {  	v47 =	vld [tilespmem:s17+$0xFFFFFFE0]  }
0x1ad: {  	v4 =	vld [tilespmem:s15+$0xD0]  }
0x1ae: {  	v5 =	vld [tilespmem:s15+$0xFFFFFF60]  }
0x1af: {  	v15 =	vld [tilespmem:s15+$0x50]  }
0x1b0: {  	v18 =	vld [tilespmem:s17+$0x50]  }
0x1b1: {  	v13 =	vld [tilespmem:s15+$0xFFFFFFD0]  }
0x1b2: {  	v14 =	vld [tilespmem:s17+$0xFFFFFFD0]  }
0x1b3: {  	v6 =	vld [tilespmem:s15+$0xC0]  }
0x1b4: {  	v7 =	vld [tilespmem:s15+$0xFFFFFF50]  }
0x1b5: {  	v17 =	vld [tilespmem:s15+$0x40]  }
0x1b6: {  	v19 =	vld [tilespmem:s17+$0x40]  }
0x1b7: {  	v10 =	vld [tilespmem:s15+$0xFFFFFFC0]  }
0x1b8: {  	v16 =	vld [tilespmem:s17+$0xFFFFFFC0]  }
0x1b9: {  	v8 =	vld [tilespmem:s15+$0xB0]  }
0x1ba: {  	v9 =	vld [tilespmem:s15+$0xFFFFFF40]  }
0x1bb: {  	v28 =	vld [tilespmem:s15+$0x30]  }
0x1bc: {  	v29 =	vld [tilespmem:s17+$0x30]  }
0x1bd: {  	v22 =	vld [tilespmem:s15+$0xFFFFFFB0]  }
0x1be: {  	v23 =	vld [tilespmem:s17+$0xFFFFFFB0]  }
0x1bf: {  	v11 =	vld [tilespmem:s15+$0xA0]  }
0x1c0: {  	v20 =	vld [tilespmem:s15+$0xFFFFFF30]  }
0x1c1: {  	v33 =	vld [tilespmem:s15+$0x20]  }
0x1c2: {  	v34 =	vld [tilespmem:s17+$0x20]  }
0x1c3: {  	v31 =	vld [tilespmem:s15+$0xFFFFFFA0]  }
0x1c4: {  	v32 =	vld [tilespmem:s17+$0xFFFFFFA0]  }
0x1c5: {  	v25 =	vld [tilespmem:s15+$0x80]  }
0x1c6: {  	v26 =	vld [tilespmem:s17+$0x80]  }
0x1c7: {  	v27 =	vld [tilespmem:s15+$0x90]  }
0x1c8: {  	v42 =	vld [tilespmem:s15+$0x0]  }
0x1c9: {  	v43 =	vld [tilespmem:s17+$0x0]  }
0x1ca: {  	v44 =	vld [tilespmem:s15+$0x10]  }
0x1cb: {  	v48 =	vld [tilespmem:s17+$0x10]  }
0x1cc: {  	v38 =	vld [tilespmem:s15+$0xFFFFFF80]  }
0x1cd: {  	v39 =	vld [tilespmem:s17+$0xFFFFFF80]  }
0x1ce: {  	v40 =	vld [tilespmem:s15+$0xFFFFFF90]  }
0x1cf: {  	v41 =	vld [tilespmem:s17+$0xFFFFFF90]  }
0x1d0: {  	v35 =	vld [tilespmem:s15+$0xFFFFFF00]  }
0x1d1: {  	v36 =	vld [tilespmem:s17+$0xFFFFFF00];
	v12 =	vmul.f32 v24, v12;
	v21 =	vmul.f32 v21, v3  }
0x1d2: {  	v37 =	vld [tilespmem:s15+$0xFFFFFF10];
	s22 =	simm.s32 $0x4;
	v43 =	vmul.f32 v43, v42;
	v44 =	vmul.f32 v48, v44  }
0x1d3: {  	s11 =	smov.u32 s15;
	s29 =	smov.u32 s17;
	s10 =	simm.s32 $0x0;
	v3 =	vimm.f32 $0.0e+00;
	v42 =	vld [tilespmem:s17+$0xFFFFFF10];
	v24 =	vmul.f32 v47, v46;
	v30 =	vmul.f32 v45, v30  }
.LBB2_12:
0x1d4: {  	p0 =	sne.s32 s22, $0xC;
	v45 =	vld [tilespmem:s11+$0xFFFFFF20];
	v43 =	vadd.f32 v44, v43;
	v33 =	vmul.f32 v34, v33;
	v15 =	vmul.f32 v18, v15  }
0x1d5: {  	v34 =	vmul.f32 v39, v38;
	v38 =	vmul.f32 v41, v40;
	v18 =	vld [tilespmem:s29+$0xFFFFFF20]  }
0x1d6: {  	v13 =	vmul.f32 v14, v13;
	v28 =	vmul.f32 v29, v28;
	v14 =	vadd.f32 v33, v43;
	v29 =	vld [tilespmem:s29+$0x90]  }
0x1d7: {  	v31 =	vmul.f32 v32, v31;
	v17 =	vmul.f32 v19, v17;
	v34 =	vadd.f32 v38, v34;
	v33 =	vld [tilespmem:s29+$0xFFFFFF30]  }
0x1d8: {  	v19 =	vmul.f32 v36, v35;
	v32 =	vmul.f32 v42, v37;
	v14 =	vadd.f32 v28, v14;
	v28 =	vld [tilespmem:s29+$0xA0]  }
0x1d9: {  	v22 =	vmul.f32 v23, v22;
	v10 =	vmul.f32 v16, v10;
	v31 =	vadd.f32 v31, v34;
	v35 =	vld [tilespmem:s29+$0xFFFFFF40]  }
0x1da: {  	v16 =	vadd.f32 v32, v19;
	v18 =	vmul.f32 v18, v45;
	v14 =	vadd.f32 v17, v14;
	v17 =	vld [tilespmem:s29+$0xB0]  }
0x1db: {  	v23 =	vmul.f32 v26, v25;
	v22 =	vadd.f32 v22, v31;
	v19 =	vld [tilespmem:s29+$0xFFFFFF50];
	v25 =	vmul.f32 v29, v27  }
0x1dc: {  	v16 =	vadd.f32 v18, v16;
	v18 =	vmul.f32 v33, v20;
	v14 =	vadd.f32 v15, v14;
	v15 =	vld [tilespmem:s29+$0xC0]  }
0x1dd: {  	v10 =	vadd.f32 v10, v22;
	v20 =	vld [tilespmem:s29+$0xFFFFFF60];
	v22 =	vadd.f32 v25, v23;
	v11 =	vmul.f32 v28, v11  }
0x1de: {  	v16 =	vadd.f32 v18, v16;
	v9 =	vmul.f32 v35, v9;
	v14 =	vadd.f32 v30, v14;
	v18 =	vld [tilespmem:s29+$0xD0]  }
0x1df: {  	v10 =	vadd.f32 v13, v10;
	v23 =	vld [tilespmem:s29+$0xFFFFFF70];
	v11 =	vadd.f32 v11, v22;
	v8 =	vmul.f32 v17, v8  }
0x1e0: {  	v9 =	vadd.f32 v9, v16;
	v7 =	vmul.f32 v19, v7;
	v13 =	vadd.f32 v21, v14;
	v14 =	vld [tilespmem:s29+$0xE0]  }
0x1e1: {  	v10 =	vadd.f32 v24, v10;
	v8 =	vadd.f32 v8, v11;
	v6 =	vmul.f32 v15, v6;
	v11 =	vld [tilespmem:s11+$0xF0]  }
0x1e2: {  	s11 =	sadd.s32 $0x200, s11;
	v7 =	vadd.f32 v7, v9;
	v5 =	vmul.f32 v20, v5;
	v9 =	vld [tilespmem:s29+$0xF0];
	(xrf2) =	vadd.scan.msk.f32 $0xffff, v13  }
0x1e3: {  	v10 =	vadd.f32 v12, v10;
	s29 =	sadd.s32 $0x200, s29;
	v21 =	vld [tilespmem:s11+$0x70];
	v6 =	vadd.f32 v6, v8;
	v4 =	vmul.f32 v18, v4  }
0x1e4: {  	v24 =	vld [tilespmem:s29+$0x70];
	v5 =	vadd.f32 v5, v7;
	v2 =	vmul.f32 v23, v2  }
0x1e5: {  	v12 =	vld [tilespmem:s11+$0xFFFFFFF0];
	v4 =	vadd.f32 v4, v6;
	v6 =	vmul.f32 v14, v1;
	(xrf2) =	vadd.scan.msk.f32 $0xffff, v10  }
0x1e6: {  	v30 =	vld [tilespmem:s29+$0xFFFFFFF0];
	v5 =	vadd.f32 v2, v5  }
0x1e7: {  	v1 =	vld [tilespmem:s11+$0xE0];
	v4 =	vadd.f32 v6, v4;
	v6 =	vmul.f32 v9, v11  }
0x1e8: {  	v2 =	vld [tilespmem:s11+$0xFFFFFF70];
	(xrf2) =	vadd.scan.msk.f32 $0xffff, v5  }
0x1e9: {  	v45 =	vld [tilespmem:s11+$0x60];
	v4 =	vadd.f32 v6, v4  }
0x1ea: {  	v46 =	vld [tilespmem:s29+$0x60]  }
0x1eb: {  	v47 =	vld [tilespmem:s11+$0xFFFFFFE0];
	(xrf2) =	vadd.scan.msk.f32 $0xffff, v4  }
0x1ec: {  	v48 =	vld [tilespmem:s29+$0xFFFFFFE0];
	v8, _, _ =	vpop (xrf2)  }
0x1ed: {  	v4 =	vld [tilespmem:s11+$0xD0]  }
0x1ee: {  	v5 =	vld [tilespmem:s11+$0xFFFFFF60]  }
0x1ef: {  	v15 =	vld [tilespmem:s11+$0x50];
	v9, _, _ =	vpop (xrf2)  }
0x1f0: {  	v18 =	vld [tilespmem:s29+$0x50]  }
0x1f1: {  	v13 =	vld [tilespmem:s11+$0xFFFFFFD0]  }
0x1f2: {  	s20 =	sadd.s32 $0x2, s10;
	s24 =	sadd.s32 $0x3, s10;
	v10 =	vmov s10;
	v14 =	vld [tilespmem:s29+$0xFFFFFFD0];
	v7, _, _ =	vpop (xrf2)  }
0x1f3: {  	s30 =	sadd.s32 $0x1, s10;
	v16 =	vmov s20;
	v20 =	vmov s24;
	s10 =	smov.u32 s22;
	v6 =	vld [tilespmem:s11+$0xC0];
	v11 =	vbroadcast v7, $0xF  }
0x1f4: {  	v19 =	vmov s30;
	vm0 =	veq.s32 v10, v0;
	v9 =	vbroadcast v9, $0xF;
	v7 =	vld [tilespmem:s11+$0xFFFFFF50]  }
0x1f5: {  	v8 =	vbroadcast v8, $0xF;
	v17 =	vld [tilespmem:s11+$0x40];
	v3 =	vsel vm0, v11, v3;
	vm0 =	veq.s32 v19, v0;
	v10, _, _ =	vpop (xrf2)  }
0x1f6: {  	v19 =	vld [tilespmem:s29+$0x40];
	v3 =	vsel vm0, v9, v3;
	vm0 =	veq.s32 v16, v0;
	v9 =	vbroadcast v10, $0xF  }
0x1f7: {  	v10 =	vld [tilespmem:s11+$0xFFFFFFC0];
	v3 =	vsel vm0, v8, v3;
	vm0 =	veq.s32 v20, v0  }
0x1f8: {  	v16 =	vld [tilespmem:s29+$0xFFFFFFC0];
	v3 =	vsel vm0, v9, v3  }
0x1f9: {  	v8 =	vld [tilespmem:s11+$0xB0]  }
0x1fa: {  	v9 =	vld [tilespmem:s11+$0xFFFFFF40]  }
0x1fb: {  	v28 =	vld [tilespmem:s11+$0x30]  }
0x1fc: {  	v29 =	vld [tilespmem:s29+$0x30]  }
0x1fd: {  	v22 =	vld [tilespmem:s11+$0xFFFFFFB0]  }
0x1fe: {  	v23 =	vld [tilespmem:s29+$0xFFFFFFB0]  }
0x1ff: {  	v11 =	vld [tilespmem:s11+$0xA0]  }
0x200: {  	v20 =	vld [tilespmem:s11+$0xFFFFFF30]  }
0x201: {  	v33 =	vld [tilespmem:s11+$0x20]  }
0x202: {  	v34 =	vld [tilespmem:s29+$0x20]  }
0x203: {  	v31 =	vld [tilespmem:s11+$0xFFFFFFA0]  }
0x204: {  	v32 =	vld [tilespmem:s29+$0xFFFFFFA0]  }
0x205: {  	v25 =	vld [tilespmem:s11+$0x80]  }
0x206: {  	v26 =	vld [tilespmem:s29+$0x80]  }
0x207: {  	v27 =	vld [tilespmem:s11+$0x90]  }
0x208: {  	v42 =	vld [tilespmem:s11+$0x0]  }
0x209: {  	v43 =	vld [tilespmem:s29+$0x0]  }
0x20a: {  	v44 =	vld [tilespmem:s11+$0x10]  }
0x20b: {  	v49 =	vld [tilespmem:s29+$0x10]  }
0x20c: {  	v38 =	vld [tilespmem:s11+$0xFFFFFF80]  }
0x20d: {  	v39 =	vld [tilespmem:s29+$0xFFFFFF80]  }
0x20e: {  	v40 =	vld [tilespmem:s11+$0xFFFFFF90]  }
.Ltmp4:
0x20f: {  	v41 =	vld [tilespmem:s29+$0xFFFFFF90];
	(pc) =	sbr.rel @p0 .LBB2_12-.Ltmp4, $4  }
0x210: {  	v35 =	vld [tilespmem:s11+$0xFFFFFF00]  }
0x211: {  	v21 =	vmul.f32 v24, v21;
	v12 =	vmul.f32 v30, v12;
	v36 =	vld [tilespmem:s29+$0xFFFFFF00]  }
0x212: {  	v43 =	vmul.f32 v43, v42;
	v44 =	vmul.f32 v49, v44;
	v37 =	vld [tilespmem:s11+$0xFFFFFF10]  }
0x213: {  	s22 =	sadd.s32 $0x4, s22;
	v30 =	vmul.f32 v46, v45;
	v24 =	vmul.f32 v48, v47;
	v42 =	vld [tilespmem:s29+$0xFFFFFF10]  }
0x214: {  	v45 =	vld [tilespmem:s11+$0xFFFFFF20];
	v33 =	vmul.f32 v34, v33;
	v15 =	vmul.f32 v18, v15  }
0x215: {  	v54 =	vld [tilespmem:s29+$0xFFFFFF20];
	v55 =	vmul.f32 v39, v38;
	v56 =	vmul.f32 v41, v40  }
0x216: {  	v57 =	vld [tilespmem:s29+$0x90];
	v13 =	vmul.f32 v14, v13;
	v28 =	vmul.f32 v29, v28  }
0x217: {  	v59 =	vld [tilespmem:s29+$0xFFFFFF30];
	v31 =	vmul.f32 v32, v31;
	v17 =	vmul.f32 v19, v17  }
0x218: {  	v43 =	vadd.f32 v44, v43;
	v63 =	vld [tilespmem:s29+$0xA0];
	v61 =	vmul.f32 v36, v35;
	v62 =	vmul.f32 v42, v37  }
0x219: {  	v40 =	vld [tilespmem:s29+$0xFFFFFF40];
	v22 =	vmul.f32 v23, v22;
	v25 =	vmul.f32 v26, v25;
	v60 =	vadd.f32 v56, v55  }
0x21a: {  	v58 =	vadd.f32 v33, v43;
	v42 =	vld [tilespmem:s29+$0xB0];
	v18 =	vmul.f32 v54, v45;
	v41 =	vadd.f32 v62, v61  }
0x21b: {  	v10 =	vmul.f32 v16, v10;
	v43 =	vld [tilespmem:s29+$0xFFFFFF50];
	v31 =	vadd.f32 v31, v60;
	v44 =	vmul.f32 v57, v27  }
0x21c: {  	v47 =	vld [tilespmem:s29+$0xC0];
	v14 =	vadd.f32 v28, v58;
	v46 =	vmul.f32 v59, v20;
	v45 =	vadd.f32 v18, v41  }
0x21d: {  	v48 =	vld [tilespmem:s29+$0xFFFFFF60];
	v11 =	vmul.f32 v63, v11;
	v22 =	vadd.f32 v22, v31;
	v25 =	vadd.f32 v44, v25  }
0x21e: {  	v49 =	vld [tilespmem:s29+$0xD0];
	v9 =	vmul.f32 v40, v9;
	v14 =	vadd.f32 v17, v14;
	v16 =	vadd.f32 v46, v45  }
0x21f: {  	v50 =	vld [tilespmem:s29+$0xFFFFFF70];
	v10 =	vadd.f32 v10, v22;
	v11 =	vadd.f32 v11, v25;
	v8 =	vmul.f32 v42, v8  }
0x220: {  	v51 =	vld [tilespmem:s29+$0xE0];
	v7 =	vmul.f32 v43, v7;
	v14 =	vadd.f32 v15, v14;
	v9 =	vadd.f32 v9, v16  }
0x221: {  	v52 =	vld [tilespmem:s11+$0xF0];
	v6 =	vmul.f32 v47, v6;
	v10 =	vadd.f32 v13, v10;
	v8 =	vadd.f32 v8, v11  }
0x222: {  	v5 =	vmul.f32 v48, v5;
	v54 =	vld [tilespmem:s29+$0xF0];
	v53 =	vadd.f32 v30, v14;
	v7 =	vadd.f32 v7, v9  }
0x223: {  	v4 =	vmul.f32 v49, v4;
	v10 =	vadd.f32 v24, v10;
	v6 =	vadd.f32 v6, v8  }
0x224: {  	v2 =	vmul.f32 v50, v2;
	v55 =	vadd.f32 v21, v53;
	v5 =	vadd.f32 v5, v7  }
0x225: {  	v1 =	vmul.f32 v51, v1;
	v56 =	vadd.f32 v12, v10;
	v4 =	vadd.f32 v4, v6  }
0x226: {  	(xrf2) =	vadd.scan.msk.f32 $0xffff, v55;
	v2 =	vadd.f32 v2, v5  }
0x227: {  	v57 =	vmul.f32 v54, v52;
	(xrf2) =	vadd.scan.msk.f32 $0xffff, v56;
	v1 =	vadd.f32 v1, v4  }
0x228: {  	(xrf2) =	vadd.scan.msk.f32 $0xffff, v2  }
0x229: {  	v1 =	vadd.f32 v57, v1;
	_ =	sdelay $0x1  }
0x22a: {  	(xrf2) =	vadd.scan.msk.f32 $0xffff, v1;
	_ =	sdelay $0x4  }
0x22b: {  	v1, _, _ =	vpop (xrf2)  }
0x22c: {  	v2, _, _ =	vpop (xrf2)  }
0x22d: {  	s24 =	sadd.s32 $0x2, s10;
	v58 =	vmov s10;
	v59, _, _ =	vpop (xrf2)  }
0x22e: {  	s30 =	sshll.u32 s14, $0x4;
	s14 =	sadd.s32 $0x1, s14;
	v60 =	vmov s24;
	s29 =	sadd.s32 $0x1, s10;
	vm0 =	veq.s32 v58, v0;
	v5 =	vbroadcast v59, $0xF  }
0x22f: {  	p0 =	sne.s32 s14, $0x8;
	vm14 =	veq.s32 v60, v0;
	v62 =	vmov s29;
	v2 =	vbroadcast v2, $0xF  }
.Ltmp5:
0x230: {  	s20 =	sadd.s32 $0x3, s10;
	vm13 =	veq.s32 v62, v0;
	v1 =	vbroadcast v1, $0xF;
	v63, _, _ =	vpop (xrf2);
	v3 =	vsel vm0, v5, v3;
	(pc) =	sbr.rel @p0 .LBB2_11-.Ltmp5, $4  }
0x231: {  	v61 =	vmov s20;
	v2 =	vsel vm13, v2, v3;
	v3 =	vbroadcast v63, $0xF  }
0x232: {  	vm15 =	veq.s32 v61, v0;
	v1 =	vsel vm14, v1, v2  }
0x233: {  	s10 =	sand.u32 $0x3FFFFFF0, s30;
	v1 =	vsel vm15, v3, v1  }
0x234: {  	s15 =	sadd.s32 $0x800, s15;
	s17 =	sadd.s32 $0x800, s17;
	[tilespmem:s10+$0x18400] =	vst v1  }
0x235: {  	s10 =	sadd.s32 s19, s13  }
0x236: {  	s10 =	sshll.u32 s10, $0x4  }
0x237: {  	s10 =	sadd.s32 s6, s10  }
0x238: {  	[hbm4b:s10+s2] =	stream.linear.scatter [tilespmem:s25], [sflag:$0x9], $0x80, $0x38;
	[tilespmem:$0x18480] =	vst v63  }
0x239: {  	s10 =	sadd.s32 $0x5, s13  }
0x23a: {  	p0 =	sge.u32 s10, s8  }
0x23b: {  	s10 =	sadd.s32 @!p0 s7, s10  }
0x23c: {  	s10 =	sshll.u32 @!p0 s10, $0x4  }
0x23d: {  	s13 =	simm.s32 @!p0 $0x0;
	s14 =	simm.s32 @!p0 $0x100;
	s11 =	sadd.s32 @!p0 s4, s10  }
0x23e: {  	[tilespmem:s14], [sflag:$0xA] =	stream.linear.gather @!p0 [hbm4b:s11+s13], $0x80, $0x38;
	[tilespmem:$0x18480] =	vst v63  }
0x23f: {  	s11 =	simm.s32 @!p0 $0xA  }
0x240: {  	_ =	swait.ge @!p0 [sflag:s11], $0x80  }
0x241: {  	[sflag:s11] =	ssyncset.done @!p0 $0x0  }
0x242: {  	s15 =	simm.s32 @!p0 $0x280;
	s10 =	sadd.s32 @!p0 s5, s10;
	[sflag:s11] =	ssyncadd.s32 @!p0 $0xFFFFFF80  }
0x243: {  	[tilespmem:s15], [sflag:$0xA] =	stream.linear.gather @!p0 [hbm4b:s10+s13], $0x80, $0x38;
	[tilespmem:$0x18480] =	vst v63  }
0x244: {  	_ =	swait.ge @!p0 [sflag:s11], $0x80  }
0x245: {  	[sflag:s11] =	ssyncset.done @!p0 $0x0  }
0x246: {  	s10 =	simm.s32 @!p0 $0x80;
	[sflag:s11] =	ssyncadd.s32 @!p0 $0xFFFFFF80;
	s11 =	simm.s32 @!p0 $0x8300  }
0x247: {  	[tilespmem:s11], [sflag:$0x3] =	stream.indirect.gather @!p0 [hbm4b:s1+s10], $0x80, s14, s10, $0xb8;
	[tilespmem:$0x18480] =	vst v63  }
0x248: {  	s12 =	sadd.s32 $0x1, s12;
	s11 =	simm.s32 @!p0 $0x14300  }
0x249: {  	[tilespmem:s11], [sflag:$0x6] =	stream.indirect.gather @!p0 [hbm4b:s1+s10], $0x80, s15, s10, $0xb8;
	[tilespmem:$0x18480] =	vst v63  }
0x24a: {  	p0 =	sne.s32 s12, s16  }
.Ltmp6:
0x24b: {  	_ = 	snop;
	(pc) =	sbr.rel @p0 .LBB2_2-.Ltmp6, $1  }
0x24c: {  	_ =	sdelay $0x3  }
0x24d: {  	s10 =	simm.s32 $0x7  }
0x24e: {  	_ =	swait.ge [sflag:s10], $0x80  }
0x24f: {  	[sflag:s10] =	ssyncset.done $0x0  }
0x250: {  	s29 =	simm.s32 $0x8;
	[sflag:s10] =	ssyncadd.s32 $0xFFFFFF80  }
0x251: {  	_ =	swait.ge [sflag:s29], $0x80  }
0x252: {  	[sflag:s29] =	ssyncset.done $0x0  }
0x253: {  	s11 =	simm.s32 $0x9;
	[sflag:s29] =	ssyncadd.s32 $0xFFFFFF80  }
0x254: {  	_ =	swait.ge [sflag:s11], $0x80  }
0x255: {  	s12 =	rddreg [dreg:$0xa]  }
0x256: {  	s30 =	rddreg [dreg:$0x9];
	s12 =	sadd.s32 $0x1, s12  }
0x257: {  	p0 =	sne.s32 s12, s30  }
.Ltmp7:
0x258: {  	_ = 	snop;
	(pc) =	sbr.rel @p0 .LBB2_1-.Ltmp7, $3  }
0x259: {  	_ =	sdelay $0x1  }
0x25a: {  	[sflag:s11] =	ssyncset.done $0x0  }
0x25b: {  	[sflag:s11] =	ssyncadd.s32 $0xFFFFFF80  }
0x25c: {  	_ =	sfence.sel $0x180000  }
0x25d: {  	[bflag:$0x0] =	sbarrier.arrive $0xFFFF  }
0x25e: {  	_ =	strace $0x90000047  }
0x25f: {  	s0 =	stileid.u32;
	[bflag:$0x2] =	sbarrier.arrive $0xFFFF  }
0x260: {  	p0 =	sne.s32 s0, $0x0;
	s0 =	rddreg [dreg:$0x2]  }
0x261: {  	s0 =	sadd.s32 @!p0 $0x100000, s0  }
0x262: {  	[sflag:s0] =	ssyncadd.tile.s32 @!p0 $0x1;
	_ =	shalt  }
.Lfunc_end2:
_tile_overlayer_lowered:
.L_overlay_start_2:
0x263: {  	(tag) =	ssettag $0x2  }
0x264: {  	s0 =	rddreg [dreg:$0x0];
	s2 =	stileid.u32  }
0x265: {  	s1 =	rddreg [dreg:$0x1];
	p0 =	sne.s32 s2, $0x0  }
0x266: {  	s3 =	rddreg [dreg:$0x2];
	[bflag:$0x3] =	sbarrier.arrive $0xFFFF;
	s2 =	simm.s32 @!p0 $0x1C0A  }
0x267: {  	[timem:s3], [sflag:s2] =	dma.local @!p0 [hbm:s0], s1  }
0x268: {  	s0 =	simm.s32 @!p0 $0xA  }
0x269: {  	_ =	swait.ge @!p0 [sflag:s0], s1  }
0x26a: {  	s1 =	ssub.s32 @!p0 $0x0, s1;
	[sflag:s0] =	ssyncset.done @!p0 $0x0  }
0x26b: {  	[sflag:s0] =	ssyncadd.s32 @!p0 s1  }
0x26c: {  	[bflag:$0x3] =	sbarrier.arrive $0xFFFF  }
0x26d: {  	_ =	shalt  }

</sc_bundles>
